<compile_context>
chip_gen: v7x
topology: tpu7x:2x2x1
jax: 0.10.2.dev20260603
libtpu: 0.0.44.dev20260713+nightly
codegen_flags: <defaults>
</compile_context>

<pallas_src>
import functools

import jax
import jax.numpy as jnp
from jax import lax
from jax.experimental import pallas as pl
from jax.experimental.pallas import tpu as pltpu
from jax.experimental.pallas import tpu_sc as plsc

N = 10000
E = 320000
DH = 128
DOUT = 64
EPS = 1e-5

NCORE = 2
NSUB = 16
NW = NCORE * NSUB
CHUNK = 128
NBUF = 2
EPT = 10240
EPAD = EPT * NW
NCHUNKS = EPT // CHUNK
RPT = 624
TAIL = N - RPT * NSUB
ACCR = N + 16
ZC = 16
DR = 104
DSP = 64


@functools.lru_cache(maxsize=None)
def _make_seg_sum(D, nsplit):
  mesh = plsc.VectorSubcoreMesh(core_axis_name="c", subcore_axis_name="s")

  @functools.partial(
      pl.kernel,
      out_type=jax.ShapeDtypeStruct((NCORE, nsplit, N, D), jnp.float32),
      mesh=mesh,
      scratch_types=[
          pltpu.VMEM((NCHUNKS, CHUNK), jnp.int32),
          pltpu.VMEM((NCHUNKS, CHUNK), jnp.int32),
          [pltpu.VMEM((CHUNK, D), jnp.float32)] * NBUF,
          pltpu.VMEM((ZC, D), jnp.float32),
          pltpu.VMEM((DR, D), jnp.float32),
          pltpu.VMEM_SHARED((N, D), jnp.float32),
          pltpu.VMEM_SHARED((ACCR, D), jnp.float32),
          [pltpu.SemaphoreType.DMA] * NBUF,
          [pltpu.SemaphoreType.DMA] * NBUF,
      ],
      compiler_params=pltpu.CompilerParams(use_tc_tiling_on_sc=False),
  )
  def kern(table3, src, dst, out, sidx, didx, rows, zbuf, stage, tbl, acc,
           sems, ssems):
    c = lax.axis_index("c")
    s = lax.axis_index("s")
    wid = c * NSUB + s
    last = s == NSUB - 1
    r0 = s * RPT

    pltpu.sync_copy(src.at[wid], sidx)
    pltpu.sync_copy(dst.at[wid], didx)

    def _zrow(i, carry):
      for j in range(D // 16):
        zbuf[i, pl.ds(j * 16, 16)] = jnp.zeros((16,), jnp.float32)
      return carry
    lax.fori_loop(0, ZC, _zrow, 0)

    for h in range(nsplit):
      table = table3.at[h]

      def _st(k, carry):
        rr = r0 + k * DR
        pltpu.sync_copy(table.at[pl.ds(rr, DR)], stage)
        pltpu.sync_copy(stage, tbl.at[pl.ds(rr, DR)])
        return carry
      lax.fori_loop(0, RPT // DR, _st, 0)

      @pl.when(last)
      def _():
        pltpu.sync_copy(table.at[pl.ds(RPT * NSUB, TAIL)],
                        stage.at[pl.ds(0, TAIL)])
        pltpu.sync_copy(stage.at[pl.ds(0, TAIL)],
                        tbl.at[pl.ds(RPT * NSUB, TAIL)])

      def _zcp(k, carry):
        pltpu.sync_copy(zbuf, acc.at[pl.ds(r0 + k * ZC, ZC)])
        return carry
      lax.fori_loop(0, RPT // ZC, _zcp, 0)

      @pl.when(last)
      def _():
        pltpu.sync_copy(zbuf, acc.at[pl.ds(RPT * NSUB, TAIL)])
      plsc.subcore_barrier()

      for b in range(NBUF):
        pltpu.async_copy(tbl.at[sidx.at[b]], rows[b], sems[b])

      UNROLL = 2 * NBUF

      def _pipe(it, carry):
        for bb in range(UNROLL):
          b = bb % NBUF
          ch = it * UNROLL + bb
          pltpu.make_async_copy(tbl.at[sidx.at[0]], rows[b], sems[b]).wait()
          pltpu.async_copy(rows[b], acc.at[didx.at[ch]], ssems[b], add=True)
          bp = (b - 1) % NBUF

          @pl.when((ch >= 1) & (ch - 1 + NBUF < NCHUNKS))
          def _():
            pltpu.make_async_copy(
                rows[bp], acc.at[didx.at[0]], ssems[bp]).wait()
            pltpu.async_copy(
                tbl.at[sidx.at[ch - 1 + NBUF]], rows[bp], sems[bp])
        return carry
      lax.fori_loop(0, NCHUNKS // UNROLL, _pipe, 0)
      for b in range(NBUF):
        pltpu.make_async_copy(rows[b], acc.at[didx.at[0]], ssems[b]).wait()
      plsc.subcore_barrier()

      def _dr(k, carry):
        rr = r0 + k * DR
        pltpu.sync_copy(acc.at[pl.ds(rr, DR)], stage)
        pltpu.sync_copy(stage, out.at[c, h, pl.ds(rr, DR)])
        return carry
      lax.fori_loop(0, RPT // DR, _dr, 0)

      @pl.when(last)
      def _():
        pltpu.sync_copy(acc.at[pl.ds(RPT * NSUB, TAIL)],
                        stage.at[pl.ds(0, TAIL)])
        pltpu.sync_copy(stage.at[pl.ds(0, TAIL)],
                        out.at[c, h, pl.ds(RPT * NSUB, TAIL)])

  return kern


@functools.lru_cache(maxsize=None)
def _make_deg():
  D = 16
  mesh = plsc.VectorSubcoreMesh(core_axis_name="c", subcore_axis_name="s")

  @functools.partial(
      pl.kernel,
      out_type=jax.ShapeDtypeStruct((NCORE, N, D), jnp.float32),
      mesh=mesh,
      scratch_types=[
          pltpu.VMEM((NCHUNKS, CHUNK), jnp.int32),
          pltpu.VMEM((CHUNK, D), jnp.float32),
          pltpu.VMEM((ZC, D), jnp.float32),
          pltpu.VMEM_SHARED((ACCR, D), jnp.float32),
          pltpu.SemaphoreType.DMA,
      ],
      compiler_params=pltpu.CompilerParams(use_tc_tiling_on_sc=False),
  )
  def kern(dst, out, didx, ones_r, zbuf, acc, sem):
    c = lax.axis_index("c")
    s = lax.axis_index("s")
    wid = c * NSUB + s
    last = s == NSUB - 1
    r0 = s * RPT

    pltpu.sync_copy(dst.at[wid], didx)

    def _fill(i, carry):
      zbuf[i, pl.ds(0, 16)] = jnp.zeros((16,), jnp.float32)
      return carry
    lax.fori_loop(0, ZC, _fill, 0)

    def _fill1(i, carry):
      ones_r[i, pl.ds(0, 16)] = jnp.ones((16,), jnp.float32)
      return carry
    lax.fori_loop(0, CHUNK, _fill1, 0)

    def _zcp(k, carry):
      pltpu.sync_copy(zbuf, acc.at[pl.ds(r0 + k * ZC, ZC)])
      return carry
    lax.fori_loop(0, RPT // ZC, _zcp, 0)

    @pl.when(last)
    def _():
      pltpu.sync_copy(zbuf, acc.at[pl.ds(RPT * NSUB, TAIL)])
    plsc.subcore_barrier()

    FIRE = 16

    def _batch(g, carry):
      for b in range(FIRE):
        pltpu.async_copy(ones_r, acc.at[didx.at[g * FIRE + b]], sem,
                         add=True)
      for b in range(FIRE):
        pltpu.make_async_copy(ones_r, acc.at[didx.at[0]], sem).wait()
      return carry
    lax.fori_loop(0, NCHUNKS // FIRE, _batch, 0)
    plsc.subcore_barrier()

    def _dr(k, carry):
      rr = r0 + k * ZC
      pltpu.sync_copy(acc.at[pl.ds(rr, ZC)], zbuf)
      pltpu.sync_copy(zbuf, out.at[c, pl.ds(rr, ZC)])
      return carry
    lax.fori_loop(0, RPT // ZC, _dr, 0)

    @pl.when(last)
    def _():
      pltpu.sync_copy(acc.at[pl.ds(RPT * NSUB, TAIL)], zbuf)
      pltpu.sync_copy(zbuf, out.at[c, pl.ds(RPT * NSUB, TAIL)])

  return kern


BN = 2000
NB = N // BN


def _tc_pre(degp, x, W0):
  def body(deg_ref, x_ref, w_ref, g_ref, dinv_ref):
    deg = deg_ref[0, :, 0:1] + deg_ref[1, :, 0:1] + 1.0
    dinv = lax.rsqrt(deg)
    h = jnp.dot(x_ref[...], w_ref[...], preferred_element_type=jnp.float32)
    gs = dinv * h
    g_ref[0] = gs[:, :DSP]
    g_ref[1] = gs[:, DSP:]
    dinv_ref[...] = dinv

  return pl.pallas_call(
      body,
      grid=(NB,),
      in_specs=[
          pl.BlockSpec((NCORE, BN, 16), lambda j: (0, j, 0)),
          pl.BlockSpec((BN, DH), lambda j: (j, 0)),
          pl.BlockSpec((DH, DH), lambda j: (0, 0)),
      ],
      out_specs=[
          pl.BlockSpec((2, BN, DSP), lambda j: (0, j, 0)),
          pl.BlockSpec((BN, 1), lambda j: (j, 0)),
      ],
      out_shape=[
          jax.ShapeDtypeStruct((2, N, DSP), jnp.float32),
          jax.ShapeDtypeStruct((N, 1), jnp.float32),
      ],
  )(degp, x, W0)


def _make_tc_norm(DO, final):
  def body(p_ref, g_ref, dinv_ref, b_ref, gw_ref, gb_ref, ga_ref, w_ref,
           wb_ref, out_ref, S1, S2):
    ph = pl.program_id(0)
    j = pl.program_id(1)
    dinv = dinv_ref[...]
    psum = p_ref[0] + p_ref[1]
    pcat = jnp.concatenate([psum[0] + g_ref[0], psum[1] + g_ref[1]], axis=1)
    t = dinv * pcat + b_ref[...]

    @pl.when(ph == 0)
    def _():
      s1 = jnp.sum(t, axis=0, keepdims=True)
      s2 = jnp.sum(t * t, axis=0, keepdims=True)

      @pl.when(j == 0)
      def _():
        S1[...] = s1
        S2[...] = s2

      @pl.when(j != 0)
      def _():
        S1[...] += s1
        S2[...] += s2

    @pl.when(ph == 1)
    def _():
      m = S1[...] * (1.0 / N)
      ex2 = S2[...] * (1.0 / N)
      am = ga_ref[...] * m
      var = ex2 - 2.0 * m * am + am * am
      y = gw_ref[...] * (t - am) * lax.rsqrt(var + EPS) + gb_ref[...]
      y = jnp.maximum(y, 0.0)
      h = jnp.dot(y, w_ref[...], preferred_element_type=jnp.float32)
      if final:
        out_ref[...] = h + wb_ref[...]
      else:
        gs = dinv * h
        out_ref[0] = gs[:, :DSP]
        out_ref[1] = gs[:, DSP:]

  def run(p, g, dinv, b, gw, gb, ga, W, wb):
    if final:
      out_spec = pl.BlockSpec((BN, DO), lambda ph, j: (j * ph, 0))
      out_shape = jax.ShapeDtypeStruct((N, DO), jnp.float32)
    else:
      out_spec = pl.BlockSpec((2, BN, DSP), lambda ph, j: (0, j * ph, 0))
      out_shape = jax.ShapeDtypeStruct((2, N, DSP), jnp.float32)
    return pl.pallas_call(
        body,
        grid=(2, NB),
        in_specs=[
            pl.BlockSpec((NCORE, 2, BN, DSP), lambda ph, j: (0, 0, j, 0)),
            pl.BlockSpec((2, BN, DSP), lambda ph, j: (0, j, 0)),
            pl.BlockSpec((BN, 1), lambda ph, j: (j, 0)),
            pl.BlockSpec((1, DH), lambda ph, j: (0, 0)),
            pl.BlockSpec((1, DH), lambda ph, j: (0, 0)),
            pl.BlockSpec((1, DH), lambda ph, j: (0, 0)),
            pl.BlockSpec((1, DH), lambda ph, j: (0, 0)),
            pl.BlockSpec((DH, DO), lambda ph, j: (0, 0)),
            pl.BlockSpec((1, DO), lambda ph, j: (0, 0)),
        ],
        out_specs=out_spec,
        out_shape=out_shape,
        scratch_shapes=[
            pltpu.VMEM((1, DH), jnp.float32),
            pltpu.VMEM((1, DH), jnp.float32),
        ],
    )(p, g, dinv, b.reshape(1, DH), gw.reshape(1, DH), gb.reshape(1, DH),
      ga.reshape(1, DH), W, wb.reshape(1, DO))

  return run


_tc_mid = _make_tc_norm(DH, final=False)
_tc_fin = _make_tc_norm(DOUT, final=True)


def kernel(x, edge_index, W0, b0, gn_w0, gn_b0, gn_a0, W1, b1, gn_w1, gn_b1,
           gn_a1, W2, b2, gn_w2, gn_b2, gn_a2, fc_W, fc_b):
  src = edge_index[0]
  dst = edge_index[1]
  pad = EPAD - E
  src_p = jnp.concatenate([src, jnp.zeros((pad,), jnp.int32)]).reshape(
      NW, NCHUNKS, CHUNK)
  dst_p = jnp.concatenate([dst, jnp.full((pad,), N, jnp.int32)]).reshape(
      NW, NCHUNKS, CHUNK)

  degp = _make_deg()(dst_p)
  g0, dinv = _tc_pre(degp, x, W0)

  spmm = _make_seg_sum(DSP, DH // DSP)
  bS = jnp.stack([b0, b1])
  gwS = jnp.stack([gn_w0, gn_w1])
  gbS = jnp.stack([gn_b0, gn_b1])
  gaS = jnp.stack([gn_a0, gn_a1])
  WS = jnp.stack([W1, W2])

  def body(i, carry):
    g, _ = carry
    p = spmm(g, src_p, dst_p)
    k = jnp.minimum(i, 1)
    g_new = lax.cond(
        i < 2,
        lambda: _tc_mid(p, g, dinv, bS[k], gwS[k], gbS[k], gaS[k], WS[k],
                        bS[k]),
        lambda: g,
    )
    return (g_new, p)

  g2, p = lax.fori_loop(
      0, 3, body, (g0, jnp.zeros((NCORE, 2, N, DSP), jnp.float32)))
  return _tc_fin(p, g2, dinv, b2, gn_w2, gn_b2, gn_a2, fc_W, fc_b)

# --- scband reference (transcript-rebuilt; emitter-appended) ---
"""Pipeline reference for scband-galactic-gnn-5299989643769 (READ-ONLY COPY).

The authoritative reference and input builder live on the scoring server;
editing this copy changes nothing except your own understanding.
"""

import jax, jax.numpy as jnp
import numpy as np

N = 10000
E = 320000
D_IN = 128
D_H = 128
D_OUT = 64
NUM_LAYERS = 3
EPS = 1e-5


def setup_inputs(seed: int = 0):
    key = jax.random.key(seed)
    ks = jax.random.split(key, 2 + NUM_LAYERS)
    inp = {}
    inp["x"] = jax.random.normal(ks[0], (N, D_IN), jnp.float32)
    inp["edge_index"] = jax.random.randint(ks[1], (2, E), 0, N)
    dims = [D_IN] + [D_H] * NUM_LAYERS
    for i in range(NUM_LAYERS):
        kw = jax.random.fold_in(ks[2 + i], 7)
        inp[f"W{i}"] = jax.random.normal(kw, (dims[i], D_H), jnp.float32) * (1.0 / np.sqrt(dims[i]))
        inp[f"b{i}"] = jnp.zeros((D_H,), jnp.float32)
        inp[f"gn_w{i}"] = jnp.ones((D_H,), jnp.float32)
        inp[f"gn_b{i}"] = jnp.zeros((D_H,), jnp.float32)
        inp[f"gn_a{i}"] = jnp.ones((D_H,), jnp.float32)
    kf = jax.random.fold_in(key, 99)
    inp["fc_W"] = jax.random.normal(kf, (D_H, D_OUT), jnp.float32) * (1.0 / np.sqrt(D_H))
    inp["fc_b"] = jnp.zeros((D_OUT,), jnp.float32)
    return inp


def _gcn_conv(x, src, dst, W, b):
    # GCNConv: symmetric normalization with self-loops
    h = x @ W
    loop = jnp.arange(N)
    s = jnp.concatenate([src, loop])
    d = jnp.concatenate([dst, loop])
    deg = jax.ops.segment_sum(jnp.ones((s.shape[0],), jnp.float32), d, num_segments=N)
    dinv = jnp.where(deg > 0, jax.lax.rsqrt(jnp.maximum(deg, 1e-12)), 0.0)
    norm = dinv[s] * dinv[d]
    msg = h[s] * norm[:, None]
    out = jax.ops.segment_sum(msg, d, num_segments=N)
    return out + b


def _graph_norm(x, w, b, a):
    # PyG GraphNorm over a single graph (all nodes in one segment)
    mean = jnp.mean(x, axis=0, keepdims=True)
    out = x - a * mean
    var = jnp.mean(out * out, axis=0, keepdims=True)
    return w * out / jnp.sqrt(var + EPS) + b


def reference(x, edge_index, W0, b0, gn_w0, gn_b0, gn_a0, W1, b1, gn_w1, gn_b1, gn_a1, W2, b2, gn_w2, gn_b2, gn_a2, fc_W, fc_b):
    src = edge_index[0]
    dst = edge_index[1]
    Ws = [W0, W1, W2]
    bs = [b0, b1, b2]
    gws = [gn_w0, gn_w1, gn_w2]
    gbs = [gn_b0, gn_b1, gn_b2]
    gas = [gn_a0, gn_a1, gn_a2]
    h = x
    for i in range(NUM_LAYERS):
        h = _gcn_conv(h, src, dst, Ws[i], bs[i])
        h = _graph_norm(h, gws[i], gbs[i], gas[i])
        # dropout is identity in eval mode
        h = jnp.maximum(h, 0.0)
    return h @ fc_W + fc_b

if __name__ == "__main__":
    import jax
    _d = setup_inputs()
    print(jax.jit(kernel)(*tuple(_d.values())))

</pallas_src>

<mosaic_0001>
#map = affine_map<(d0, d1) -> (0, 0, 0)>
module attributes {stable_mosaic.version = 14 : i64} {
  func.func @kern(%arg0: i32, %arg1: i32, %arg2: memref<32x80x128xi32, #tpu.memory_space<hbm>>, %arg3: memref<2x10000x16xf32, #tpu.memory_space<hbm>>, %arg4: memref<80x128xi32, #tpu.memory_space<vmem>>, %arg5: memref<128x16xf32, #tpu.memory_space<vmem>>, %arg6: memref<16x16xf32, #tpu.memory_space<vmem>>, %arg7: memref<10016x16xf32, #tpu.memory_space<vmem_shared>>, %arg8: memref<!tpu.dma_semaphore, #tpu.memory_space<semaphore_mem>>) attributes {dimension_semantics = [#tpu.dimension_semantics<core_parallel>, #tpu.dimension_semantics<subcore_parallel>], iteration_bounds = array<i64: 2, 16>, scalar_prefetch = 0 : i64, scratch_operands = 5 : i64, tpu.core_type = #tpu.core_type<sc_vector_subcore>, window_params = [{transform_indices = #map}, {transform_indices = #map}]} {
    %mul3A = arith.constant 16 : i32
    %mul3A_0 = arith.muli %arg0, %mul3A : i32
    %add3A = arith.addi %mul3A_0, %arg1 : i32
    %eq3A = arith.constant 15 : i32
    %eq3A_1 = arith.cmpi eq, %arg1, %eq3A : i32
    %mul3A_2 = arith.constant 624 : i32
    %mul3A_3 = arith.muli %arg1, %mul3A_2 : i32
    "tpu.region"() ({
      %run_scoped3A = tpu.sem_alloc : memref<!tpu.dma_semaphore, #tpu.memory_space<semaphore_mem>>
      %dma_start3A = arith.constant 0 : i32
      %dma_start3A_38 = arith.constant 0 : i32
      %dma_start3A_39 = tpu.memref_slice %arg2[%add3A, %dma_start3A, %dma_start3A_38] : memref<32x80x128xi32, #tpu.memory_space<hbm>> -> memref<1x80x128xi32, #tpu.memory_space<hbm>>
      %dma_start3A_40 = tpu.memref_squeeze %dma_start3A_39 : memref<1x80x128xi32, #tpu.memory_space<hbm>> -> memref<80x128xi32, #tpu.memory_space<hbm>>
      %dma_start3A_41 = arith.constant 0 : i32
      %dma_start3A_42 = arith.constant 0 : i32
      %dma_start3A_43 = tpu.memref_slice %arg2[%add3A, %dma_start3A_41, %dma_start3A_42] : memref<32x80x128xi32, #tpu.memory_space<hbm>> -> memref<1x80x128xi32, #tpu.memory_space<hbm>>
      %dma_start3A_44 = tpu.memref_squeeze %dma_start3A_43 : memref<1x80x128xi32, #tpu.memory_space<hbm>> -> memref<80x128xi32, #tpu.memory_space<hbm>>
      tpu.enqueue_dma source(%dma_start3A_44 : memref<80x128xi32, #tpu.memory_space<hbm>>) target(%arg4 : memref<80x128xi32, #tpu.memory_space<vmem>>) target_semaphore(%run_scoped3A : memref<!tpu.dma_semaphore, #tpu.memory_space<semaphore_mem>>)
      %dma_wait3A = arith.constant 0 : i32
      %dma_wait3A_45 = arith.constant 0 : i32
      %dma_wait3A_46 = tpu.memref_slice %arg2[%add3A, %dma_wait3A, %dma_wait3A_45] : memref<32x80x128xi32, #tpu.memory_space<hbm>> -> memref<1x80x128xi32, #tpu.memory_space<hbm>>
      %dma_wait3A_47 = tpu.memref_squeeze %dma_wait3A_46 : memref<1x80x128xi32, #tpu.memory_space<hbm>> -> memref<80x128xi32, #tpu.memory_space<hbm>>
      %dma_wait3A_48 = arith.constant 0 : i32
      %dma_wait3A_49 = arith.constant 0 : i32
      %dma_wait3A_50 = tpu.memref_slice %arg2[%add3A, %dma_wait3A_48, %dma_wait3A_49] : memref<32x80x128xi32, #tpu.memory_space<hbm>> -> memref<1x80x128xi32, #tpu.memory_space<hbm>>
      %dma_wait3A_51 = tpu.memref_squeeze %dma_wait3A_50 : memref<1x80x128xi32, #tpu.memory_space<hbm>> -> memref<80x128xi32, #tpu.memory_space<hbm>>
      tpu.wait_dma2 semaphore(%run_scoped3A : memref<!tpu.dma_semaphore, #tpu.memory_space<semaphore_mem>>) src(%dma_wait3A_51 : memref<80x128xi32, #tpu.memory_space<hbm>>) dst(%arg4 : memref<80x128xi32, #tpu.memory_space<vmem>>)
      tpu.yield
    }) : () -> ()
    %scan3A = arith.constant 0 : i32
    %scan3A_4 = arith.constant 0 : i32
    %scan3A_5 = arith.constant 16 : i32
    %scan3A_6 = arith.addi %scan3A_4, %scan3A_5 : i32
    %scan3A_7 = arith.constant 1 : i32
    scf.for %scan3A_38 = %scan3A_4 to %scan3A_6 step %scan3A_7  : i32 {
      %broadcast_in_dim3A = arith.constant 0.000000e+00 : f32
      %broadcast_in_dim3A_39 = vector.broadcast %broadcast_in_dim3A : f32 to vector<16xf32>
      %swap3A = arith.index_cast %scan3A_38 : i32 to index
      %swap3A_40 = arith.constant 0 : index
      %swap3A_41 = tpu.vector_load %arg6[%swap3A, %swap3A_40] {strides = array<i32>} : memref<16x16xf32, #tpu.memory_space<vmem>>, vector<1x16xf32>,
      %swap3A_42 = vector.shape_cast %swap3A_41 : vector<1x16xf32> to vector<16xf32>
      %swap3A_43 = vector.shape_cast %broadcast_in_dim3A_39 : vector<16xf32> to vector<1x16xf32>
      tpu.vector_store %arg6[%swap3A, %swap3A_40], %swap3A_43 {strides = array<i32>} : memref<16x16xf32, #tpu.memory_space<vmem>>, vector<1x16xf32>,
    }
    %scan3A_8 = arith.constant 16 : i32
    %scan3A_9 = arith.constant 0 : i32
    %scan3A_10 = arith.constant 0 : i32
    %scan3A_11 = arith.constant 128 : i32
    %scan3A_12 = arith.addi %scan3A_10, %scan3A_11 : i32
    %scan3A_13 = arith.constant 1 : i32
    scf.for %scan3A_38 = %scan3A_10 to %scan3A_12 step %scan3A_13  : i32 {
      %broadcast_in_dim3A = arith.constant 1.000000e+00 : f32
      %broadcast_in_dim3A_39 = vector.broadcast %broadcast_in_dim3A : f32 to vector<16xf32>
      %swap3A = arith.index_cast %scan3A_38 : i32 to index
      %swap3A_40 = arith.constant 0 : index
      %swap3A_41 = tpu.vector_load %arg5[%swap3A, %swap3A_40] {strides = array<i32>} : memref<128x16xf32, #tpu.memory_space<vmem>>, vector<1x16xf32>,
      %swap3A_42 = vector.shape_cast %swap3A_41 : vector<1x16xf32> to vector<16xf32>
      %swap3A_43 = vector.shape_cast %broadcast_in_dim3A_39 : vector<16xf32> to vector<1x16xf32>
      tpu.vector_store %arg5[%swap3A, %swap3A_40], %swap3A_43 {strides = array<i32>} : memref<128x16xf32, #tpu.memory_space<vmem>>, vector<1x16xf32>,
    }
    %scan3A_14 = arith.constant 128 : i32
    %scan3A_15 = arith.constant 0 : i32
    %scan3A_16 = arith.constant 0 : i32
    %scan3A_17 = arith.constant 39 : i32
    %scan3A_18 = arith.addi %scan3A_16, %scan3A_17 : i32
    %scan3A_19 = arith.constant 1 : i32
    scf.for %scan3A_38 = %scan3A_16 to %scan3A_18 step %scan3A_19  : i32 {
      %mul3A_39 = arith.constant 16 : i32
      %mul3A_40 = arith.muli %scan3A_38, %mul3A_39 : i32
      %add3A_41 = arith.addi %mul3A_3, %mul3A_40 : i32
      "tpu.region"() ({
        %run_scoped3A = tpu.sem_alloc : memref<!tpu.dma_semaphore, #tpu.memory_space<semaphore_mem>>
        %dma_start3A = arith.constant 0 : i32
        %dma_start3A_42 = tpu.memref_slice %arg7[%add3A_41, %dma_start3A] : memref<10016x16xf32, #tpu.memory_space<vmem_shared>> -> memref<16x16xf32, #tpu.memory_space<vmem_shared>>
        %dma_start3A_43 = arith.constant 0 : i32
        %dma_start3A_44 = tpu.memref_slice %arg7[%add3A_41, %dma_start3A_43] : memref<10016x16xf32, #tpu.memory_space<vmem_shared>> -> memref<16x16xf32, #tpu.memory_space<vmem_shared>>
        tpu.enqueue_dma source(%arg6 : memref<16x16xf32, #tpu.memory_space<vmem>>) target(%dma_start3A_44 : memref<16x16xf32, #tpu.memory_space<vmem_shared>>) target_semaphore(%run_scoped3A : memref<!tpu.dma_semaphore, #tpu.memory_space<semaphore_mem>>)
        %dma_wait3A = arith.constant 0 : i32
        %dma_wait3A_45 = tpu.memref_slice %arg7[%add3A_41, %dma_wait3A] : memref<10016x16xf32, #tpu.memory_space<vmem_shared>> -> memref<16x16xf32, #tpu.memory_space<vmem_shared>>
        %dma_wait3A_46 = arith.constant 0 : i32
        %dma_wait3A_47 = tpu.memref_slice %arg7[%add3A_41, %dma_wait3A_46] : memref<10016x16xf32, #tpu.memory_space<vmem_shared>> -> memref<16x16xf32, #tpu.memory_space<vmem_shared>>
        tpu.wait_dma2 semaphore(%run_scoped3A : memref<!tpu.dma_semaphore, #tpu.memory_space<semaphore_mem>>) src(%arg6 : memref<16x16xf32, #tpu.memory_space<vmem>>) dst(%dma_wait3A_47 : memref<16x16xf32, #tpu.memory_space<vmem_shared>>)
        tpu.yield
      }) : () -> ()
    }
    %scan3A_20 = arith.constant 39 : i32
    %convert_element_type3A = arith.extui %eq3A_1 : i1 to i32
    %cond3A = arith.constant 0 : i32
    %cond3A_21 = arith.cmpi ne, %convert_element_type3A, %cond3A : i32
    scf.if %cond3A_21 {
      "tpu.region"() ({
        %run_scoped3A = tpu.sem_alloc : memref<!tpu.dma_semaphore, #tpu.memory_space<semaphore_mem>>
        %dma_start3A = arith.constant 9984 : i32
        %dma_start3A_38 = arith.constant 0 : i32
        %dma_start3A_39 = tpu.memref_slice %arg7[%dma_start3A, %dma_start3A_38] : memref<10016x16xf32, #tpu.memory_space<vmem_shared>> -> memref<16x16xf32, #tpu.memory_space<vmem_shared>>
        %dma_start3A_40 = arith.constant 9984 : i32
        %dma_start3A_41 = arith.constant 0 : i32
        %dma_start3A_42 = tpu.memref_slice %arg7[%dma_start3A_40, %dma_start3A_41] : memref<10016x16xf32, #tpu.memory_space<vmem_shared>> -> memref<16x16xf32, #tpu.memory_space<vmem_shared>>
        tpu.enqueue_dma source(%arg6 : memref<16x16xf32, #tpu.memory_space<vmem>>) target(%dma_start3A_42 : memref<16x16xf32, #tpu.memory_space<vmem_shared>>) target_semaphore(%run_scoped3A : memref<!tpu.dma_semaphore, #tpu.memory_space<semaphore_mem>>)
        %dma_wait3A = arith.constant 9984 : i32
        %dma_wait3A_43 = arith.constant 0 : i32
        %dma_wait3A_44 = tpu.memref_slice %arg7[%dma_wait3A, %dma_wait3A_43] : memref<10016x16xf32, #tpu.memory_space<vmem_shared>> -> memref<16x16xf32, #tpu.memory_space<vmem_shared>>
        %dma_wait3A_45 = arith.constant 9984 : i32
        %dma_wait3A_46 = arith.constant 0 : i32
        %dma_wait3A_47 = tpu.memref_slice %arg7[%dma_wait3A_45, %dma_wait3A_46] : memref<10016x16xf32, #tpu.memory_space<vmem_shared>> -> memref<16x16xf32, #tpu.memory_space<vmem_shared>>
        tpu.wait_dma2 semaphore(%run_scoped3A : memref<!tpu.dma_semaphore, #tpu.memory_space<semaphore_mem>>) src(%arg6 : memref<16x16xf32, #tpu.memory_space<vmem>>) dst(%dma_wait3A_47 : memref<16x16xf32, #tpu.memory_space<vmem_shared>>)
        tpu.yield
      }) : () -> ()
    } else {
    }
    %barrier3A = arith.constant 0 : index
    tpu.barrier barrier_id(%barrier3A)
    %scan3A_22 = arith.constant 0 : i32
    %scan3A_23 = arith.constant 0 : i32
    %scan3A_24 = arith.constant 5 : i32
    %scan3A_25 = arith.addi %scan3A_23, %scan3A_24 : i32
    %scan3A_26 = arith.constant 1 : i32
    scf.for %scan3A_38 = %scan3A_23 to %scan3A_25 step %scan3A_26  : i32 {
      %mul3A_39 = arith.constant 16 : i32
      %mul3A_40 = arith.muli %scan3A_38, %mul3A_39 : i32
      %add3A_41 = arith.constant 0 : i32
      %add3A_42 = arith.addi %mul3A_40, %add3A_41 : i32
      %dma_start3A = arith.constant 0 : i32
      %dma_start3A_43 = tpu.memref_slice %arg4[%add3A_42, %dma_start3A] : memref<80x128xi32, #tpu.memory_space<vmem>> -> memref<1x128xi32, #tpu.memory_space<vmem>>
      %dma_start3A_44 = tpu.memref_squeeze %dma_start3A_43 : memref<1x128xi32, #tpu.memory_space<vmem>> -> memref<128xi32, #tpu.memory_space<vmem>>
      %dma_start3A_45 = arith.constant 0 : i32
      %dma_start3A_46 = arith.constant 0 : i32
      %dma_start3A_47 = tpu.memref_slice %arg7[%dma_start3A_45, %dma_start3A_46] : memref<10016x16xf32, #tpu.memory_space<vmem_shared>> -> memref<10016x16xf32, #tpu.memory_space<vmem_shared>>
      tpu.enqueue_indirect_dma source(%arg5 : memref<128x16xf32, #tpu.memory_space<vmem>>) target(%dma_start3A_47 : memref<10016x16xf32, #tpu.memory_space<vmem_shared>>) offsets(%dma_start3A_44 : memref<128xi32, #tpu.memory_space<vmem>>) semaphore(%arg8 : memref<!tpu.dma_semaphore, #tpu.memory_space<semaphore_mem>>) {add = true}
      %mul3A_48 = arith.constant 16 : i32
      %mul3A_49 = arith.muli %scan3A_38, %mul3A_48 : i32
      %add3A_50 = arith.constant 1 : i32
      %add3A_51 = arith.addi %mul3A_49, %add3A_50 : i32
      %dma_start3A_52 = arith.constant 0 : i32
      %dma_start3A_53 = tpu.memref_slice %arg4[%add3A_51, %dma_start3A_52] : memref<80x128xi32, #tpu.memory_space<vmem>> -> memref<1x128xi32, #tpu.memory_space<vmem>>
      %dma_start3A_54 = tpu.memref_squeeze %dma_start3A_53 : memref<1x128xi32, #tpu.memory_space<vmem>> -> memref<128xi32, #tpu.memory_space<vmem>>
      %dma_start3A_55 = arith.constant 0 : i32
      %dma_start3A_56 = arith.constant 0 : i32
      %dma_start3A_57 = tpu.memref_slice %arg7[%dma_start3A_55, %dma_start3A_56] : memref<10016x16xf32, #tpu.memory_space<vmem_shared>> -> memref<10016x16xf32, #tpu.memory_space<vmem_shared>>
      tpu.enqueue_indirect_dma source(%arg5 : memref<128x16xf32, #tpu.memory_space<vmem>>) target(%dma_start3A_57 : memref<10016x16xf32, #tpu.memory_space<vmem_shared>>) offsets(%dma_start3A_54 : memref<128xi32, #tpu.memory_space<vmem>>) semaphore(%arg8 : memref<!tpu.dma_semaphore, #tpu.memory_space<semaphore_mem>>) {add = true}
      %mul3A_58 = arith.constant 16 : i32
      %mul3A_59 = arith.muli %scan3A_38, %mul3A_58 : i32
      %add3A_60 = arith.constant 2 : i32
      %add3A_61 = arith.addi %mul3A_59, %add3A_60 : i32
      %dma_start3A_62 = arith.constant 0 : i32
      %dma_start3A_63 = tpu.memref_slice %arg4[%add3A_61, %dma_start3A_62] : memref<80x128xi32, #tpu.memory_space<vmem>> -> memref<1x128xi32, #tpu.memory_space<vmem>>
      %dma_start3A_64 = tpu.memref_squeeze %dma_start3A_63 : memref<1x128xi32, #tpu.memory_space<vmem>> -> memref<128xi32, #tpu.memory_space<vmem>>
      %dma_start3A_65 = arith.constant 0 : i32
      %dma_start3A_66 = arith.constant 0 : i32
      %dma_start3A_67 = tpu.memref_slice %arg7[%dma_start3A_65, %dma_start3A_66] : memref<10016x16xf32, #tpu.memory_space<vmem_shared>> -> memref<10016x16xf32, #tpu.memory_space<vmem_shared>>
      tpu.enqueue_indirect_dma source(%arg5 : memref<128x16xf32, #tpu.memory_space<vmem>>) target(%dma_start3A_67 : memref<10016x16xf32, #tpu.memory_space<vmem_shared>>) offsets(%dma_start3A_64 : memref<128xi32, #tpu.memory_space<vmem>>) semaphore(%arg8 : memref<!tpu.dma_semaphore, #tpu.memory_space<semaphore_mem>>) {add = true}
      %mul3A_68 = arith.constant 16 : i32
      %mul3A_69 = arith.muli %scan3A_38, %mul3A_68 : i32
      %add3A_70 = arith.constant 3 : i32
      %add3A_71 = arith.addi %mul3A_69, %add3A_70 : i32
      %dma_start3A_72 = arith.constant 0 : i32
      %dma_start3A_73 = tpu.memref_slice %arg4[%add3A_71, %dma_start3A_72] : memref<80x128xi32, #tpu.memory_space<vmem>> -> memref<1x128xi32, #tpu.memory_space<vmem>>
      %dma_start3A_74 = tpu.memref_squeeze %dma_start3A_73 : memref<1x128xi32, #tpu.memory_space<vmem>> -> memref<128xi32, #tpu.memory_space<vmem>>
      %dma_start3A_75 = arith.constant 0 : i32
      %dma_start3A_76 = arith.constant 0 : i32
      %dma_start3A_77 = tpu.memref_slice %arg7[%dma_start3A_75, %dma_start3A_76] : memref<10016x16xf32, #tpu.memory_space<vmem_shared>> -> memref<10016x16xf32, #tpu.memory_space<vmem_shared>>
      tpu.enqueue_indirect_dma source(%arg5 : memref<128x16xf32, #tpu.memory_space<vmem>>) target(%dma_start3A_77 : memref<10016x16xf32, #tpu.memory_space<vmem_shared>>) offsets(%dma_start3A_74 : memref<128xi32, #tpu.memory_space<vmem>>) semaphore(%arg8 : memref<!tpu.dma_semaphore, #tpu.memory_space<semaphore_mem>>) {add = true}
      %mul3A_78 = arith.constant 16 : i32
      %mul3A_79 = arith.muli %scan3A_38, %mul3A_78 : i32
      %add3A_80 = arith.constant 4 : i32
      %add3A_81 = arith.addi %mul3A_79, %add3A_80 : i32
      %dma_start3A_82 = arith.constant 0 : i32
      %dma_start3A_83 = tpu.memref_slice %arg4[%add3A_81, %dma_start3A_82] : memref<80x128xi32, #tpu.memory_space<vmem>> -> memref<1x128xi32, #tpu.memory_space<vmem>>
      %dma_start3A_84 = tpu.memref_squeeze %dma_start3A_83 : memref<1x128xi32, #tpu.memory_space<vmem>> -> memref<128xi32, #tpu.memory_space<vmem>>
      %dma_start3A_85 = arith.constant 0 : i32
      %dma_start3A_86 = arith.constant 0 : i32
      %dma_start3A_87 = tpu.memref_slice %arg7[%dma_start3A_85, %dma_start3A_86] : memref<10016x16xf32, #tpu.memory_space<vmem_shared>> -> memref<10016x16xf32, #tpu.memory_space<vmem_shared>>
      tpu.enqueue_indirect_dma source(%arg5 : memref<128x16xf32, #tpu.memory_space<vmem>>) target(%dma_start3A_87 : memref<10016x16xf32, #tpu.memory_space<vmem_shared>>) offsets(%dma_start3A_84 : memref<128xi32, #tpu.memory_space<vmem>>) semaphore(%arg8 : memref<!tpu.dma_semaphore, #tpu.memory_space<semaphore_mem>>) {add = true}
      %mul3A_88 = arith.constant 16 : i32
      %mul3A_89 = arith.muli %scan3A_38, %mul3A_88 : i32
      %add3A_90 = arith.constant 5 : i32
      %add3A_91 = arith.addi %mul3A_89, %add3A_90 : i32
      %dma_start3A_92 = arith.constant 0 : i32
      %dma_start3A_93 = tpu.memref_slice %arg4[%add3A_91, %dma_start3A_92] : memref<80x128xi32, #tpu.memory_space<vmem>> -> memref<1x128xi32, #tpu.memory_space<vmem>>
      %dma_start3A_94 = tpu.memref_squeeze %dma_start3A_93 : memref<1x128xi32, #tpu.memory_space<vmem>> -> memref<128xi32, #tpu.memory_space<vmem>>
      %dma_start3A_95 = arith.constant 0 : i32
      %dma_start3A_96 = arith.constant 0 : i32
      %dma_start3A_97 = tpu.memref_slice %arg7[%dma_start3A_95, %dma_start3A_96] : memref<10016x16xf32, #tpu.memory_space<vmem_shared>> -> memref<10016x16xf32, #tpu.memory_space<vmem_shared>>
      tpu.enqueue_indirect_dma source(%arg5 : memref<128x16xf32, #tpu.memory_space<vmem>>) target(%dma_start3A_97 : memref<10016x16xf32, #tpu.memory_space<vmem_shared>>) offsets(%dma_start3A_94 : memref<128xi32, #tpu.memory_space<vmem>>) semaphore(%arg8 : memref<!tpu.dma_semaphore, #tpu.memory_space<semaphore_mem>>) {add = true}
      %mul3A_98 = arith.constant 16 : i32
      %mul3A_99 = arith.muli %scan3A_38, %mul3A_98 : i32
      %add3A_100 = arith.constant 6 : i32
      %add3A_101 = arith.addi %mul3A_99, %add3A_100 : i32
      %dma_start3A_102 = arith.constant 0 : i32
      %dma_start3A_103 = tpu.memref_slice %arg4[%add3A_101, %dma_start3A_102] : memref<80x128xi32, #tpu.memory_space<vmem>> -> memref<1x128xi32, #tpu.memory_space<vmem>>
      %dma_start3A_104 = tpu.memref_squeeze %dma_start3A_103 : memref<1x128xi32, #tpu.memory_space<vmem>> -> memref<128xi32, #tpu.memory_space<vmem>>
      %dma_start3A_105 = arith.constant 0 : i32
      %dma_start3A_106 = arith.constant 0 : i32
      %dma_start3A_107 = tpu.memref_slice %arg7[%dma_start3A_105, %dma_start3A_106] : memref<10016x16xf32, #tpu.memory_space<vmem_shared>> -> memref<10016x16xf32, #tpu.memory_space<vmem_shared>>
      tpu.enqueue_indirect_dma source(%arg5 : memref<128x16xf32, #tpu.memory_space<vmem>>) target(%dma_start3A_107 : memref<10016x16xf32, #tpu.memory_space<vmem_shared>>) offsets(%dma_start3A_104 : memref<128xi32, #tpu.memory_space<vmem>>) semaphore(%arg8 : memref<!tpu.dma_semaphore, #tpu.memory_space<semaphore_mem>>) {add = true}
      %mul3A_108 = arith.constant 16 : i32
      %mul3A_109 = arith.muli %scan3A_38, %mul3A_108 : i32
      %add3A_110 = arith.constant 7 : i32
      %add3A_111 = arith.addi %mul3A_109, %add3A_110 : i32
      %dma_start3A_112 = arith.constant 0 : i32
      %dma_start3A_113 = tpu.memref_slice %arg4[%add3A_111, %dma_start3A_112] : memref<80x128xi32, #tpu.memory_space<vmem>> -> memref<1x128xi32, #tpu.memory_space<vmem>>
      %dma_start3A_114 = tpu.memref_squeeze %dma_start3A_113 : memref<1x128xi32, #tpu.memory_space<vmem>> -> memref<128xi32, #tpu.memory_space<vmem>>
      %dma_start3A_115 = arith.constant 0 : i32
      %dma_start3A_116 = arith.constant 0 : i32
      %dma_start3A_117 = tpu.memref_slice %arg7[%dma_start3A_115, %dma_start3A_116] : memref<10016x16xf32, #tpu.memory_space<vmem_shared>> -> memref<10016x16xf32, #tpu.memory_space<vmem_shared>>
      tpu.enqueue_indirect_dma source(%arg5 : memref<128x16xf32, #tpu.memory_space<vmem>>) target(%dma_start3A_117 : memref<10016x16xf32, #tpu.memory_space<vmem_shared>>) offsets(%dma_start3A_114 : memref<128xi32, #tpu.memory_space<vmem>>) semaphore(%arg8 : memref<!tpu.dma_semaphore, #tpu.memory_space<semaphore_mem>>) {add = true}
      %mul3A_118 = arith.constant 16 : i32
      %mul3A_119 = arith.muli %scan3A_38, %mul3A_118 : i32
      %add3A_120 = arith.constant 8 : i32
      %add3A_121 = arith.addi %mul3A_119, %add3A_120 : i32
      %dma_start3A_122 = arith.constant 0 : i32
      %dma_start3A_123 = tpu.memref_slice %arg4[%add3A_121, %dma_start3A_122] : memref<80x128xi32, #tpu.memory_space<vmem>> -> memref<1x128xi32, #tpu.memory_space<vmem>>
      %dma_start3A_124 = tpu.memref_squeeze %dma_start3A_123 : memref<1x128xi32, #tpu.memory_space<vmem>> -> memref<128xi32, #tpu.memory_space<vmem>>
      %dma_start3A_125 = arith.constant 0 : i32
      %dma_start3A_126 = arith.constant 0 : i32
      %dma_start3A_127 = tpu.memref_slice %arg7[%dma_start3A_125, %dma_start3A_126] : memref<10016x16xf32, #tpu.memory_space<vmem_shared>> -> memref<10016x16xf32, #tpu.memory_space<vmem_shared>>
      tpu.enqueue_indirect_dma source(%arg5 : memref<128x16xf32, #tpu.memory_space<vmem>>) target(%dma_start3A_127 : memref<10016x16xf32, #tpu.memory_space<vmem_shared>>) offsets(%dma_start3A_124 : memref<128xi32, #tpu.memory_space<vmem>>) semaphore(%arg8 : memref<!tpu.dma_semaphore, #tpu.memory_space<semaphore_mem>>) {add = true}
      %mul3A_128 = arith.constant 16 : i32
      %mul3A_129 = arith.muli %scan3A_38, %mul3A_128 : i32
      %add3A_130 = arith.constant 9 : i32
      %add3A_131 = arith.addi %mul3A_129, %add3A_130 : i32
      %dma_start3A_132 = arith.constant 0 : i32
      %dma_start3A_133 = tpu.memref_slice %arg4[%add3A_131, %dma_start3A_132] : memref<80x128xi32, #tpu.memory_space<vmem>> -> memref<1x128xi32, #tpu.memory_space<vmem>>
      %dma_start3A_134 = tpu.memref_squeeze %dma_start3A_133 : memref<1x128xi32, #tpu.memory_space<vmem>> -> memref<128xi32, #tpu.memory_space<vmem>>
      %dma_start3A_135 = arith.constant 0 : i32
      %dma_start3A_136 = arith.constant 0 : i32
      %dma_start3A_137 = tpu.memref_slice %arg7[%dma_start3A_135, %dma_start3A_136] : memref<10016x16xf32, #tpu.memory_space<vmem_shared>> -> memref<10016x16xf32, #tpu.memory_space<vmem_shared>>
      tpu.enqueue_indirect_dma source(%arg5 : memref<128x16xf32, #tpu.memory_space<vmem>>) target(%dma_start3A_137 : memref<10016x16xf32, #tpu.memory_space<vmem_shared>>) offsets(%dma_start3A_134 : memref<128xi32, #tpu.memory_space<vmem>>) semaphore(%arg8 : memref<!tpu.dma_semaphore, #tpu.memory_space<semaphore_mem>>) {add = true}
      %mul3A_138 = arith.constant 16 : i32
      %mul3A_139 = arith.muli %scan3A_38, %mul3A_138 : i32
      %add3A_140 = arith.constant 10 : i32
      %add3A_141 = arith.addi %mul3A_139, %add3A_140 : i32
      %dma_start3A_142 = arith.constant 0 : i32
      %dma_start3A_143 = tpu.memref_slice %arg4[%add3A_141, %dma_start3A_142] : memref<80x128xi32, #tpu.memory_space<vmem>> -> memref<1x128xi32, #tpu.memory_space<vmem>>
      %dma_start3A_144 = tpu.memref_squeeze %dma_start3A_143 : memref<1x128xi32, #tpu.memory_space<vmem>> -> memref<128xi32, #tpu.memory_space<vmem>>
      %dma_start3A_145 = arith.constant 0 : i32
      %dma_start3A_146 = arith.constant 0 : i32
      %dma_start3A_147 = tpu.memref_slice %arg7[%dma_start3A_145, %dma_start3A_146] : memref<10016x16xf32, #tpu.memory_space<vmem_shared>> -> memref<10016x16xf32, #tpu.memory_space<vmem_shared>>
      tpu.enqueue_indirect_dma source(%arg5 : memref<128x16xf32, #tpu.memory_space<vmem>>) target(%dma_start3A_147 : memref<10016x16xf32, #tpu.memory_space<vmem_shared>>) offsets(%dma_start3A_144 : memref<128xi32, #tpu.memory_space<vmem>>) semaphore(%arg8 : memref<!tpu.dma_semaphore, #tpu.memory_space<semaphore_mem>>) {add = true}
      %mul3A_148 = arith.constant 16 : i32
      %mul3A_149 = arith.muli %scan3A_38, %mul3A_148 : i32
      %add3A_150 = arith.constant 11 : i32
      %add3A_151 = arith.addi %mul3A_149, %add3A_150 : i32
      %dma_start3A_152 = arith.constant 0 : i32
      %dma_start3A_153 = tpu.memref_slice %arg4[%add3A_151, %dma_start3A_152] : memref<80x128xi32, #tpu.memory_space<vmem>> -> memref<1x128xi32, #tpu.memory_space<vmem>>
      %dma_start3A_154 = tpu.memref_squeeze %dma_start3A_153 : memref<1x128xi32, #tpu.memory_space<vmem>> -> memref<128xi32, #tpu.memory_space<vmem>>
      %dma_start3A_155 = arith.constant 0 : i32
      %dma_start3A_156 = arith.constant 0 : i32
      %dma_start3A_157 = tpu.memref_slice %arg7[%dma_start3A_155, %dma_start3A_156] : memref<10016x16xf32, #tpu.memory_space<vmem_shared>> -> memref<10016x16xf32, #tpu.memory_space<vmem_shared>>
      tpu.enqueue_indirect_dma source(%arg5 : memref<128x16xf32, #tpu.memory_space<vmem>>) target(%dma_start3A_157 : memref<10016x16xf32, #tpu.memory_space<vmem_shared>>) offsets(%dma_start3A_154 : memref<128xi32, #tpu.memory_space<vmem>>) semaphore(%arg8 : memref<!tpu.dma_semaphore, #tpu.memory_space<semaphore_mem>>) {add = true}
      %mul3A_158 = arith.constant 16 : i32
      %mul3A_159 = arith.muli %scan3A_38, %mul3A_158 : i32
      %add3A_160 = arith.constant 12 : i32
      %add3A_161 = arith.addi %mul3A_159, %add3A_160 : i32
      %dma_start3A_162 = arith.constant 0 : i32
      %dma_start3A_163 = tpu.memref_slice %arg4[%add3A_161, %dma_start3A_162] : memref<80x128xi32, #tpu.memory_space<vmem>> -> memref<1x128xi32, #tpu.memory_space<vmem>>
      %dma_start3A_164 = tpu.memref_squeeze %dma_start3A_163 : memref<1x128xi32, #tpu.memory_space<vmem>> -> memref<128xi32, #tpu.memory_space<vmem>>
      %dma_start3A_165 = arith.constant 0 : i32
      %dma_start3A_166 = arith.constant 0 : i32
      %dma_start3A_167 = tpu.memref_slice %arg7[%dma_start3A_165, %dma_start3A_166] : memref<10016x16xf32, #tpu.memory_space<vmem_shared>> -> memref<10016x16xf32, #tpu.memory_space<vmem_shared>>
      tpu.enqueue_indirect_dma source(%arg5 : memref<128x16xf32, #tpu.memory_space<vmem>>) target(%dma_start3A_167 : memref<10016x16xf32, #tpu.memory_space<vmem_shared>>) offsets(%dma_start3A_164 : memref<128xi32, #tpu.memory_space<vmem>>) semaphore(%arg8 : memref<!tpu.dma_semaphore, #tpu.memory_space<semaphore_mem>>) {add = true}
      %mul3A_168 = arith.constant 16 : i32
      %mul3A_169 = arith.muli %scan3A_38, %mul3A_168 : i32
      %add3A_170 = arith.constant 13 : i32
      %add3A_171 = arith.addi %mul3A_169, %add3A_170 : i32
      %dma_start3A_172 = arith.constant 0 : i32
      %dma_start3A_173 = tpu.memref_slice %arg4[%add3A_171, %dma_start3A_172] : memref<80x128xi32, #tpu.memory_space<vmem>> -> memref<1x128xi32, #tpu.memory_space<vmem>>
      %dma_start3A_174 = tpu.memref_squeeze %dma_start3A_173 : memref<1x128xi32, #tpu.memory_space<vmem>> -> memref<128xi32, #tpu.memory_space<vmem>>
      %dma_start3A_175 = arith.constant 0 : i32
      %dma_start3A_176 = arith.constant 0 : i32
      %dma_start3A_177 = tpu.memref_slice %arg7[%dma_start3A_175, %dma_start3A_176] : memref<10016x16xf32, #tpu.memory_space<vmem_shared>> -> memref<10016x16xf32, #tpu.memory_space<vmem_shared>>
      tpu.enqueue_indirect_dma source(%arg5 : memref<128x16xf32, #tpu.memory_space<vmem>>) target(%dma_start3A_177 : memref<10016x16xf32, #tpu.memory_space<vmem_shared>>) offsets(%dma_start3A_174 : memref<128xi32, #tpu.memory_space<vmem>>) semaphore(%arg8 : memref<!tpu.dma_semaphore, #tpu.memory_space<semaphore_mem>>) {add = true}
      %mul3A_178 = arith.constant 16 : i32
      %mul3A_179 = arith.muli %scan3A_38, %mul3A_178 : i32
      %add3A_180 = arith.constant 14 : i32
      %add3A_181 = arith.addi %mul3A_179, %add3A_180 : i32
      %dma_start3A_182 = arith.constant 0 : i32
      %dma_start3A_183 = tpu.memref_slice %arg4[%add3A_181, %dma_start3A_182] : memref<80x128xi32, #tpu.memory_space<vmem>> -> memref<1x128xi32, #tpu.memory_space<vmem>>
      %dma_start3A_184 = tpu.memref_squeeze %dma_start3A_183 : memref<1x128xi32, #tpu.memory_space<vmem>> -> memref<128xi32, #tpu.memory_space<vmem>>
      %dma_start3A_185 = arith.constant 0 : i32
      %dma_start3A_186 = arith.constant 0 : i32
      %dma_start3A_187 = tpu.memref_slice %arg7[%dma_start3A_185, %dma_start3A_186] : memref<10016x16xf32, #tpu.memory_space<vmem_shared>> -> memref<10016x16xf32, #tpu.memory_space<vmem_shared>>
      tpu.enqueue_indirect_dma source(%arg5 : memref<128x16xf32, #tpu.memory_space<vmem>>) target(%dma_start3A_187 : memref<10016x16xf32, #tpu.memory_space<vmem_shared>>) offsets(%dma_start3A_184 : memref<128xi32, #tpu.memory_space<vmem>>) semaphore(%arg8 : memref<!tpu.dma_semaphore, #tpu.memory_space<semaphore_mem>>) {add = true}
      %mul3A_188 = arith.constant 16 : i32
      %mul3A_189 = arith.muli %scan3A_38, %mul3A_188 : i32
      %add3A_190 = arith.constant 15 : i32
      %add3A_191 = arith.addi %mul3A_189, %add3A_190 : i32
      %dma_start3A_192 = arith.constant 0 : i32
      %dma_start3A_193 = tpu.memref_slice %arg4[%add3A_191, %dma_start3A_192] : memref<80x128xi32, #tpu.memory_space<vmem>> -> memref<1x128xi32, #tpu.memory_space<vmem>>
      %dma_start3A_194 = tpu.memref_squeeze %dma_start3A_193 : memref<1x128xi32, #tpu.memory_space<vmem>> -> memref<128xi32, #tpu.memory_space<vmem>>
      %dma_start3A_195 = arith.constant 0 : i32
      %dma_start3A_196 = arith.constant 0 : i32
      %dma_start3A_197 = tpu.memref_slice %arg7[%dma_start3A_195, %dma_start3A_196] : memref<10016x16xf32, #tpu.memory_space<vmem_shared>> -> memref<10016x16xf32, #tpu.memory_space<vmem_shared>>
      tpu.enqueue_indirect_dma source(%arg5 : memref<128x16xf32, #tpu.memory_space<vmem>>) target(%dma_start3A_197 : memref<10016x16xf32, #tpu.memory_space<vmem_shared>>) offsets(%dma_start3A_194 : memref<128xi32, #tpu.memory_space<vmem>>) semaphore(%arg8 : memref<!tpu.dma_semaphore, #tpu.memory_space<semaphore_mem>>) {add = true}
      %dma_wait3A = arith.constant 0 : i32
      %dma_wait3A_198 = arith.constant 0 : i32
      %dma_wait3A_199 = tpu.memref_slice %arg4[%dma_wait3A, %dma_wait3A_198] : memref<80x128xi32, #tpu.memory_space<vmem>> -> memref<1x128xi32, #tpu.memory_space<vmem>>
      %dma_wait3A_200 = tpu.memref_squeeze %dma_wait3A_199 : memref<1x128xi32, #tpu.memory_space<vmem>> -> memref<128xi32, #tpu.memory_space<vmem>>
      %dma_wait3A_201 = arith.constant 0 : i32
      %dma_wait3A_202 = arith.constant 0 : i32
      %dma_wait3A_203 = tpu.memref_slice %arg7[%dma_wait3A_201, %dma_wait3A_202] : memref<10016x16xf32, #tpu.memory_space<vmem_shared>> -> memref<10016x16xf32, #tpu.memory_space<vmem_shared>>
      tpu.wait_indirect_dma semaphore(%arg8 : memref<!tpu.dma_semaphore, #tpu.memory_space<semaphore_mem>>) src(%arg5 : memref<128x16xf32, #tpu.memory_space<vmem>>) dst(%dma_wait3A_203 : memref<10016x16xf32, #tpu.memory_space<vmem_shared>>)
      %dma_wait3A_204 = arith.constant 0 : i32
      %dma_wait3A_205 = arith.constant 0 : i32
      %dma_wait3A_206 = tpu.memref_slice %arg4[%dma_wait3A_204, %dma_wait3A_205] : memref<80x128xi32, #tpu.memory_space<vmem>> -> memref<1x128xi32, #tpu.memory_space<vmem>>
      %dma_wait3A_207 = tpu.memref_squeeze %dma_wait3A_206 : memref<1x128xi32, #tpu.memory_space<vmem>> -> memref<128xi32, #tpu.memory_space<vmem>>
      %dma_wait3A_208 = arith.constant 0 : i32
      %dma_wait3A_209 = arith.constant 0 : i32
      %dma_wait3A_210 = tpu.memref_slice %arg7[%dma_wait3A_208, %dma_wait3A_209] : memref<10016x16xf32, #tpu.memory_space<vmem_shared>> -> memref<10016x16xf32, #tpu.memory_space<vmem_shared>>
      tpu.wait_indirect_dma semaphore(%arg8 : memref<!tpu.dma_semaphore, #tpu.memory_space<semaphore_mem>>) src(%arg5 : memref<128x16xf32, #tpu.memory_space<vmem>>) dst(%dma_wait3A_210 : memref<10016x16xf32, #tpu.memory_space<vmem_shared>>)
      %dma_wait3A_211 = arith.constant 0 : i32
      %dma_wait3A_212 = arith.constant 0 : i32
      %dma_wait3A_213 = tpu.memref_slice %arg4[%dma_wait3A_211, %dma_wait3A_212] : memref<80x128xi32, #tpu.memory_space<vmem>> -> memref<1x128xi32, #tpu.memory_space<vmem>>
      %dma_wait3A_214 = tpu.memref_squeeze %dma_wait3A_213 : memref<1x128xi32, #tpu.memory_space<vmem>> -> memref<128xi32, #tpu.memory_space<vmem>>
      %dma_wait3A_215 = arith.constant 0 : i32
      %dma_wait3A_216 = arith.constant 0 : i32
      %dma_wait3A_217 = tpu.memref_slice %arg7[%dma_wait3A_215, %dma_wait3A_216] : memref<10016x16xf32, #tpu.memory_space<vmem_shared>> -> memref<10016x16xf32, #tpu.memory_space<vmem_shared>>
      tpu.wait_indirect_dma semaphore(%arg8 : memref<!tpu.dma_semaphore, #tpu.memory_space<semaphore_mem>>) src(%arg5 : memref<128x16xf32, #tpu.memory_space<vmem>>) dst(%dma_wait3A_217 : memref<10016x16xf32, #tpu.memory_space<vmem_shared>>)
      %dma_wait3A_218 = arith.constant 0 : i32
      %dma_wait3A_219 = arith.constant 0 : i32
      %dma_wait3A_220 = tpu.memref_slice %arg4[%dma_wait3A_218, %dma_wait3A_219] : memref<80x128xi32, #tpu.memory_space<vmem>> -> memref<1x128xi32, #tpu.memory_space<vmem>>
      %dma_wait3A_221 = tpu.memref_squeeze %dma_wait3A_220 : memref<1x128xi32, #tpu.memory_space<vmem>> -> memref<128xi32, #tpu.memory_space<vmem>>
      %dma_wait3A_222 = arith.constant 0 : i32
      %dma_wait3A_223 = arith.constant 0 : i32
      %dma_wait3A_224 = tpu.memref_slice %arg7[%dma_wait3A_222, %dma_wait3A_223] : memref<10016x16xf32, #tpu.memory_space<vmem_shared>> -> memref<10016x16xf32, #tpu.memory_space<vmem_shared>>
      tpu.wait_indirect_dma semaphore(%arg8 : memref<!tpu.dma_semaphore, #tpu.memory_space<semaphore_mem>>) src(%arg5 : memref<128x16xf32, #tpu.memory_space<vmem>>) dst(%dma_wait3A_224 : memref<10016x16xf32, #tpu.memory_space<vmem_shared>>)
      %dma_wait3A_225 = arith.constant 0 : i32
      %dma_wait3A_226 = arith.constant 0 : i32
      %dma_wait3A_227 = tpu.memref_slice %arg4[%dma_wait3A_225, %dma_wait3A_226] : memref<80x128xi32, #tpu.memory_space<vmem>> -> memref<1x128xi32, #tpu.memory_space<vmem>>
      %dma_wait3A_228 = tpu.memref_squeeze %dma_wait3A_227 : memref<1x128xi32, #tpu.memory_space<vmem>> -> memref<128xi32, #tpu.memory_space<vmem>>
      %dma_wait3A_229 = arith.constant 0 : i32
      %dma_wait3A_230 = arith.constant 0 : i32
      %dma_wait3A_231 = tpu.memref_slice %arg7[%dma_wait3A_229, %dma_wait3A_230] : memref<10016x16xf32, #tpu.memory_space<vmem_shared>> -> memref<10016x16xf32, #tpu.memory_space<vmem_shared>>
      tpu.wait_indirect_dma semaphore(%arg8 : memref<!tpu.dma_semaphore, #tpu.memory_space<semaphore_mem>>) src(%arg5 : memref<128x16xf32, #tpu.memory_space<vmem>>) dst(%dma_wait3A_231 : memref<10016x16xf32, #tpu.memory_space<vmem_shared>>)
      %dma_wait3A_232 = arith.constant 0 : i32
      %dma_wait3A_233 = arith.constant 0 : i32
      %dma_wait3A_234 = tpu.memref_slice %arg4[%dma_wait3A_232, %dma_wait3A_233] : memref<80x128xi32, #tpu.memory_space<vmem>> -> memref<1x128xi32, #tpu.memory_space<vmem>>
      %dma_wait3A_235 = tpu.memref_squeeze %dma_wait3A_234 : memref<1x128xi32, #tpu.memory_space<vmem>> -> memref<128xi32, #tpu.memory_space<vmem>>
      %dma_wait3A_236 = arith.constant 0 : i32
      %dma_wait3A_237 = arith.constant 0 : i32
      %dma_wait3A_238 = tpu.memref_slice %arg7[%dma_wait3A_236, %dma_wait3A_237] : memref<10016x16xf32, #tpu.memory_space<vmem_shared>> -> memref<10016x16xf32, #tpu.memory_space<vmem_shared>>
      tpu.wait_indirect_dma semaphore(%arg8 : memref<!tpu.dma_semaphore, #tpu.memory_space<semaphore_mem>>) src(%arg5 : memref<128x16xf32, #tpu.memory_space<vmem>>) dst(%dma_wait3A_238 : memref<10016x16xf32, #tpu.memory_space<vmem_shared>>)
      %dma_wait3A_239 = arith.constant 0 : i32
      %dma_wait3A_240 = arith.constant 0 : i32
      %dma_wait3A_241 = tpu.memref_slice %arg4[%dma_wait3A_239, %dma_wait3A_240] : memref<80x128xi32, #tpu.memory_space<vmem>> -> memref<1x128xi32, #tpu.memory_space<vmem>>
      %dma_wait3A_242 = tpu.memref_squeeze %dma_wait3A_241 : memref<1x128xi32, #tpu.memory_space<vmem>> -> memref<128xi32, #tpu.memory_space<vmem>>
      %dma_wait3A_243 = arith.constant 0 : i32
      %dma_wait3A_244 = arith.constant 0 : i32
      %dma_wait3A_245 = tpu.memref_slice %arg7[%dma_wait3A_243, %dma_wait3A_244] : memref<10016x16xf32, #tpu.memory_space<vmem_shared>> -> memref<10016x16xf32, #tpu.memory_space<vmem_shared>>
      tpu.wait_indirect_dma semaphore(%arg8 : memref<!tpu.dma_semaphore, #tpu.memory_space<semaphore_mem>>) src(%arg5 : memref<128x16xf32, #tpu.memory_space<vmem>>) dst(%dma_wait3A_245 : memref<10016x16xf32, #tpu.memory_space<vmem_shared>>)
      %dma_wait3A_246 = arith.constant 0 : i32
      %dma_wait3A_247 = arith.constant 0 : i32
      %dma_wait3A_248 = tpu.memref_slice %arg4[%dma_wait3A_246, %dma_wait3A_247] : memref<80x128xi32, #tpu.memory_space<vmem>> -> memref<1x128xi32, #tpu.memory_space<vmem>>
      %dma_wait3A_249 = tpu.memref_squeeze %dma_wait3A_248 : memref<1x128xi32, #tpu.memory_space<vmem>> -> memref<128xi32, #tpu.memory_space<vmem>>
      %dma_wait3A_250 = arith.constant 0 : i32
      %dma_wait3A_251 = arith.constant 0 : i32
      %dma_wait3A_252 = tpu.memref_slice %arg7[%dma_wait3A_250, %dma_wait3A_251] : memref<10016x16xf32, #tpu.memory_space<vmem_shared>> -> memref<10016x16xf32, #tpu.memory_space<vmem_shared>>
      tpu.wait_indirect_dma semaphore(%arg8 : memref<!tpu.dma_semaphore, #tpu.memory_space<semaphore_mem>>) src(%arg5 : memref<128x16xf32, #tpu.memory_space<vmem>>) dst(%dma_wait3A_252 : memref<10016x16xf32, #tpu.memory_space<vmem_shared>>)
      %dma_wait3A_253 = arith.constant 0 : i32
      %dma_wait3A_254 = arith.constant 0 : i32
      %dma_wait3A_255 = tpu.memref_slice %arg4[%dma_wait3A_253, %dma_wait3A_254] : memref<80x128xi32, #tpu.memory_space<vmem>> -> memref<1x128xi32, #tpu.memory_space<vmem>>
      %dma_wait3A_256 = tpu.memref_squeeze %dma_wait3A_255 : memref<1x128xi32, #tpu.memory_space<vmem>> -> memref<128xi32, #tpu.memory_space<vmem>>
      %dma_wait3A_257 = arith.constant 0 : i32
      %dma_wait3A_258 = arith.constant 0 : i32
      %dma_wait3A_259 = tpu.memref_slice %arg7[%dma_wait3A_257, %dma_wait3A_258] : memref<10016x16xf32, #tpu.memory_space<vmem_shared>> -> memref<10016x16xf32, #tpu.memory_space<vmem_shared>>
      tpu.wait_indirect_dma semaphore(%arg8 : memref<!tpu.dma_semaphore, #tpu.memory_space<semaphore_mem>>) src(%arg5 : memref<128x16xf32, #tpu.memory_space<vmem>>) dst(%dma_wait3A_259 : memref<10016x16xf32, #tpu.memory_space<vmem_shared>>)
      %dma_wait3A_260 = arith.constant 0 : i32
      %dma_wait3A_261 = arith.constant 0 : i32
      %dma_wait3A_262 = tpu.memref_slice %arg4[%dma_wait3A_260, %dma_wait3A_261] : memref<80x128xi32, #tpu.memory_space<vmem>> -> memref<1x128xi32, #tpu.memory_space<vmem>>
      %dma_wait3A_263 = tpu.memref_squeeze %dma_wait3A_262 : memref<1x128xi32, #tpu.memory_space<vmem>> -> memref<128xi32, #tpu.memory_space<vmem>>
      %dma_wait3A_264 = arith.constant 0 : i32
      %dma_wait3A_265 = arith.constant 0 : i32
      %dma_wait3A_266 = tpu.memref_slice %arg7[%dma_wait3A_264, %dma_wait3A_265] : memref<10016x16xf32, #tpu.memory_space<vmem_shared>> -> memref<10016x16xf32, #tpu.memory_space<vmem_shared>>
      tpu.wait_indirect_dma semaphore(%arg8 : memref<!tpu.dma_semaphore, #tpu.memory_space<semaphore_mem>>) src(%arg5 : memref<128x16xf32, #tpu.memory_space<vmem>>) dst(%dma_wait3A_266 : memref<10016x16xf32, #tpu.memory_space<vmem_shared>>)
      %dma_wait3A_267 = arith.constant 0 : i32
      %dma_wait3A_268 = arith.constant 0 : i32
      %dma_wait3A_269 = tpu.memref_slice %arg4[%dma_wait3A_267, %dma_wait3A_268] : memref<80x128xi32, #tpu.memory_space<vmem>> -> memref<1x128xi32, #tpu.memory_space<vmem>>
      %dma_wait3A_270 = tpu.memref_squeeze %dma_wait3A_269 : memref<1x128xi32, #tpu.memory_space<vmem>> -> memref<128xi32, #tpu.memory_space<vmem>>
      %dma_wait3A_271 = arith.constant 0 : i32
      %dma_wait3A_272 = arith.constant 0 : i32
      %dma_wait3A_273 = tpu.memref_slice %arg7[%dma_wait3A_271, %dma_wait3A_272] : memref<10016x16xf32, #tpu.memory_space<vmem_shared>> -> memref<10016x16xf32, #tpu.memory_space<vmem_shared>>
      tpu.wait_indirect_dma semaphore(%arg8 : memref<!tpu.dma_semaphore, #tpu.memory_space<semaphore_mem>>) src(%arg5 : memref<128x16xf32, #tpu.memory_space<vmem>>) dst(%dma_wait3A_273 : memref<10016x16xf32, #tpu.memory_space<vmem_shared>>)
      %dma_wait3A_274 = arith.constant 0 : i32
      %dma_wait3A_275 = arith.constant 0 : i32
      %dma_wait3A_276 = tpu.memref_slice %arg4[%dma_wait3A_274, %dma_wait3A_275] : memref<80x128xi32, #tpu.memory_space<vmem>> -> memref<1x128xi32, #tpu.memory_space<vmem>>
      %dma_wait3A_277 = tpu.memref_squeeze %dma_wait3A_276 : memref<1x128xi32, #tpu.memory_space<vmem>> -> memref<128xi32, #tpu.memory_space<vmem>>
      %dma_wait3A_278 = arith.constant 0 : i32
      %dma_wait3A_279 = arith.constant 0 : i32
      %dma_wait3A_280 = tpu.memref_slice %arg7[%dma_wait3A_278, %dma_wait3A_279] : memref<10016x16xf32, #tpu.memory_space<vmem_shared>> -> memref<10016x16xf32, #tpu.memory_space<vmem_shared>>
      tpu.wait_indirect_dma semaphore(%arg8 : memref<!tpu.dma_semaphore, #tpu.memory_space<semaphore_mem>>) src(%arg5 : memref<128x16xf32, #tpu.memory_space<vmem>>) dst(%dma_wait3A_280 : memref<10016x16xf32, #tpu.memory_space<vmem_shared>>)
      %dma_wait3A_281 = arith.constant 0 : i32
      %dma_wait3A_282 = arith.constant 0 : i32
      %dma_wait3A_283 = tpu.memref_slice %arg4[%dma_wait3A_281, %dma_wait3A_282] : memref<80x128xi32, #tpu.memory_space<vmem>> -> memref<1x128xi32, #tpu.memory_space<vmem>>
      %dma_wait3A_284 = tpu.memref_squeeze %dma_wait3A_283 : memref<1x128xi32, #tpu.memory_space<vmem>> -> memref<128xi32, #tpu.memory_space<vmem>>
      %dma_wait3A_285 = arith.constant 0 : i32
      %dma_wait3A_286 = arith.constant 0 : i32
      %dma_wait3A_287 = tpu.memref_slice %arg7[%dma_wait3A_285, %dma_wait3A_286] : memref<10016x16xf32, #tpu.memory_space<vmem_shared>> -> memref<10016x16xf32, #tpu.memory_space<vmem_shared>>
      tpu.wait_indirect_dma semaphore(%arg8 : memref<!tpu.dma_semaphore, #tpu.memory_space<semaphore_mem>>) src(%arg5 : memref<128x16xf32, #tpu.memory_space<vmem>>) dst(%dma_wait3A_287 : memref<10016x16xf32, #tpu.memory_space<vmem_shared>>)
      %dma_wait3A_288 = arith.constant 0 : i32
      %dma_wait3A_289 = arith.constant 0 : i32
      %dma_wait3A_290 = tpu.memref_slice %arg4[%dma_wait3A_288, %dma_wait3A_289] : memref<80x128xi32, #tpu.memory_space<vmem>> -> memref<1x128xi32, #tpu.memory_space<vmem>>
      %dma_wait3A_291 = tpu.memref_squeeze %dma_wait3A_290 : memref<1x128xi32, #tpu.memory_space<vmem>> -> memref<128xi32, #tpu.memory_space<vmem>>
      %dma_wait3A_292 = arith.constant 0 : i32
      %dma_wait3A_293 = arith.constant 0 : i32
      %dma_wait3A_294 = tpu.memref_slice %arg7[%dma_wait3A_292, %dma_wait3A_293] : memref<10016x16xf32, #tpu.memory_space<vmem_shared>> -> memref<10016x16xf32, #tpu.memory_space<vmem_shared>>
      tpu.wait_indirect_dma semaphore(%arg8 : memref<!tpu.dma_semaphore, #tpu.memory_space<semaphore_mem>>) src(%arg5 : memref<128x16xf32, #tpu.memory_space<vmem>>) dst(%dma_wait3A_294 : memref<10016x16xf32, #tpu.memory_space<vmem_shared>>)
      %dma_wait3A_295 = arith.constant 0 : i32
      %dma_wait3A_296 = arith.constant 0 : i32
      %dma_wait3A_297 = tpu.memref_slice %arg4[%dma_wait3A_295, %dma_wait3A_296] : memref<80x128xi32, #tpu.memory_space<vmem>> -> memref<1x128xi32, #tpu.memory_space<vmem>>
      %dma_wait3A_298 = tpu.memref_squeeze %dma_wait3A_297 : memref<1x128xi32, #tpu.memory_space<vmem>> -> memref<128xi32, #tpu.memory_space<vmem>>
      %dma_wait3A_299 = arith.constant 0 : i32
      %dma_wait3A_300 = arith.constant 0 : i32
      %dma_wait3A_301 = tpu.memref_slice %arg7[%dma_wait3A_299, %dma_wait3A_300] : memref<10016x16xf32, #tpu.memory_space<vmem_shared>> -> memref<10016x16xf32, #tpu.memory_space<vmem_shared>>
      tpu.wait_indirect_dma semaphore(%arg8 : memref<!tpu.dma_semaphore, #tpu.memory_space<semaphore_mem>>) src(%arg5 : memref<128x16xf32, #tpu.memory_space<vmem>>) dst(%dma_wait3A_301 : memref<10016x16xf32, #tpu.memory_space<vmem_shared>>)
      %dma_wait3A_302 = arith.constant 0 : i32
      %dma_wait3A_303 = arith.constant 0 : i32
      %dma_wait3A_304 = tpu.memref_slice %arg4[%dma_wait3A_302, %dma_wait3A_303] : memref<80x128xi32, #tpu.memory_space<vmem>> -> memref<1x128xi32, #tpu.memory_space<vmem>>
      %dma_wait3A_305 = tpu.memref_squeeze %dma_wait3A_304 : memref<1x128xi32, #tpu.memory_space<vmem>> -> memref<128xi32, #tpu.memory_space<vmem>>
      %dma_wait3A_306 = arith.constant 0 : i32
      %dma_wait3A_307 = arith.constant 0 : i32
      %dma_wait3A_308 = tpu.memref_slice %arg7[%dma_wait3A_306, %dma_wait3A_307] : memref<10016x16xf32, #tpu.memory_space<vmem_shared>> -> memref<10016x16xf32, #tpu.memory_space<vmem_shared>>
      tpu.wait_indirect_dma semaphore(%arg8 : memref<!tpu.dma_semaphore, #tpu.memory_space<semaphore_mem>>) src(%arg5 : memref<128x16xf32, #tpu.memory_space<vmem>>) dst(%dma_wait3A_308 : memref<10016x16xf32, #tpu.memory_space<vmem_shared>>)
    }
    %scan3A_27 = arith.constant 5 : i32
    %barrier3A_28 = arith.constant 0 : index
    tpu.barrier barrier_id(%barrier3A_28)
    %scan3A_29 = arith.constant 0 : i32
    %scan3A_30 = arith.constant 0 : i32
    %scan3A_31 = arith.constant 39 : i32
    %scan3A_32 = arith.addi %scan3A_30, %scan3A_31 : i32
    %scan3A_33 = arith.constant 1 : i32
    scf.for %scan3A_38 = %scan3A_30 to %scan3A_32 step %scan3A_33  : i32 {
      %mul3A_39 = arith.constant 16 : i32
      %mul3A_40 = arith.muli %scan3A_38, %mul3A_39 : i32
      %add3A_41 = arith.addi %mul3A_3, %mul3A_40 : i32
      "tpu.region"() ({
        %run_scoped3A = tpu.sem_alloc : memref<!tpu.dma_semaphore, #tpu.memory_space<semaphore_mem>>
        %dma_start3A = arith.constant 0 : i32
        %dma_start3A_42 = tpu.memref_slice %arg7[%add3A_41, %dma_start3A] : memref<10016x16xf32, #tpu.memory_space<vmem_shared>> -> memref<16x16xf32, #tpu.memory_space<vmem_shared>>
        %dma_start3A_43 = arith.constant 0 : i32
        %dma_start3A_44 = tpu.memref_slice %arg7[%add3A_41, %dma_start3A_43] : memref<10016x16xf32, #tpu.memory_space<vmem_shared>> -> memref<16x16xf32, #tpu.memory_space<vmem_shared>>
        tpu.enqueue_dma source(%dma_start3A_44 : memref<16x16xf32, #tpu.memory_space<vmem_shared>>) target(%arg6 : memref<16x16xf32, #tpu.memory_space<vmem>>) target_semaphore(%run_scoped3A : memref<!tpu.dma_semaphore, #tpu.memory_space<semaphore_mem>>)
        %dma_wait3A = arith.constant 0 : i32
        %dma_wait3A_45 = tpu.memref_slice %arg7[%add3A_41, %dma_wait3A] : memref<10016x16xf32, #tpu.memory_space<vmem_shared>> -> memref<16x16xf32, #tpu.memory_space<vmem_shared>>
        %dma_wait3A_46 = arith.constant 0 : i32
        %dma_wait3A_47 = tpu.memref_slice %arg7[%add3A_41, %dma_wait3A_46] : memref<10016x16xf32, #tpu.memory_space<vmem_shared>> -> memref<16x16xf32, #tpu.memory_space<vmem_shared>>
        tpu.wait_dma2 semaphore(%run_scoped3A : memref<!tpu.dma_semaphore, #tpu.memory_space<semaphore_mem>>) src(%dma_wait3A_47 : memref<16x16xf32, #tpu.memory_space<vmem_shared>>) dst(%arg6 : memref<16x16xf32, #tpu.memory_space<vmem>>)
        tpu.yield
      }) : () -> ()
      "tpu.region"() ({
        %run_scoped3A = tpu.sem_alloc : memref<!tpu.dma_semaphore, #tpu.memory_space<semaphore_mem>>
        %dma_start3A = arith.constant 0 : i32
        %dma_start3A_42 = tpu.memref_slice %arg3[%arg0, %add3A_41, %dma_start3A] : memref<2x10000x16xf32, #tpu.memory_space<hbm>> -> memref<1x16x16xf32, #tpu.memory_space<hbm>>
        %dma_start3A_43 = tpu.memref_squeeze %dma_start3A_42 : memref<1x16x16xf32, #tpu.memory_space<hbm>> -> memref<16x16xf32, #tpu.memory_space<hbm>>
        %dma_start3A_44 = arith.constant 0 : i32
        %dma_start3A_45 = tpu.memref_slice %arg3[%arg0, %add3A_41, %dma_start3A_44] : memref<2x10000x16xf32, #tpu.memory_space<hbm>> -> memref<1x16x16xf32, #tpu.memory_space<hbm>>
        %dma_start3A_46 = tpu.memref_squeeze %dma_start3A_45 : memref<1x16x16xf32, #tpu.memory_space<hbm>> -> memref<16x16xf32, #tpu.memory_space<hbm>>
        tpu.enqueue_dma source(%arg6 : memref<16x16xf32, #tpu.memory_space<vmem>>) target(%dma_start3A_46 : memref<16x16xf32, #tpu.memory_space<hbm>>) target_semaphore(%run_scoped3A : memref<!tpu.dma_semaphore, #tpu.memory_space<semaphore_mem>>)
        %dma_wait3A = arith.constant 0 : i32
        %dma_wait3A_47 = tpu.memref_slice %arg3[%arg0, %add3A_41, %dma_wait3A] : memref<2x10000x16xf32, #tpu.memory_space<hbm>> -> memref<1x16x16xf32, #tpu.memory_space<hbm>>
        %dma_wait3A_48 = tpu.memref_squeeze %dma_wait3A_47 : memref<1x16x16xf32, #tpu.memory_space<hbm>> -> memref<16x16xf32, #tpu.memory_space<hbm>>
        %dma_wait3A_49 = arith.constant 0 : i32
        %dma_wait3A_50 = tpu.memref_slice %arg3[%arg0, %add3A_41, %dma_wait3A_49] : memref<2x10000x16xf32, #tpu.memory_space<hbm>> -> memref<1x16x16xf32, #tpu.memory_space<hbm>>
        %dma_wait3A_51 = tpu.memref_squeeze %dma_wait3A_50 : memref<1x16x16xf32, #tpu.memory_space<hbm>> -> memref<16x16xf32, #tpu.memory_space<hbm>>
        tpu.wait_dma2 semaphore(%run_scoped3A : memref<!tpu.dma_semaphore, #tpu.memory_space<semaphore_mem>>) src(%arg6 : memref<16x16xf32, #tpu.memory_space<vmem>>) dst(%dma_wait3A_51 : memref<16x16xf32, #tpu.memory_space<hbm>>)
        tpu.yield
      }) : () -> ()
    }
    %scan3A_34 = arith.constant 39 : i32
    %convert_element_type3A_35 = arith.extui %eq3A_1 : i1 to i32
    %cond3A_36 = arith.constant 0 : i32
    %cond3A_37 = arith.cmpi ne, %convert_element_type3A_35, %cond3A_36 : i32
    scf.if %cond3A_37 {
      "tpu.region"() ({
        %run_scoped3A = tpu.sem_alloc : memref<!tpu.dma_semaphore, #tpu.memory_space<semaphore_mem>>
        %dma_start3A = arith.constant 9984 : i32
        %dma_start3A_38 = arith.constant 0 : i32
        %dma_start3A_39 = tpu.memref_slice %arg7[%dma_start3A, %dma_start3A_38] : memref<10016x16xf32, #tpu.memory_space<vmem_shared>> -> memref<16x16xf32, #tpu.memory_space<vmem_shared>>
        %dma_start3A_40 = arith.constant 9984 : i32
        %dma_start3A_41 = arith.constant 0 : i32
        %dma_start3A_42 = tpu.memref_slice %arg7[%dma_start3A_40, %dma_start3A_41] : memref<10016x16xf32, #tpu.memory_space<vmem_shared>> -> memref<16x16xf32, #tpu.memory_space<vmem_shared>>
        tpu.enqueue_dma source(%dma_start3A_42 : memref<16x16xf32, #tpu.memory_space<vmem_shared>>) target(%arg6 : memref<16x16xf32, #tpu.memory_space<vmem>>) target_semaphore(%run_scoped3A : memref<!tpu.dma_semaphore, #tpu.memory_space<semaphore_mem>>)
        %dma_wait3A = arith.constant 9984 : i32
        %dma_wait3A_43 = arith.constant 0 : i32
        %dma_wait3A_44 = tpu.memref_slice %arg7[%dma_wait3A, %dma_wait3A_43] : memref<10016x16xf32, #tpu.memory_space<vmem_shared>> -> memref<16x16xf32, #tpu.memory_space<vmem_shared>>
        %dma_wait3A_45 = arith.constant 9984 : i32
        %dma_wait3A_46 = arith.constant 0 : i32
        %dma_wait3A_47 = tpu.memref_slice %arg7[%dma_wait3A_45, %dma_wait3A_46] : memref<10016x16xf32, #tpu.memory_space<vmem_shared>> -> memref<16x16xf32, #tpu.memory_space<vmem_shared>>
        tpu.wait_dma2 semaphore(%run_scoped3A : memref<!tpu.dma_semaphore, #tpu.memory_space<semaphore_mem>>) src(%dma_wait3A_47 : memref<16x16xf32, #tpu.memory_space<vmem_shared>>) dst(%arg6 : memref<16x16xf32, #tpu.memory_space<vmem>>)
        tpu.yield
      }) : () -> ()
      "tpu.region"() ({
        %run_scoped3A = tpu.sem_alloc : memref<!tpu.dma_semaphore, #tpu.memory_space<semaphore_mem>>
        %dma_start3A = arith.constant 9984 : i32
        %dma_start3A_38 = arith.constant 0 : i32
        %dma_start3A_39 = tpu.memref_slice %arg3[%arg0, %dma_start3A, %dma_start3A_38] : memref<2x10000x16xf32, #tpu.memory_space<hbm>> -> memref<1x16x16xf32, #tpu.memory_space<hbm>>
        %dma_start3A_40 = tpu.memref_squeeze %dma_start3A_39 : memref<1x16x16xf32, #tpu.memory_space<hbm>> -> memref<16x16xf32, #tpu.memory_space<hbm>>
        %dma_start3A_41 = arith.constant 9984 : i32
        %dma_start3A_42 = arith.constant 0 : i32
        %dma_start3A_43 = tpu.memref_slice %arg3[%arg0, %dma_start3A_41, %dma_start3A_42] : memref<2x10000x16xf32, #tpu.memory_space<hbm>> -> memref<1x16x16xf32, #tpu.memory_space<hbm>>
        %dma_start3A_44 = tpu.memref_squeeze %dma_start3A_43 : memref<1x16x16xf32, #tpu.memory_space<hbm>> -> memref<16x16xf32, #tpu.memory_space<hbm>>
        tpu.enqueue_dma source(%arg6 : memref<16x16xf32, #tpu.memory_space<vmem>>) target(%dma_start3A_44 : memref<16x16xf32, #tpu.memory_space<hbm>>) target_semaphore(%run_scoped3A : memref<!tpu.dma_semaphore, #tpu.memory_space<semaphore_mem>>)
        %dma_wait3A = arith.constant 9984 : i32
        %dma_wait3A_45 = arith.constant 0 : i32
        %dma_wait3A_46 = tpu.memref_slice %arg3[%arg0, %dma_wait3A, %dma_wait3A_45] : memref<2x10000x16xf32, #tpu.memory_space<hbm>> -> memref<1x16x16xf32, #tpu.memory_space<hbm>>
        %dma_wait3A_47 = tpu.memref_squeeze %dma_wait3A_46 : memref<1x16x16xf32, #tpu.memory_space<hbm>> -> memref<16x16xf32, #tpu.memory_space<hbm>>
        %dma_wait3A_48 = arith.constant 9984 : i32
        %dma_wait3A_49 = arith.constant 0 : i32
        %dma_wait3A_50 = tpu.memref_slice %arg3[%arg0, %dma_wait3A_48, %dma_wait3A_49] : memref<2x10000x16xf32, #tpu.memory_space<hbm>> -> memref<1x16x16xf32, #tpu.memory_space<hbm>>
        %dma_wait3A_51 = tpu.memref_squeeze %dma_wait3A_50 : memref<1x16x16xf32, #tpu.memory_space<hbm>> -> memref<16x16xf32, #tpu.memory_space<hbm>>
        tpu.wait_dma2 semaphore(%run_scoped3A : memref<!tpu.dma_semaphore, #tpu.memory_space<semaphore_mem>>) src(%arg6 : memref<16x16xf32, #tpu.memory_space<vmem>>) dst(%dma_wait3A_51 : memref<16x16xf32, #tpu.memory_space<hbm>>)
        tpu.yield
      }) : () -> ()
    } else {
    }
    return
  }
}

#map = affine_map<(d0, d1) -> (0, 0, 0)>
#map1 = affine_map<(d0, d1) -> (0, 0, 0, 0)>
module attributes {stable_mosaic.version = 14 : i64} {
  func.func @kern(%arg0: i32, %arg1: i32, %arg2: memref<2x10000x64xf32, #tpu.memory_space<hbm>>, %arg3: memref<32x80x128xi32, #tpu.memory_space<hbm>>, %arg4: memref<32x80x128xi32, #tpu.memory_space<hbm>>, %arg5: memref<2x2x10000x64xf32, #tpu.memory_space<hbm>>, %arg6: memref<80x128xi32, #tpu.memory_space<vmem>>, %arg7: memref<80x128xi32, #tpu.memory_space<vmem>>, %arg8: memref<128x64xf32, #tpu.memory_space<vmem>>, %arg9: memref<128x64xf32, #tpu.memory_space<vmem>>, %arg10: memref<16x64xf32, #tpu.memory_space<vmem>>, %arg11: memref<104x64xf32, #tpu.memory_space<vmem>>, %arg12: memref<10000x64xf32, #tpu.memory_space<vmem_shared>>, %arg13: memref<10016x64xf32, #tpu.memory_space<vmem_shared>>, %arg14: memref<!tpu.dma_semaphore, #tpu.memory_space<semaphore_mem>>, %arg15: memref<!tpu.dma_semaphore, #tpu.memory_space<semaphore_mem>>, %arg16: memref<!tpu.dma_semaphore, #tpu.memory_space<semaphore_mem>>, %arg17: memref<!tpu.dma_semaphore, #tpu.memory_space<semaphore_mem>>) attributes {dimension_semantics = [#tpu.dimension_semantics<core_parallel>, #tpu.dimension_semantics<subcore_parallel>], iteration_bounds = array<i64: 2, 16>, scalar_prefetch = 0 : i64, scratch_operands = 12 : i64, tpu.core_type = #tpu.core_type<sc_vector_subcore>, window_params = [{transform_indices = #map}, {transform_indices = #map}, {transform_indices = #map}, {transform_indices = #map1}]} {
    %mul3A = arith.constant 16 : i32
    %mul3A_0 = arith.muli %arg0, %mul3A : i32
    %add3A = arith.addi %mul3A_0, %arg1 : i32
    %eq3A = arith.constant 15 : i32
    %eq3A_1 = arith.cmpi eq, %arg1, %eq3A : i32
    %mul3A_2 = arith.constant 624 : i32
    %mul3A_3 = arith.muli %arg1, %mul3A_2 : i32
    "tpu.region"() ({
      %run_scoped3A = tpu.sem_alloc : memref<!tpu.dma_semaphore, #tpu.memory_space<semaphore_mem>>
      %dma_start3A_134 = arith.constant 0 : i32
      %dma_start3A_135 = arith.constant 0 : i32
      %dma_start3A_136 = tpu.memref_slice %arg3[%add3A, %dma_start3A_134, %dma_start3A_135] : memref<32x80x128xi32, #tpu.memory_space<hbm>> -> memref<1x80x128xi32, #tpu.memory_space<hbm>>
      %dma_start3A_137 = tpu.memref_squeeze %dma_start3A_136 : memref<1x80x128xi32, #tpu.memory_space<hbm>> -> memref<80x128xi32, #tpu.memory_space<hbm>>
      %dma_start3A_138 = arith.constant 0 : i32
      %dma_start3A_139 = arith.constant 0 : i32
      %dma_start3A_140 = tpu.memref_slice %arg3[%add3A, %dma_start3A_138, %dma_start3A_139] : memref<32x80x128xi32, #tpu.memory_space<hbm>> -> memref<1x80x128xi32, #tpu.memory_space<hbm>>
      %dma_start3A_141 = tpu.memref_squeeze %dma_start3A_140 : memref<1x80x128xi32, #tpu.memory_space<hbm>> -> memref<80x128xi32, #tpu.memory_space<hbm>>
      tpu.enqueue_dma source(%dma_start3A_141 : memref<80x128xi32, #tpu.memory_space<hbm>>) target(%arg6 : memref<80x128xi32, #tpu.memory_space<vmem>>) target_semaphore(%run_scoped3A : memref<!tpu.dma_semaphore, #tpu.memory_space<semaphore_mem>>)
      %dma_wait3A_142 = arith.constant 0 : i32
      %dma_wait3A_143 = arith.constant 0 : i32
      %dma_wait3A_144 = tpu.memref_slice %arg3[%add3A, %dma_wait3A_142, %dma_wait3A_143] : memref<32x80x128xi32, #tpu.memory_space<hbm>> -> memref<1x80x128xi32, #tpu.memory_space<hbm>>
      %dma_wait3A_145 = tpu.memref_squeeze %dma_wait3A_144 : memref<1x80x128xi32, #tpu.memory_space<hbm>> -> memref<80x128xi32, #tpu.memory_space<hbm>>
      %dma_wait3A_146 = arith.constant 0 : i32
      %dma_wait3A_147 = arith.constant 0 : i32
      %dma_wait3A_148 = tpu.memref_slice %arg3[%add3A, %dma_wait3A_146, %dma_wait3A_147] : memref<32x80x128xi32, #tpu.memory_space<hbm>> -> memref<1x80x128xi32, #tpu.memory_space<hbm>>
      %dma_wait3A_149 = tpu.memref_squeeze %dma_wait3A_148 : memref<1x80x128xi32, #tpu.memory_space<hbm>> -> memref<80x128xi32, #tpu.memory_space<hbm>>
      tpu.wait_dma2 semaphore(%run_scoped3A : memref<!tpu.dma_semaphore, #tpu.memory_space<semaphore_mem>>) src(%dma_wait3A_149 : memref<80x128xi32, #tpu.memory_space<hbm>>) dst(%arg6 : memref<80x128xi32, #tpu.memory_space<vmem>>)
      tpu.yield
    }) : () -> ()
    "tpu.region"() ({
      %run_scoped3A = tpu.sem_alloc : memref<!tpu.dma_semaphore, #tpu.memory_space<semaphore_mem>>
      %dma_start3A_134 = arith.constant 0 : i32
      %dma_start3A_135 = arith.constant 0 : i32
      %dma_start3A_136 = tpu.memref_slice %arg4[%add3A, %dma_start3A_134, %dma_start3A_135] : memref<32x80x128xi32, #tpu.memory_space<hbm>> -> memref<1x80x128xi32, #tpu.memory_space<hbm>>
      %dma_start3A_137 = tpu.memref_squeeze %dma_start3A_136 : memref<1x80x128xi32, #tpu.memory_space<hbm>> -> memref<80x128xi32, #tpu.memory_space<hbm>>
      %dma_start3A_138 = arith.constant 0 : i32
      %dma_start3A_139 = arith.constant 0 : i32
      %dma_start3A_140 = tpu.memref_slice %arg4[%add3A, %dma_start3A_138, %dma_start3A_139] : memref<32x80x128xi32, #tpu.memory_space<hbm>> -> memref<1x80x128xi32, #tpu.memory_space<hbm>>
      %dma_start3A_141 = tpu.memref_squeeze %dma_start3A_140 : memref<1x80x128xi32, #tpu.memory_space<hbm>> -> memref<80x128xi32, #tpu.memory_space<hbm>>
      tpu.enqueue_dma source(%dma_start3A_141 : memref<80x128xi32, #tpu.memory_space<hbm>>) target(%arg7 : memref<80x128xi32, #tpu.memory_space<vmem>>) target_semaphore(%run_scoped3A : memref<!tpu.dma_semaphore, #tpu.memory_space<semaphore_mem>>)
      %dma_wait3A_142 = arith.constant 0 : i32
      %dma_wait3A_143 = arith.constant 0 : i32
      %dma_wait3A_144 = tpu.memref_slice %arg4[%add3A, %dma_wait3A_142, %dma_wait3A_143] : memref<32x80x128xi32, #tpu.memory_space<hbm>> -> memref<1x80x128xi32, #tpu.memory_space<hbm>>
      %dma_wait3A_145 = tpu.memref_squeeze %dma_wait3A_144 : memref<1x80x128xi32, #tpu.memory_space<hbm>> -> memref<80x128xi32, #tpu.memory_space<hbm>>
      %dma_wait3A_146 = arith.constant 0 : i32
      %dma_wait3A_147 = arith.constant 0 : i32
      %dma_wait3A_148 = tpu.memref_slice %arg4[%add3A, %dma_wait3A_146, %dma_wait3A_147] : memref<32x80x128xi32, #tpu.memory_space<hbm>> -> memref<1x80x128xi32, #tpu.memory_space<hbm>>
      %dma_wait3A_149 = tpu.memref_squeeze %dma_wait3A_148 : memref<1x80x128xi32, #tpu.memory_space<hbm>> -> memref<80x128xi32, #tpu.memory_space<hbm>>
      tpu.wait_dma2 semaphore(%run_scoped3A : memref<!tpu.dma_semaphore, #tpu.memory_space<semaphore_mem>>) src(%dma_wait3A_149 : memref<80x128xi32, #tpu.memory_space<hbm>>) dst(%arg7 : memref<80x128xi32, #tpu.memory_space<vmem>>)
      tpu.yield
    }) : () -> ()
    %scan3A = arith.constant 0 : i32
    %scan3A_4 = arith.constant 0 : i32
    %scan3A_5 = arith.constant 16 : i32
    %scan3A_6 = arith.addi %scan3A_4, %scan3A_5 : i32
    %scan3A_7 = arith.constant 1 : i32
    scf.for %scan3A_134 = %scan3A_4 to %scan3A_6 step %scan3A_7  : i32 {
      %broadcast_in_dim3A = arith.constant 0.000000e+00 : f32
      %broadcast_in_dim3A_135 = vector.broadcast %broadcast_in_dim3A : f32 to vector<16xf32>
      %swap3A = arith.index_cast %scan3A_134 : i32 to index
      %swap3A_136 = arith.constant 0 : index
      %swap3A_137 = tpu.vector_load %arg10[%swap3A, %swap3A_136] {strides = array<i32>} : memref<16x64xf32, #tpu.memory_space<vmem>>, vector<1x16xf32>,
      %swap3A_138 = vector.shape_cast %swap3A_137 : vector<1x16xf32> to vector<16xf32>
      %swap3A_139 = vector.shape_cast %broadcast_in_dim3A_135 : vector<16xf32> to vector<1x16xf32>
      tpu.vector_store %arg10[%swap3A, %swap3A_136], %swap3A_139 {strides = array<i32>} : memref<16x64xf32, #tpu.memory_space<vmem>>, vector<1x16xf32>,
      %broadcast_in_dim3A_140 = arith.constant 0.000000e+00 : f32
      %broadcast_in_dim3A_141 = vector.broadcast %broadcast_in_dim3A_140 : f32 to vector<16xf32>
      %swap3A_142 = arith.index_cast %scan3A_134 : i32 to index
      %swap3A_143 = arith.constant 16 : index
      %swap3A_144 = tpu.vector_load %arg10[%swap3A_142, %swap3A_143] {strides = array<i32>} : memref<16x64xf32, #tpu.memory_space<vmem>>, vector<1x16xf32>,
      %swap3A_145 = vector.shape_cast %swap3A_144 : vector<1x16xf32> to vector<16xf32>
      %swap3A_146 = vector.shape_cast %broadcast_in_dim3A_141 : vector<16xf32> to vector<1x16xf32>
      tpu.vector_store %arg10[%swap3A_142, %swap3A_143], %swap3A_146 {strides = array<i32>} : memref<16x64xf32, #tpu.memory_space<vmem>>, vector<1x16xf32>,
      %broadcast_in_dim3A_147 = arith.constant 0.000000e+00 : f32
      %broadcast_in_dim3A_148 = vector.broadcast %broadcast_in_dim3A_147 : f32 to vector<16xf32>
      %swap3A_149 = arith.index_cast %scan3A_134 : i32 to index
      %swap3A_150 = arith.constant 32 : index
      %swap3A_151 = tpu.vector_load %arg10[%swap3A_149, %swap3A_150] {strides = array<i32>} : memref<16x64xf32, #tpu.memory_space<vmem>>, vector<1x16xf32>,
      %swap3A_152 = vector.shape_cast %swap3A_151 : vector<1x16xf32> to vector<16xf32>
      %swap3A_153 = vector.shape_cast %broadcast_in_dim3A_148 : vector<16xf32> to vector<1x16xf32>
      tpu.vector_store %arg10[%swap3A_149, %swap3A_150], %swap3A_153 {strides = array<i32>} : memref<16x64xf32, #tpu.memory_space<vmem>>, vector<1x16xf32>,
      %broadcast_in_dim3A_154 = arith.constant 0.000000e+00 : f32
      %broadcast_in_dim3A_155 = vector.broadcast %broadcast_in_dim3A_154 : f32 to vector<16xf32>
      %swap3A_156 = arith.index_cast %scan3A_134 : i32 to index
      %swap3A_157 = arith.constant 48 : index
      %swap3A_158 = tpu.vector_load %arg10[%swap3A_156, %swap3A_157] {strides = array<i32>} : memref<16x64xf32, #tpu.memory_space<vmem>>, vector<1x16xf32>,
      %swap3A_159 = vector.shape_cast %swap3A_158 : vector<1x16xf32> to vector<16xf32>
      %swap3A_160 = vector.shape_cast %broadcast_in_dim3A_155 : vector<16xf32> to vector<1x16xf32>
      tpu.vector_store %arg10[%swap3A_156, %swap3A_157], %swap3A_160 {strides = array<i32>} : memref<16x64xf32, #tpu.memory_space<vmem>>, vector<1x16xf32>,
    }
    %scan3A_8 = arith.constant 16 : i32
    %scan3A_9 = arith.constant 0 : i32
    %scan3A_10 = arith.constant 0 : i32
    %scan3A_11 = arith.constant 0 : i32
    %scan3A_12 = arith.constant 6 : i32
    %scan3A_13 = arith.addi %scan3A_11, %scan3A_12 : i32
    %scan3A_14 = arith.constant 1 : i32
    scf.for %scan3A_134 = %scan3A_11 to %scan3A_13 step %scan3A_14  : i32 {
      %mul3A_135 = arith.constant 104 : i32
      %mul3A_136 = arith.muli %scan3A_134, %mul3A_135 : i32
      %add3A_137 = arith.addi %mul3A_3, %mul3A_136 : i32
      "tpu.region"() ({
        %run_scoped3A = tpu.sem_alloc : memref<!tpu.dma_semaphore, #tpu.memory_space<semaphore_mem>>
        %dma_start3A_138 = arith.constant 0 : i32
        %dma_start3A_139 = arith.constant 0 : i32
        %dma_start3A_140 = tpu.memref_slice %arg2[%scan3A_10, %dma_start3A_138, %dma_start3A_139] : memref<2x10000x64xf32, #tpu.memory_space<hbm>> -> memref<1x10000x64xf32, #tpu.memory_space<hbm>>
        %dma_start3A_141 = tpu.memref_squeeze %dma_start3A_140 : memref<1x10000x64xf32, #tpu.memory_space<hbm>> -> memref<10000x64xf32, #tpu.memory_space<hbm>>
        %dma_start3A_142 = arith.constant 0 : i32
        %dma_start3A_143 = tpu.memref_slice %dma_start3A_141[%add3A_137, %dma_start3A_142] : memref<10000x64xf32, #tpu.memory_space<hbm>> -> memref<104x64xf32, #tpu.memory_space<hbm>>
        %dma_start3A_144 = arith.constant 0 : i32
        %dma_start3A_145 = arith.constant 0 : i32
        %dma_start3A_146 = tpu.memref_slice %arg2[%scan3A_10, %dma_start3A_144, %dma_start3A_145] : memref<2x10000x64xf32, #tpu.memory_space<hbm>> -> memref<1x10000x64xf32, #tpu.memory_space<hbm>>
        %dma_start3A_147 = tpu.memref_squeeze %dma_start3A_146 : memref<1x10000x64xf32, #tpu.memory_space<hbm>> -> memref<10000x64xf32, #tpu.memory_space<hbm>>
        %dma_start3A_148 = arith.constant 0 : i32
        %dma_start3A_149 = tpu.memref_slice %dma_start3A_147[%add3A_137, %dma_start3A_148] : memref<10000x64xf32, #tpu.memory_space<hbm>> -> memref<104x64xf32, #tpu.memory_space<hbm>>
        tpu.enqueue_dma source(%dma_start3A_149 : memref<104x64xf32, #tpu.memory_space<hbm>>) target(%arg11 : memref<104x64xf32, #tpu.memory_space<vmem>>) target_semaphore(%run_scoped3A : memref<!tpu.dma_semaphore, #tpu.memory_space<semaphore_mem>>)
        %dma_wait3A_150 = arith.constant 0 : i32
        %dma_wait3A_151 = arith.constant 0 : i32
        %dma_wait3A_152 = tpu.memref_slice %arg2[%scan3A_10, %dma_wait3A_150, %dma_wait3A_151] : memref<2x10000x64xf32, #tpu.memory_space<hbm>> -> memref<1x10000x64xf32, #tpu.memory_space<hbm>>
        %dma_wait3A_153 = tpu.memref_squeeze %dma_wait3A_152 : memref<1x10000x64xf32, #tpu.memory_space<hbm>> -> memref<10000x64xf32, #tpu.memory_space<hbm>>
        %dma_wait3A_154 = arith.constant 0 : i32
        %dma_wait3A_155 = tpu.memref_slice %dma_wait3A_153[%add3A_137, %dma_wait3A_154] : memref<10000x64xf32, #tpu.memory_space<hbm>> -> memref<104x64xf32, #tpu.memory_space<hbm>>
        %dma_wait3A_156 = arith.constant 0 : i32
        %dma_wait3A_157 = arith.constant 0 : i32
        %dma_wait3A_158 = tpu.memref_slice %arg2[%scan3A_10, %dma_wait3A_156, %dma_wait3A_157] : memref<2x10000x64xf32, #tpu.memory_space<hbm>> -> memref<1x10000x64xf32, #tpu.memory_space<hbm>>
        %dma_wait3A_159 = tpu.memref_squeeze %dma_wait3A_158 : memref<1x10000x64xf32, #tpu.memory_space<hbm>> -> memref<10000x64xf32, #tpu.memory_space<hbm>>
        %dma_wait3A_160 = arith.constant 0 : i32
        %dma_wait3A_161 = tpu.memref_slice %dma_wait3A_159[%add3A_137, %dma_wait3A_160] : memref<10000x64xf32, #tpu.memory_space<hbm>> -> memref<104x64xf32, #tpu.memory_space<hbm>>
        tpu.wait_dma2 semaphore(%run_scoped3A : memref<!tpu.dma_semaphore, #tpu.memory_space<semaphore_mem>>) src(%dma_wait3A_161 : memref<104x64xf32, #tpu.memory_space<hbm>>) dst(%arg11 : memref<104x64xf32, #tpu.memory_space<vmem>>)
        tpu.yield
      }) : () -> ()
      "tpu.region"() ({
        %run_scoped3A = tpu.sem_alloc : memref<!tpu.dma_semaphore, #tpu.memory_space<semaphore_mem>>
        %dma_start3A_138 = arith.constant 0 : i32
        %dma_start3A_139 = tpu.memref_slice %arg12[%add3A_137, %dma_start3A_138] : memref<10000x64xf32, #tpu.memory_space<vmem_shared>> -> memref<104x64xf32, #tpu.memory_space<vmem_shared>>
        %dma_start3A_140 = arith.constant 0 : i32
        %dma_start3A_141 = tpu.memref_slice %arg12[%add3A_137, %dma_start3A_140] : memref<10000x64xf32, #tpu.memory_space<vmem_shared>> -> memref<104x64xf32, #tpu.memory_space<vmem_shared>>
        tpu.enqueue_dma source(%arg11 : memref<104x64xf32, #tpu.memory_space<vmem>>) target(%dma_start3A_141 : memref<104x64xf32, #tpu.memory_space<vmem_shared>>) target_semaphore(%run_scoped3A : memref<!tpu.dma_semaphore, #tpu.memory_space<semaphore_mem>>)
        %dma_wait3A_142 = arith.constant 0 : i32
        %dma_wait3A_143 = tpu.memref_slice %arg12[%add3A_137, %dma_wait3A_142] : memref<10000x64xf32, #tpu.memory_space<vmem_shared>> -> memref<104x64xf32, #tpu.memory_space<vmem_shared>>
        %dma_wait3A_144 = arith.constant 0 : i32
        %dma_wait3A_145 = tpu.memref_slice %arg12[%add3A_137, %dma_wait3A_144] : memref<10000x64xf32, #tpu.memory_space<vmem_shared>> -> memref<104x64xf32, #tpu.memory_space<vmem_shared>>
        tpu.wait_dma2 semaphore(%run_scoped3A : memref<!tpu.dma_semaphore, #tpu.memory_space<semaphore_mem>>) src(%arg11 : memref<104x64xf32, #tpu.memory_space<vmem>>) dst(%dma_wait3A_145 : memref<104x64xf32, #tpu.memory_space<vmem_shared>>)
        tpu.yield
      }) : () -> ()
    }
    %scan3A_15 = arith.constant 6 : i32
    %convert_element_type3A = arith.extui %eq3A_1 : i1 to i32
    %cond3A = arith.constant 0 : i32
    %cond3A_16 = arith.constant 0 : i32
    %cond3A_17 = arith.cmpi ne, %convert_element_type3A, %cond3A_16 : i32
    scf.if %cond3A_17 {
      "tpu.region"() ({
        %run_scoped3A = tpu.sem_alloc : memref<!tpu.dma_semaphore, #tpu.memory_space<semaphore_mem>>
        %dma_start3A_134 = arith.constant 0 : i32
        %dma_start3A_135 = arith.constant 0 : i32
        %dma_start3A_136 = tpu.memref_slice %arg11[%dma_start3A_134, %dma_start3A_135] : memref<104x64xf32, #tpu.memory_space<vmem>> -> memref<16x64xf32, #tpu.memory_space<vmem>>
        %dma_start3A_137 = arith.constant 0 : i32
        %dma_start3A_138 = arith.constant 0 : i32
        %dma_start3A_139 = tpu.memref_slice %arg2[%cond3A, %dma_start3A_137, %dma_start3A_138] : memref<2x10000x64xf32, #tpu.memory_space<hbm>> -> memref<1x10000x64xf32, #tpu.memory_space<hbm>>
        %dma_start3A_140 = tpu.memref_squeeze %dma_start3A_139 : memref<1x10000x64xf32, #tpu.memory_space<hbm>> -> memref<10000x64xf32, #tpu.memory_space<hbm>>
        %dma_start3A_141 = arith.constant 9984 : i32
        %dma_start3A_142 = arith.constant 0 : i32
        %dma_start3A_143 = tpu.memref_slice %dma_start3A_140[%dma_start3A_141, %dma_start3A_142] : memref<10000x64xf32, #tpu.memory_space<hbm>> -> memref<16x64xf32, #tpu.memory_space<hbm>>
        %dma_start3A_144 = arith.constant 0 : i32
        %dma_start3A_145 = arith.constant 0 : i32
        %dma_start3A_146 = tpu.memref_slice %arg11[%dma_start3A_144, %dma_start3A_145] : memref<104x64xf32, #tpu.memory_space<vmem>> -> memref<16x64xf32, #tpu.memory_space<vmem>>
        %dma_start3A_147 = arith.constant 0 : i32
        %dma_start3A_148 = arith.constant 0 : i32
        %dma_start3A_149 = tpu.memref_slice %arg2[%cond3A, %dma_start3A_147, %dma_start3A_148] : memref<2x10000x64xf32, #tpu.memory_space<hbm>> -> memref<1x10000x64xf32, #tpu.memory_space<hbm>>
        %dma_start3A_150 = tpu.memref_squeeze %dma_start3A_149 : memref<1x10000x64xf32, #tpu.memory_space<hbm>> -> memref<10000x64xf32, #tpu.memory_space<hbm>>
        %dma_start3A_151 = arith.constant 9984 : i32
        %dma_start3A_152 = arith.constant 0 : i32
        %dma_start3A_153 = tpu.memref_slice %dma_start3A_150[%dma_start3A_151, %dma_start3A_152] : memref<10000x64xf32, #tpu.memory_space<hbm>> -> memref<16x64xf32, #tpu.memory_space<hbm>>
        tpu.enqueue_dma source(%dma_start3A_153 : memref<16x64xf32, #tpu.memory_space<hbm>>) target(%dma_start3A_146 : memref<16x64xf32, #tpu.memory_space<vmem>>) target_semaphore(%run_scoped3A : memref<!tpu.dma_semaphore, #tpu.memory_space<semaphore_mem>>)
        %dma_wait3A_154 = arith.constant 0 : i32
        %dma_wait3A_155 = arith.constant 0 : i32
        %dma_wait3A_156 = tpu.memref_slice %arg11[%dma_wait3A_154, %dma_wait3A_155] : memref<104x64xf32, #tpu.memory_space<vmem>> -> memref<16x64xf32, #tpu.memory_space<vmem>>
        %dma_wait3A_157 = arith.constant 0 : i32
        %dma_wait3A_158 = arith.constant 0 : i32
        %dma_wait3A_159 = tpu.memref_slice %arg2[%cond3A, %dma_wait3A_157, %dma_wait3A_158] : memref<2x10000x64xf32, #tpu.memory_space<hbm>> -> memref<1x10000x64xf32, #tpu.memory_space<hbm>>
        %dma_wait3A_160 = tpu.memref_squeeze %dma_wait3A_159 : memref<1x10000x64xf32, #tpu.memory_space<hbm>> -> memref<10000x64xf32, #tpu.memory_space<hbm>>
        %dma_wait3A_161 = arith.constant 9984 : i32
        %dma_wait3A_162 = arith.constant 0 : i32
        %dma_wait3A_163 = tpu.memref_slice %dma_wait3A_160[%dma_wait3A_161, %dma_wait3A_162] : memref<10000x64xf32, #tpu.memory_space<hbm>> -> memref<16x64xf32, #tpu.memory_space<hbm>>
        %dma_wait3A_164 = arith.constant 0 : i32
        %dma_wait3A_165 = arith.constant 0 : i32
        %dma_wait3A_166 = tpu.memref_slice %arg11[%dma_wait3A_164, %dma_wait3A_165] : memref<104x64xf32, #tpu.memory_space<vmem>> -> memref<16x64xf32, #tpu.memory_space<vmem>>
        %dma_wait3A_167 = arith.constant 0 : i32
        %dma_wait3A_168 = arith.constant 0 : i32
        %dma_wait3A_169 = tpu.memref_slice %arg2[%cond3A, %dma_wait3A_167, %dma_wait3A_168] : memref<2x10000x64xf32, #tpu.memory_space<hbm>> -> memref<1x10000x64xf32, #tpu.memory_space<hbm>>
        %dma_wait3A_170 = tpu.memref_squeeze %dma_wait3A_169 : memref<1x10000x64xf32, #tpu.memory_space<hbm>> -> memref<10000x64xf32, #tpu.memory_space<hbm>>
        %dma_wait3A_171 = arith.constant 9984 : i32
        %dma_wait3A_172 = arith.constant 0 : i32
        %dma_wait3A_173 = tpu.memref_slice %dma_wait3A_170[%dma_wait3A_171, %dma_wait3A_172] : memref<10000x64xf32, #tpu.memory_space<hbm>> -> memref<16x64xf32, #tpu.memory_space<hbm>>
        tpu.wait_dma2 semaphore(%run_scoped3A : memref<!tpu.dma_semaphore, #tpu.memory_space<semaphore_mem>>) src(%dma_wait3A_173 : memref<16x64xf32, #tpu.memory_space<hbm>>) dst(%dma_wait3A_166 : memref<16x64xf32, #tpu.memory_space<vmem>>)
        tpu.yield
      }) : () -> ()
      "tpu.region"() ({
        %run_scoped3A = tpu.sem_alloc : memref<!tpu.dma_semaphore, #tpu.memory_space<semaphore_mem>>
        %dma_start3A_134 = arith.constant 0 : i32
        %dma_start3A_135 = arith.constant 0 : i32
        %dma_start3A_136 = tpu.memref_slice %arg11[%dma_start3A_134, %dma_start3A_135] : memref<104x64xf32, #tpu.memory_space<vmem>> -> memref<16x64xf32, #tpu.memory_space<vmem>>
        %dma_start3A_137 = arith.constant 9984 : i32
        %dma_start3A_138 = arith.constant 0 : i32
        %dma_start3A_139 = tpu.memref_slice %arg12[%dma_start3A_137, %dma_start3A_138] : memref<10000x64xf32, #tpu.memory_space<vmem_shared>> -> memref<16x64xf32, #tpu.memory_space<vmem_shared>>
        %dma_start3A_140 = arith.constant 9984 : i32
        %dma_start3A_141 = arith.constant 0 : i32
        %dma_start3A_142 = tpu.memref_slice %arg12[%dma_start3A_140, %dma_start3A_141] : memref<10000x64xf32, #tpu.memory_space<vmem_shared>> -> memref<16x64xf32, #tpu.memory_space<vmem_shared>>
        %dma_start3A_143 = arith.constant 0 : i32
        %dma_start3A_144 = arith.constant 0 : i32
        %dma_start3A_145 = tpu.memref_slice %arg11[%dma_start3A_143, %dma_start3A_144] : memref<104x64xf32, #tpu.memory_space<vmem>> -> memref<16x64xf32, #tpu.memory_space<vmem>>
        tpu.enqueue_dma source(%dma_start3A_145 : memref<16x64xf32, #tpu.memory_space<vmem>>) target(%dma_start3A_142 : memref<16x64xf32, #tpu.memory_space<vmem_shared>>) target_semaphore(%run_scoped3A : memref<!tpu.dma_semaphore, #tpu.memory_space<semaphore_mem>>)
        %dma_wait3A_146 = arith.constant 0 : i32
        %dma_wait3A_147 = arith.constant 0 : i32
        %dma_wait3A_148 = tpu.memref_slice %arg11[%dma_wait3A_146, %dma_wait3A_147] : memref<104x64xf32, #tpu.memory_space<vmem>> -> memref<16x64xf32, #tpu.memory_space<vmem>>
        %dma_wait3A_149 = arith.constant 9984 : i32
        %dma_wait3A_150 = arith.constant 0 : i32
        %dma_wait3A_151 = tpu.memref_slice %arg12[%dma_wait3A_149, %dma_wait3A_150] : memref<10000x64xf32, #tpu.memory_space<vmem_shared>> -> memref<16x64xf32, #tpu.memory_space<vmem_shared>>
        %dma_wait3A_152 = arith.constant 9984 : i32
        %dma_wait3A_153 = arith.constant 0 : i32
        %dma_wait3A_154 = tpu.memref_slice %arg12[%dma_wait3A_152, %dma_wait3A_153] : memref<10000x64xf32, #tpu.memory_space<vmem_shared>> -> memref<16x64xf32, #tpu.memory_space<vmem_shared>>
        %dma_wait3A_155 = arith.constant 0 : i32
        %dma_wait3A_156 = arith.constant 0 : i32
        %dma_wait3A_157 = tpu.memref_slice %arg11[%dma_wait3A_155, %dma_wait3A_156] : memref<104x64xf32, #tpu.memory_space<vmem>> -> memref<16x64xf32, #tpu.memory_space<vmem>>
        tpu.wait_dma2 semaphore(%run_scoped3A : memref<!tpu.dma_semaphore, #tpu.memory_space<semaphore_mem>>) src(%dma_wait3A_157 : memref<16x64xf32, #tpu.memory_space<vmem>>) dst(%dma_wait3A_154 : memref<16x64xf32, #tpu.memory_space<vmem_shared>>)
        tpu.yield
      }) : () -> ()
    } else {
    }
    %scan3A_18 = arith.constant 0 : i32
    %scan3A_19 = arith.constant 0 : i32
    %scan3A_20 = arith.constant 39 : i32
    %scan3A_21 = arith.addi %scan3A_19, %scan3A_20 : i32
    %scan3A_22 = arith.constant 1 : i32
    scf.for %scan3A_134 = %scan3A_19 to %scan3A_21 step %scan3A_22  : i32 {
      %mul3A_135 = arith.constant 16 : i32
      %mul3A_136 = arith.muli %scan3A_134, %mul3A_135 : i32
      %add3A_137 = arith.addi %mul3A_3, %mul3A_136 : i32
      "tpu.region"() ({
        %run_scoped3A = tpu.sem_alloc : memref<!tpu.dma_semaphore, #tpu.memory_space<semaphore_mem>>
        %dma_start3A_138 = arith.constant 0 : i32
        %dma_start3A_139 = tpu.memref_slice %arg13[%add3A_137, %dma_start3A_138] : memref<10016x64xf32, #tpu.memory_space<vmem_shared>> -> memref<16x64xf32, #tpu.memory_space<vmem_shared>>
        %dma_start3A_140 = arith.constant 0 : i32
        %dma_start3A_141 = tpu.memref_slice %arg13[%add3A_137, %dma_start3A_140] : memref<10016x64xf32, #tpu.memory_space<vmem_shared>> -> memref<16x64xf32, #tpu.memory_space<vmem_shared>>
        tpu.enqueue_dma source(%arg10 : memref<16x64xf32, #tpu.memory_space<vmem>>) target(%dma_start3A_141 : memref<16x64xf32, #tpu.memory_space<vmem_shared>>) target_semaphore(%run_scoped3A : memref<!tpu.dma_semaphore, #tpu.memory_space<semaphore_mem>>)
        %dma_wait3A_142 = arith.constant 0 : i32
        %dma_wait3A_143 = tpu.memref_slice %arg13[%add3A_137, %dma_wait3A_142] : memref<10016x64xf32, #tpu.memory_space<vmem_shared>> -> memref<16x64xf32, #tpu.memory_space<vmem_shared>>
        %dma_wait3A_144 = arith.constant 0 : i32
        %dma_wait3A_145 = tpu.memref_slice %arg13[%add3A_137, %dma_wait3A_144] : memref<10016x64xf32, #tpu.memory_space<vmem_shared>> -> memref<16x64xf32, #tpu.memory_space<vmem_shared>>
        tpu.wait_dma2 semaphore(%run_scoped3A : memref<!tpu.dma_semaphore, #tpu.memory_space<semaphore_mem>>) src(%arg10 : memref<16x64xf32, #tpu.memory_space<vmem>>) dst(%dma_wait3A_145 : memref<16x64xf32, #tpu.memory_space<vmem_shared>>)
        tpu.yield
      }) : () -> ()
    }
    %scan3A_23 = arith.constant 39 : i32
    %convert_element_type3A_24 = arith.extui %eq3A_1 : i1 to i32
    %cond3A_25 = arith.constant 0 : i32
    %cond3A_26 = arith.cmpi ne, %convert_element_type3A_24, %cond3A_25 : i32
    scf.if %cond3A_26 {
      "tpu.region"() ({
        %run_scoped3A = tpu.sem_alloc : memref<!tpu.dma_semaphore, #tpu.memory_space<semaphore_mem>>
        %dma_start3A_134 = arith.constant 9984 : i32
        %dma_start3A_135 = arith.constant 0 : i32
        %dma_start3A_136 = tpu.memref_slice %arg13[%dma_start3A_134, %dma_start3A_135] : memref<10016x64xf32, #tpu.memory_space<vmem_shared>> -> memref<16x64xf32, #tpu.memory_space<vmem_shared>>
        %dma_start3A_137 = arith.constant 9984 : i32
        %dma_start3A_138 = arith.constant 0 : i32
        %dma_start3A_139 = tpu.memref_slice %arg13[%dma_start3A_137, %dma_start3A_138] : memref<10016x64xf32, #tpu.memory_space<vmem_shared>> -> memref<16x64xf32, #tpu.memory_space<vmem_shared>>
        tpu.enqueue_dma source(%arg10 : memref<16x64xf32, #tpu.memory_space<vmem>>) target(%dma_start3A_139 : memref<16x64xf32, #tpu.memory_space<vmem_shared>>) target_semaphore(%run_scoped3A : memref<!tpu.dma_semaphore, #tpu.memory_space<semaphore_mem>>)
        %dma_wait3A_140 = arith.constant 9984 : i32
        %dma_wait3A_141 = arith.constant 0 : i32
        %dma_wait3A_142 = tpu.memref_slice %arg13[%dma_wait3A_140, %dma_wait3A_141] : memref<10016x64xf32, #tpu.memory_space<vmem_shared>> -> memref<16x64xf32, #tpu.memory_space<vmem_shared>>
        %dma_wait3A_143 = arith.constant 9984 : i32
        %dma_wait3A_144 = arith.constant 0 : i32
        %dma_wait3A_145 = tpu.memref_slice %arg13[%dma_wait3A_143, %dma_wait3A_144] : memref<10016x64xf32, #tpu.memory_space<vmem_shared>> -> memref<16x64xf32, #tpu.memory_space<vmem_shared>>
        tpu.wait_dma2 semaphore(%run_scoped3A : memref<!tpu.dma_semaphore, #tpu.memory_space<semaphore_mem>>) src(%arg10 : memref<16x64xf32, #tpu.memory_space<vmem>>) dst(%dma_wait3A_145 : memref<16x64xf32, #tpu.memory_space<vmem_shared>>)
        tpu.yield
      }) : () -> ()
    } else {
    }
    %barrier3A = arith.constant 0 : index
    tpu.barrier barrier_id(%barrier3A)
    %dma_start3A = arith.constant 0 : i32
    %dma_start3A_27 = arith.constant 0 : i32
    %dma_start3A_28 = tpu.memref_slice %arg6[%dma_start3A, %dma_start3A_27] : memref<80x128xi32, #tpu.memory_space<vmem>> -> memref<1x128xi32, #tpu.memory_space<vmem>>
    %dma_start3A_29 = tpu.memref_squeeze %dma_start3A_28 : memref<1x128xi32, #tpu.memory_space<vmem>> -> memref<128xi32, #tpu.memory_space<vmem>>
    %dma_start3A_30 = arith.constant 0 : i32
    %dma_start3A_31 = arith.constant 0 : i32
    %dma_start3A_32 = tpu.memref_slice %arg12[%dma_start3A_30, %dma_start3A_31] : memref<10000x64xf32, #tpu.memory_space<vmem_shared>> -> memref<10000x64xf32, #tpu.memory_space<vmem_shared>>
    tpu.enqueue_indirect_dma source(%dma_start3A_32 : memref<10000x64xf32, #tpu.memory_space<vmem_shared>>) target(%arg8 : memref<128x64xf32, #tpu.memory_space<vmem>>) offsets(%dma_start3A_29 : memref<128xi32, #tpu.memory_space<vmem>>) semaphore(%arg14 : memref<!tpu.dma_semaphore, #tpu.memory_space<semaphore_mem>>)
    %dma_start3A_33 = arith.constant 1 : i32
    %dma_start3A_34 = arith.constant 0 : i32
    %dma_start3A_35 = tpu.memref_slice %arg6[%dma_start3A_33, %dma_start3A_34] : memref<80x128xi32, #tpu.memory_space<vmem>> -> memref<1x128xi32, #tpu.memory_space<vmem>>
    %dma_start3A_36 = tpu.memref_squeeze %dma_start3A_35 : memref<1x128xi32, #tpu.memory_space<vmem>> -> memref<128xi32, #tpu.memory_space<vmem>>
    %dma_start3A_37 = arith.constant 0 : i32
    %dma_start3A_38 = arith.constant 0 : i32
    %dma_start3A_39 = tpu.memref_slice %arg12[%dma_start3A_37, %dma_start3A_38] : memref<10000x64xf32, #tpu.memory_space<vmem_shared>> -> memref<10000x64xf32, #tpu.memory_space<vmem_shared>>
    tpu.enqueue_indirect_dma source(%dma_start3A_39 : memref<10000x64xf32, #tpu.memory_space<vmem_shared>>) target(%arg9 : memref<128x64xf32, #tpu.memory_space<vmem>>) offsets(%dma_start3A_36 : memref<128xi32, #tpu.memory_space<vmem>>) semaphore(%arg15 : memref<!tpu.dma_semaphore, #tpu.memory_space<semaphore_mem>>)
    %scan3A_40 = arith.constant 0 : i32
    %scan3A_41 = arith.constant 0 : i32
    %scan3A_42 = arith.constant 20 : i32
    %scan3A_43 = arith.addi %scan3A_41, %scan3A_42 : i32
    %scan3A_44 = arith.constant 1 : i32
    scf.for %scan3A_134 = %scan3A_41 to %scan3A_43 step %scan3A_44  : i32 {
      %mul3A_135 = arith.constant 4 : i32
      %mul3A_136 = arith.muli %scan3A_134, %mul3A_135 : i32
      %add3A_137 = arith.constant 0 : i32
      %add3A_138 = arith.addi %mul3A_136, %add3A_137 : i32
      %dma_wait3A_139 = arith.constant 0 : i32
      %dma_wait3A_140 = arith.constant 0 : i32
      %dma_wait3A_141 = tpu.memref_slice %arg6[%dma_wait3A_139, %dma_wait3A_140] : memref<80x128xi32, #tpu.memory_space<vmem>> -> memref<1x128xi32, #tpu.memory_space<vmem>>
      %dma_wait3A_142 = tpu.memref_squeeze %dma_wait3A_141 : memref<1x128xi32, #tpu.memory_space<vmem>> -> memref<128xi32, #tpu.memory_space<vmem>>
      %dma_wait3A_143 = arith.constant 0 : i32
      %dma_wait3A_144 = arith.constant 0 : i32
      %dma_wait3A_145 = tpu.memref_slice %arg12[%dma_wait3A_143, %dma_wait3A_144] : memref<10000x64xf32, #tpu.memory_space<vmem_shared>> -> memref<10000x64xf32, #tpu.memory_space<vmem_shared>>
      tpu.wait_indirect_dma semaphore(%arg14 : memref<!tpu.dma_semaphore, #tpu.memory_space<semaphore_mem>>) src(%dma_wait3A_145 : memref<10000x64xf32, #tpu.memory_space<vmem_shared>>) dst(%arg8 : memref<128x64xf32, #tpu.memory_space<vmem>>)
      %dma_start3A_146 = arith.constant 0 : i32
      %dma_start3A_147 = tpu.memref_slice %arg7[%add3A_138, %dma_start3A_146] : memref<80x128xi32, #tpu.memory_space<vmem>> -> memref<1x128xi32, #tpu.memory_space<vmem>>
      %dma_start3A_148 = tpu.memref_squeeze %dma_start3A_147 : memref<1x128xi32, #tpu.memory_space<vmem>> -> memref<128xi32, #tpu.memory_space<vmem>>
      %dma_start3A_149 = arith.constant 0 : i32
      %dma_start3A_150 = arith.constant 0 : i32
      %dma_start3A_151 = tpu.memref_slice %arg13[%dma_start3A_149, %dma_start3A_150] : memref<10016x64xf32, #tpu.memory_space<vmem_shared>> -> memref<10016x64xf32, #tpu.memory_space<vmem_shared>>
      tpu.enqueue_indirect_dma source(%arg8 : memref<128x64xf32, #tpu.memory_space<vmem>>) target(%dma_start3A_151 : memref<10016x64xf32, #tpu.memory_space<vmem_shared>>) offsets(%dma_start3A_148 : memref<128xi32, #tpu.memory_space<vmem>>) semaphore(%arg16 : memref<!tpu.dma_semaphore, #tpu.memory_space<semaphore_mem>>) {add = true}
      %ge3A = arith.constant 1 : i32
      %ge3A_152 = arith.cmpi sge, %add3A_138, %ge3A : i32
      %sub3A = arith.constant 1 : i32
      %sub3A_153 = arith.subi %add3A_138, %sub3A : i32
      %add3A_154 = arith.constant 2 : i32
      %add3A_155 = arith.addi %sub3A_153, %add3A_154 : i32
      %lt3A = arith.constant 80 : i32
      %lt3A_156 = arith.cmpi slt, %add3A_155, %lt3A : i32
      %and3A = arith.andi %ge3A_152, %lt3A_156 : i1
      %convert_element_type3A_157 = arith.extui %and3A : i1 to i32
      %cond3A_158 = arith.constant 0 : i32
      %cond3A_159 = arith.cmpi ne, %convert_element_type3A_157, %cond3A_158 : i32
      scf.if %cond3A_159 {
        %dma_wait3A_247 = arith.constant 0 : i32
        %dma_wait3A_248 = arith.constant 0 : i32
        %dma_wait3A_249 = tpu.memref_slice %arg7[%dma_wait3A_247, %dma_wait3A_248] : memref<80x128xi32, #tpu.memory_space<vmem>> -> memref<1x128xi32, #tpu.memory_space<vmem>>
        %dma_wait3A_250 = tpu.memref_squeeze %dma_wait3A_249 : memref<1x128xi32, #tpu.memory_space<vmem>> -> memref<128xi32, #tpu.memory_space<vmem>>
        %dma_wait3A_251 = arith.constant 0 : i32
        %dma_wait3A_252 = arith.constant 0 : i32
        %dma_wait3A_253 = tpu.memref_slice %arg13[%dma_wait3A_251, %dma_wait3A_252] : memref<10016x64xf32, #tpu.memory_space<vmem_shared>> -> memref<10016x64xf32, #tpu.memory_space<vmem_shared>>
        tpu.wait_indirect_dma semaphore(%arg17 : memref<!tpu.dma_semaphore, #tpu.memory_space<semaphore_mem>>) src(%arg9 : memref<128x64xf32, #tpu.memory_space<vmem>>) dst(%dma_wait3A_253 : memref<10016x64xf32, #tpu.memory_space<vmem_shared>>)
        %sub3A_254 = arith.constant 1 : i32
        %sub3A_255 = arith.subi %add3A_138, %sub3A_254 : i32
        %add3A_256 = arith.constant 2 : i32
        %add3A_257 = arith.addi %sub3A_255, %add3A_256 : i32
        %dma_start3A_258 = arith.constant 0 : i32
        %dma_start3A_259 = tpu.memref_slice %arg6[%add3A_257, %dma_start3A_258] : memref<80x128xi32, #tpu.memory_space<vmem>> -> memref<1x128xi32, #tpu.memory_space<vmem>>
        %dma_start3A_260 = tpu.memref_squeeze %dma_start3A_259 : memref<1x128xi32, #tpu.memory_space<vmem>> -> memref<128xi32, #tpu.memory_space<vmem>>
        %dma_start3A_261 = arith.constant 0 : i32
        %dma_start3A_262 = arith.constant 0 : i32
        %dma_start3A_263 = tpu.memref_slice %arg12[%dma_start3A_261, %dma_start3A_262] : memref<10000x64xf32, #tpu.memory_space<vmem_shared>> -> memref<10000x64xf32, #tpu.memory_space<vmem_shared>>
        tpu.enqueue_indirect_dma source(%dma_start3A_263 : memref<10000x64xf32, #tpu.memory_space<vmem_shared>>) target(%arg9 : memref<128x64xf32, #tpu.memory_space<vmem>>) offsets(%dma_start3A_260 : memref<128xi32, #tpu.memory_space<vmem>>) semaphore(%arg15 : memref<!tpu.dma_semaphore, #tpu.memory_space<semaphore_mem>>)
      } else {
      }
      %mul3A_160 = arith.constant 4 : i32
      %mul3A_161 = arith.muli %scan3A_134, %mul3A_160 : i32
      %add3A_162 = arith.constant 1 : i32
      %add3A_163 = arith.addi %mul3A_161, %add3A_162 : i32
      %dma_wait3A_164 = arith.constant 0 : i32
      %dma_wait3A_165 = arith.constant 0 : i32
      %dma_wait3A_166 = tpu.memref_slice %arg6[%dma_wait3A_164, %dma_wait3A_165] : memref<80x128xi32, #tpu.memory_space<vmem>> -> memref<1x128xi32, #tpu.memory_space<vmem>>
      %dma_wait3A_167 = tpu.memref_squeeze %dma_wait3A_166 : memref<1x128xi32, #tpu.memory_space<vmem>> -> memref<128xi32, #tpu.memory_space<vmem>>
      %dma_wait3A_168 = arith.constant 0 : i32
      %dma_wait3A_169 = arith.constant 0 : i32
      %dma_wait3A_170 = tpu.memref_slice %arg12[%dma_wait3A_168, %dma_wait3A_169] : memref<10000x64xf32, #tpu.memory_space<vmem_shared>> -> memref<10000x64xf32, #tpu.memory_space<vmem_shared>>
      tpu.wait_indirect_dma semaphore(%arg15 : memref<!tpu.dma_semaphore, #tpu.memory_space<semaphore_mem>>) src(%dma_wait3A_170 : memref<10000x64xf32, #tpu.memory_space<vmem_shared>>) dst(%arg9 : memref<128x64xf32, #tpu.memory_space<vmem>>)
      %dma_start3A_171 = arith.constant 0 : i32
      %dma_start3A_172 = tpu.memref_slice %arg7[%add3A_163, %dma_start3A_171] : memref<80x128xi32, #tpu.memory_space<vmem>> -> memref<1x128xi32, #tpu.memory_space<vmem>>
      %dma_start3A_173 = tpu.memref_squeeze %dma_start3A_172 : memref<1x128xi32, #tpu.memory_space<vmem>> -> memref<128xi32, #tpu.memory_space<vmem>>
      %dma_start3A_174 = arith.constant 0 : i32
      %dma_start3A_175 = arith.constant 0 : i32
      %dma_start3A_176 = tpu.memref_slice %arg13[%dma_start3A_174, %dma_start3A_175] : memref<10016x64xf32, #tpu.memory_space<vmem_shared>> -> memref<10016x64xf32, #tpu.memory_space<vmem_shared>>
      tpu.enqueue_indirect_dma source(%arg9 : memref<128x64xf32, #tpu.memory_space<vmem>>) target(%dma_start3A_176 : memref<10016x64xf32, #tpu.memory_space<vmem_shared>>) offsets(%dma_start3A_173 : memref<128xi32, #tpu.memory_space<vmem>>) semaphore(%arg17 : memref<!tpu.dma_semaphore, #tpu.memory_space<semaphore_mem>>) {add = true}
      %ge3A_177 = arith.constant 1 : i32
      %ge3A_178 = arith.cmpi sge, %add3A_163, %ge3A_177 : i32
      %sub3A_179 = arith.constant 1 : i32
      %sub3A_180 = arith.subi %add3A_163, %sub3A_179 : i32
      %add3A_181 = arith.constant 2 : i32
      %add3A_182 = arith.addi %sub3A_180, %add3A_181 : i32
      %lt3A_183 = arith.constant 80 : i32
      %lt3A_184 = arith.cmpi slt, %add3A_182, %lt3A_183 : i32
      %and3A_185 = arith.andi %ge3A_178, %lt3A_184 : i1
      %convert_element_type3A_186 = arith.extui %and3A_185 : i1 to i32
      %cond3A_187 = arith.constant 0 : i32
      %cond3A_188 = arith.cmpi ne, %convert_element_type3A_186, %cond3A_187 : i32
      scf.if %cond3A_188 {
        %dma_wait3A_247 = arith.constant 0 : i32
        %dma_wait3A_248 = arith.constant 0 : i32
        %dma_wait3A_249 = tpu.memref_slice %arg7[%dma_wait3A_247, %dma_wait3A_248] : memref<80x128xi32, #tpu.memory_space<vmem>> -> memref<1x128xi32, #tpu.memory_space<vmem>>
        %dma_wait3A_250 = tpu.memref_squeeze %dma_wait3A_249 : memref<1x128xi32, #tpu.memory_space<vmem>> -> memref<128xi32, #tpu.memory_space<vmem>>
        %dma_wait3A_251 = arith.constant 0 : i32
        %dma_wait3A_252 = arith.constant 0 : i32
        %dma_wait3A_253 = tpu.memref_slice %arg13[%dma_wait3A_251, %dma_wait3A_252] : memref<10016x64xf32, #tpu.memory_space<vmem_shared>> -> memref<10016x64xf32, #tpu.memory_space<vmem_shared>>
        tpu.wait_indirect_dma semaphore(%arg16 : memref<!tpu.dma_semaphore, #tpu.memory_space<semaphore_mem>>) src(%arg8 : memref<128x64xf32, #tpu.memory_space<vmem>>) dst(%dma_wait3A_253 : memref<10016x64xf32, #tpu.memory_space<vmem_shared>>)
        %sub3A_254 = arith.constant 1 : i32
        %sub3A_255 = arith.subi %add3A_163, %sub3A_254 : i32
        %add3A_256 = arith.constant 2 : i32
        %add3A_257 = arith.addi %sub3A_255, %add3A_256 : i32
        %dma_start3A_258 = arith.constant 0 : i32
        %dma_start3A_259 = tpu.memref_slice %arg6[%add3A_257, %dma_start3A_258] : memref<80x128xi32, #tpu.memory_space<vmem>> -> memref<1x128xi32, #tpu.memory_space<vmem>>
        %dma_start3A_260 = tpu.memref_squeeze %dma_start3A_259 : memref<1x128xi32, #tpu.memory_space<vmem>> -> memref<128xi32, #tpu.memory_space<vmem>>
        %dma_start3A_261 = arith.constant 0 : i32
        %dma_start3A_262 = arith.constant 0 : i32
        %dma_start3A_263 = tpu.memref_slice %arg12[%dma_start3A_261, %dma_start3A_262] : memref<10000x64xf32, #tpu.memory_space<vmem_shared>> -> memref<10000x64xf32, #tpu.memory_space<vmem_shared>>
        tpu.enqueue_indirect_dma source(%dma_start3A_263 : memref<10000x64xf32, #tpu.memory_space<vmem_shared>>) target(%arg8 : memref<128x64xf32, #tpu.memory_space<vmem>>) offsets(%dma_start3A_260 : memref<128xi32, #tpu.memory_space<vmem>>) semaphore(%arg14 : memref<!tpu.dma_semaphore, #tpu.memory_space<semaphore_mem>>)
      } else {
      }
      %mul3A_189 = arith.constant 4 : i32
      %mul3A_190 = arith.muli %scan3A_134, %mul3A_189 : i32
      %add3A_191 = arith.constant 2 : i32
      %add3A_192 = arith.addi %mul3A_190, %add3A_191 : i32
      %dma_wait3A_193 = arith.constant 0 : i32
      %dma_wait3A_194 = arith.constant 0 : i32
      %dma_wait3A_195 = tpu.memref_slice %arg6[%dma_wait3A_193, %dma_wait3A_194] : memref<80x128xi32, #tpu.memory_space<vmem>> -> memref<1x128xi32, #tpu.memory_space<vmem>>
      %dma_wait3A_196 = tpu.memref_squeeze %dma_wait3A_195 : memref<1x128xi32, #tpu.memory_space<vmem>> -> memref<128xi32, #tpu.memory_space<vmem>>
      %dma_wait3A_197 = arith.constant 0 : i32
      %dma_wait3A_198 = arith.constant 0 : i32
      %dma_wait3A_199 = tpu.memref_slice %arg12[%dma_wait3A_197, %dma_wait3A_198] : memref<10000x64xf32, #tpu.memory_space<vmem_shared>> -> memref<10000x64xf32, #tpu.memory_space<vmem_shared>>
      tpu.wait_indirect_dma semaphore(%arg14 : memref<!tpu.dma_semaphore, #tpu.memory_space<semaphore_mem>>) src(%dma_wait3A_199 : memref<10000x64xf32, #tpu.memory_space<vmem_shared>>) dst(%arg8 : memref<128x64xf32, #tpu.memory_space<vmem>>)
      %dma_start3A_200 = arith.constant 0 : i32
      %dma_start3A_201 = tpu.memref_slice %arg7[%add3A_192, %dma_start3A_200] : memref<80x128xi32, #tpu.memory_space<vmem>> -> memref<1x128xi32, #tpu.memory_space<vmem>>
      %dma_start3A_202 = tpu.memref_squeeze %dma_start3A_201 : memref<1x128xi32, #tpu.memory_space<vmem>> -> memref<128xi32, #tpu.memory_space<vmem>>
      %dma_start3A_203 = arith.constant 0 : i32
      %dma_start3A_204 = arith.constant 0 : i32
      %dma_start3A_205 = tpu.memref_slice %arg13[%dma_start3A_203, %dma_start3A_204] : memref<10016x64xf32, #tpu.memory_space<vmem_shared>> -> memref<10016x64xf32, #tpu.memory_space<vmem_shared>>
      tpu.enqueue_indirect_dma source(%arg8 : memref<128x64xf32, #tpu.memory_space<vmem>>) target(%dma_start3A_205 : memref<10016x64xf32, #tpu.memory_space<vmem_shared>>) offsets(%dma_start3A_202 : memref<128xi32, #tpu.memory_space<vmem>>) semaphore(%arg16 : memref<!tpu.dma_semaphore, #tpu.memory_space<semaphore_mem>>) {add = true}
      %ge3A_206 = arith.constant 1 : i32
      %ge3A_207 = arith.cmpi sge, %add3A_192, %ge3A_206 : i32
      %sub3A_208 = arith.constant 1 : i32
      %sub3A_209 = arith.subi %add3A_192, %sub3A_208 : i32
      %add3A_210 = arith.constant 2 : i32
      %add3A_211 = arith.addi %sub3A_209, %add3A_210 : i32
      %lt3A_212 = arith.constant 80 : i32
      %lt3A_213 = arith.cmpi slt, %add3A_211, %lt3A_212 : i32
      %and3A_214 = arith.andi %ge3A_207, %lt3A_213 : i1
      %convert_element_type3A_215 = arith.extui %and3A_214 : i1 to i32
      %cond3A_216 = arith.constant 0 : i32
      %cond3A_217 = arith.cmpi ne, %convert_element_type3A_215, %cond3A_216 : i32
      scf.if %cond3A_217 {
        %dma_wait3A_247 = arith.constant 0 : i32
        %dma_wait3A_248 = arith.constant 0 : i32
        %dma_wait3A_249 = tpu.memref_slice %arg7[%dma_wait3A_247, %dma_wait3A_248] : memref<80x128xi32, #tpu.memory_space<vmem>> -> memref<1x128xi32, #tpu.memory_space<vmem>>
        %dma_wait3A_250 = tpu.memref_squeeze %dma_wait3A_249 : memref<1x128xi32, #tpu.memory_space<vmem>> -> memref<128xi32, #tpu.memory_space<vmem>>
        %dma_wait3A_251 = arith.constant 0 : i32
        %dma_wait3A_252 = arith.constant 0 : i32
        %dma_wait3A_253 = tpu.memref_slice %arg13[%dma_wait3A_251, %dma_wait3A_252] : memref<10016x64xf32, #tpu.memory_space<vmem_shared>> -> memref<10016x64xf32, #tpu.memory_space<vmem_shared>>
        tpu.wait_indirect_dma semaphore(%arg17 : memref<!tpu.dma_semaphore, #tpu.memory_space<semaphore_mem>>) src(%arg9 : memref<128x64xf32, #tpu.memory_space<vmem>>) dst(%dma_wait3A_253 : memref<10016x64xf32, #tpu.memory_space<vmem_shared>>)
        %sub3A_254 = arith.constant 1 : i32
        %sub3A_255 = arith.subi %add3A_192, %sub3A_254 : i32
        %add3A_256 = arith.constant 2 : i32
        %add3A_257 = arith.addi %sub3A_255, %add3A_256 : i32
        %dma_start3A_258 = arith.constant 0 : i32
        %dma_start3A_259 = tpu.memref_slice %arg6[%add3A_257, %dma_start3A_258] : memref<80x128xi32, #tpu.memory_space<vmem>> -> memref<1x128xi32, #tpu.memory_space<vmem>>
        %dma_start3A_260 = tpu.memref_squeeze %dma_start3A_259 : memref<1x128xi32, #tpu.memory_space<vmem>> -> memref<128xi32, #tpu.memory_space<vmem>>
        %dma_start3A_261 = arith.constant 0 : i32
        %dma_start3A_262 = arith.constant 0 : i32
        %dma_start3A_263 = tpu.memref_slice %arg12[%dma_start3A_261, %dma_start3A_262] : memref<10000x64xf32, #tpu.memory_space<vmem_shared>> -> memref<10000x64xf32, #tpu.memory_space<vmem_shared>>
        tpu.enqueue_indirect_dma source(%dma_start3A_263 : memref<10000x64xf32, #tpu.memory_space<vmem_shared>>) target(%arg9 : memref<128x64xf32, #tpu.memory_space<vmem>>) offsets(%dma_start3A_260 : memref<128xi32, #tpu.memory_space<vmem>>) semaphore(%arg15 : memref<!tpu.dma_semaphore, #tpu.memory_space<semaphore_mem>>)
      } else {
      }
      %mul3A_218 = arith.constant 4 : i32
      %mul3A_219 = arith.muli %scan3A_134, %mul3A_218 : i32
      %add3A_220 = arith.constant 3 : i32
      %add3A_221 = arith.addi %mul3A_219, %add3A_220 : i32
      %dma_wait3A_222 = arith.constant 0 : i32
      %dma_wait3A_223 = arith.constant 0 : i32
      %dma_wait3A_224 = tpu.memref_slice %arg6[%dma_wait3A_222, %dma_wait3A_223] : memref<80x128xi32, #tpu.memory_space<vmem>> -> memref<1x128xi32, #tpu.memory_space<vmem>>
      %dma_wait3A_225 = tpu.memref_squeeze %dma_wait3A_224 : memref<1x128xi32, #tpu.memory_space<vmem>> -> memref<128xi32, #tpu.memory_space<vmem>>
      %dma_wait3A_226 = arith.constant 0 : i32
      %dma_wait3A_227 = arith.constant 0 : i32
      %dma_wait3A_228 = tpu.memref_slice %arg12[%dma_wait3A_226, %dma_wait3A_227] : memref<10000x64xf32, #tpu.memory_space<vmem_shared>> -> memref<10000x64xf32, #tpu.memory_space<vmem_shared>>
      tpu.wait_indirect_dma semaphore(%arg15 : memref<!tpu.dma_semaphore, #tpu.memory_space<semaphore_mem>>) src(%dma_wait3A_228 : memref<10000x64xf32, #tpu.memory_space<vmem_shared>>) dst(%arg9 : memref<128x64xf32, #tpu.memory_space<vmem>>)
      %dma_start3A_229 = arith.constant 0 : i32
      %dma_start3A_230 = tpu.memref_slice %arg7[%add3A_221, %dma_start3A_229] : memref<80x128xi32, #tpu.memory_space<vmem>> -> memref<1x128xi32, #tpu.memory_space<vmem>>
      %dma_start3A_231 = tpu.memref_squeeze %dma_start3A_230 : memref<1x128xi32, #tpu.memory_space<vmem>> -> memref<128xi32, #tpu.memory_space<vmem>>
      %dma_start3A_232 = arith.constant 0 : i32
      %dma_start3A_233 = arith.constant 0 : i32
      %dma_start3A_234 = tpu.memref_slice %arg13[%dma_start3A_232, %dma_start3A_233] : memref<10016x64xf32, #tpu.memory_space<vmem_shared>> -> memref<10016x64xf32, #tpu.memory_space<vmem_shared>>
      tpu.enqueue_indirect_dma source(%arg9 : memref<128x64xf32, #tpu.memory_space<vmem>>) target(%dma_start3A_234 : memref<10016x64xf32, #tpu.memory_space<vmem_shared>>) offsets(%dma_start3A_231 : memref<128xi32, #tpu.memory_space<vmem>>) semaphore(%arg17 : memref<!tpu.dma_semaphore, #tpu.memory_space<semaphore_mem>>) {add = true}
      %ge3A_235 = arith.constant 1 : i32
      %ge3A_236 = arith.cmpi sge, %add3A_221, %ge3A_235 : i32
      %sub3A_237 = arith.constant 1 : i32
      %sub3A_238 = arith.subi %add3A_221, %sub3A_237 : i32
      %add3A_239 = arith.constant 2 : i32
      %add3A_240 = arith.addi %sub3A_238, %add3A_239 : i32
      %lt3A_241 = arith.constant 80 : i32
      %lt3A_242 = arith.cmpi slt, %add3A_240, %lt3A_241 : i32
      %and3A_243 = arith.andi %ge3A_236, %lt3A_242 : i1
      %convert_element_type3A_244 = arith.extui %and3A_243 : i1 to i32
      %cond3A_245 = arith.constant 0 : i32
      %cond3A_246 = arith.cmpi ne, %convert_element_type3A_244, %cond3A_245 : i32
      scf.if %cond3A_246 {
        %dma_wait3A_247 = arith.constant 0 : i32
        %dma_wait3A_248 = arith.constant 0 : i32
        %dma_wait3A_249 = tpu.memref_slice %arg7[%dma_wait3A_247, %dma_wait3A_248] : memref<80x128xi32, #tpu.memory_space<vmem>> -> memref<1x128xi32, #tpu.memory_space<vmem>>
        %dma_wait3A_250 = tpu.memref_squeeze %dma_wait3A_249 : memref<1x128xi32, #tpu.memory_space<vmem>> -> memref<128xi32, #tpu.memory_space<vmem>>
        %dma_wait3A_251 = arith.constant 0 : i32
        %dma_wait3A_252 = arith.constant 0 : i32
        %dma_wait3A_253 = tpu.memref_slice %arg13[%dma_wait3A_251, %dma_wait3A_252] : memref<10016x64xf32, #tpu.memory_space<vmem_shared>> -> memref<10016x64xf32, #tpu.memory_space<vmem_shared>>
        tpu.wait_indirect_dma semaphore(%arg16 : memref<!tpu.dma_semaphore, #tpu.memory_space<semaphore_mem>>) src(%arg8 : memref<128x64xf32, #tpu.memory_space<vmem>>) dst(%dma_wait3A_253 : memref<10016x64xf32, #tpu.memory_space<vmem_shared>>)
        %sub3A_254 = arith.constant 1 : i32
        %sub3A_255 = arith.subi %add3A_221, %sub3A_254 : i32
        %add3A_256 = arith.constant 2 : i32
        %add3A_257 = arith.addi %sub3A_255, %add3A_256 : i32
        %dma_start3A_258 = arith.constant 0 : i32
        %dma_start3A_259 = tpu.memref_slice %arg6[%add3A_257, %dma_start3A_258] : memref<80x128xi32, #tpu.memory_space<vmem>> -> memref<1x128xi32, #tpu.memory_space<vmem>>
        %dma_start3A_260 = tpu.memref_squeeze %dma_start3A_259 : memref<1x128xi32, #tpu.memory_space<vmem>> -> memref<128xi32, #tpu.memory_space<vmem>>
        %dma_start3A_261 = arith.constant 0 : i32
        %dma_start3A_262 = arith.constant 0 : i32
        %dma_start3A_263 = tpu.memref_slice %arg12[%dma_start3A_261, %dma_start3A_262] : memref<10000x64xf32, #tpu.memory_space<vmem_shared>> -> memref<10000x64xf32, #tpu.memory_space<vmem_shared>>
        tpu.enqueue_indirect_dma source(%dma_start3A_263 : memref<10000x64xf32, #tpu.memory_space<vmem_shared>>) target(%arg8 : memref<128x64xf32, #tpu.memory_space<vmem>>) offsets(%dma_start3A_260 : memref<128xi32, #tpu.memory_space<vmem>>) semaphore(%arg14 : memref<!tpu.dma_semaphore, #tpu.memory_space<semaphore_mem>>)
      } else {
      }
    }
    %scan3A_45 = arith.constant 20 : i32
    %dma_wait3A = arith.constant 0 : i32
    %dma_wait3A_46 = arith.constant 0 : i32
    %dma_wait3A_47 = tpu.memref_slice %arg7[%dma_wait3A, %dma_wait3A_46] : memref<80x128xi32, #tpu.memory_space<vmem>> -> memref<1x128xi32, #tpu.memory_space<vmem>>
    %dma_wait3A_48 = tpu.memref_squeeze %dma_wait3A_47 : memref<1x128xi32, #tpu.memory_space<vmem>> -> memref<128xi32, #tpu.memory_space<vmem>>
    %dma_wait3A_49 = arith.constant 0 : i32
    %dma_wait3A_50 = arith.constant 0 : i32
    %dma_wait3A_51 = tpu.memref_slice %arg13[%dma_wait3A_49, %dma_wait3A_50] : memref<10016x64xf32, #tpu.memory_space<vmem_shared>> -> memref<10016x64xf32, #tpu.memory_space<vmem_shared>>
    tpu.wait_indirect_dma semaphore(%arg16 : memref<!tpu.dma_semaphore, #tpu.memory_space<semaphore_mem>>) src(%arg8 : memref<128x64xf32, #tpu.memory_space<vmem>>) dst(%dma_wait3A_51 : memref<10016x64xf32, #tpu.memory_space<vmem_shared>>)
    %dma_wait3A_52 = arith.constant 0 : i32
    %dma_wait3A_53 = arith.constant 0 : i32
    %dma_wait3A_54 = tpu.memref_slice %arg7[%dma_wait3A_52, %dma_wait3A_53] : memref<80x128xi32, #tpu.memory_space<vmem>> -> memref<1x128xi32, #tpu.memory_space<vmem>>
    %dma_wait3A_55 = tpu.memref_squeeze %dma_wait3A_54 : memref<1x128xi32, #tpu.memory_space<vmem>> -> memref<128xi32, #tpu.memory_space<vmem>>
    %dma_wait3A_56 = arith.constant 0 : i32
    %dma_wait3A_57 = arith.constant 0 : i32
    %dma_wait3A_58 = tpu.memref_slice %arg13[%dma_wait3A_56, %dma_wait3A_57] : memref<10016x64xf32, #tpu.memory_space<vmem_shared>> -> memref<10016x64xf32, #tpu.memory_space<vmem_shared>>
    tpu.wait_indirect_dma semaphore(%arg17 : memref<!tpu.dma_semaphore, #tpu.memory_space<semaphore_mem>>) src(%arg9 : memref<128x64xf32, #tpu.memory_space<vmem>>) dst(%dma_wait3A_58 : memref<10016x64xf32, #tpu.memory_space<vmem_shared>>)
    %barrier3A_59 = arith.constant 0 : index
    tpu.barrier barrier_id(%barrier3A_59)
    %scan3A_60 = arith.constant 0 : i32
    %scan3A_61 = arith.constant 0 : i32
    %scan3A_62 = arith.constant 6 : i32
    %scan3A_63 = arith.addi %scan3A_61, %scan3A_62 : i32
    %scan3A_64 = arith.constant 1 : i32
    scf.for %scan3A_134 = %scan3A_61 to %scan3A_63 step %scan3A_64  : i32 {
      %mul3A_135 = arith.constant 104 : i32
      %mul3A_136 = arith.muli %scan3A_134, %mul3A_135 : i32
      %add3A_137 = arith.addi %mul3A_3, %mul3A_136 : i32
      "tpu.region"() ({
        %run_scoped3A_138 = tpu.sem_alloc : memref<!tpu.dma_semaphore, #tpu.memory_space<semaphore_mem>>
        %dma_start3A_139 = arith.constant 0 : i32
        %dma_start3A_140 = tpu.memref_slice %arg13[%add3A_137, %dma_start3A_139] : memref<10016x64xf32, #tpu.memory_space<vmem_shared>> -> memref<104x64xf32, #tpu.memory_space<vmem_shared>>
        %dma_start3A_141 = arith.constant 0 : i32
        %dma_start3A_142 = tpu.memref_slice %arg13[%add3A_137, %dma_start3A_141] : memref<10016x64xf32, #tpu.memory_space<vmem_shared>> -> memref<104x64xf32, #tpu.memory_space<vmem_shared>>
        tpu.enqueue_dma source(%dma_start3A_142 : memref<104x64xf32, #tpu.memory_space<vmem_shared>>) target(%arg11 : memref<104x64xf32, #tpu.memory_space<vmem>>) target_semaphore(%run_scoped3A_138 : memref<!tpu.dma_semaphore, #tpu.memory_space<semaphore_mem>>)
        %dma_wait3A_143 = arith.constant 0 : i32
        %dma_wait3A_144 = tpu.memref_slice %arg13[%add3A_137, %dma_wait3A_143] : memref<10016x64xf32, #tpu.memory_space<vmem_shared>> -> memref<104x64xf32, #tpu.memory_space<vmem_shared>>
        %dma_wait3A_145 = arith.constant 0 : i32
        %dma_wait3A_146 = tpu.memref_slice %arg13[%add3A_137, %dma_wait3A_145] : memref<10016x64xf32, #tpu.memory_space<vmem_shared>> -> memref<104x64xf32, #tpu.memory_space<vmem_shared>>
        tpu.wait_dma2 semaphore(%run_scoped3A_138 : memref<!tpu.dma_semaphore, #tpu.memory_space<semaphore_mem>>) src(%dma_wait3A_146 : memref<104x64xf32, #tpu.memory_space<vmem_shared>>) dst(%arg11 : memref<104x64xf32, #tpu.memory_space<vmem>>)
        tpu.yield
      }) : () -> ()
      %run_scoped3A = arith.constant 0 : i32
      "tpu.region"() ({
        %run_scoped3A_138 = tpu.sem_alloc : memref<!tpu.dma_semaphore, #tpu.memory_space<semaphore_mem>>
        %dma_start3A_139 = arith.constant 0 : i32
        %dma_start3A_140 = tpu.memref_slice %arg5[%arg0, %run_scoped3A, %add3A_137, %dma_start3A_139] : memref<2x2x10000x64xf32, #tpu.memory_space<hbm>> -> memref<1x1x104x64xf32, #tpu.memory_space<hbm>>
        %dma_start3A_141 = tpu.memref_squeeze %dma_start3A_140 : memref<1x1x104x64xf32, #tpu.memory_space<hbm>> -> memref<104x64xf32, #tpu.memory_space<hbm>>
        %dma_start3A_142 = arith.constant 0 : i32
        %dma_start3A_143 = tpu.memref_slice %arg5[%arg0, %run_scoped3A, %add3A_137, %dma_start3A_142] : memref<2x2x10000x64xf32, #tpu.memory_space<hbm>> -> memref<1x1x104x64xf32, #tpu.memory_space<hbm>>
        %dma_start3A_144 = tpu.memref_squeeze %dma_start3A_143 : memref<1x1x104x64xf32, #tpu.memory_space<hbm>> -> memref<104x64xf32, #tpu.memory_space<hbm>>
        tpu.enqueue_dma source(%arg11 : memref<104x64xf32, #tpu.memory_space<vmem>>) target(%dma_start3A_144 : memref<104x64xf32, #tpu.memory_space<hbm>>) target_semaphore(%run_scoped3A_138 : memref<!tpu.dma_semaphore, #tpu.memory_space<semaphore_mem>>)
        %dma_wait3A_145 = arith.constant 0 : i32
        %dma_wait3A_146 = tpu.memref_slice %arg5[%arg0, %run_scoped3A, %add3A_137, %dma_wait3A_145] : memref<2x2x10000x64xf32, #tpu.memory_space<hbm>> -> memref<1x1x104x64xf32, #tpu.memory_space<hbm>>
        %dma_wait3A_147 = tpu.memref_squeeze %dma_wait3A_146 : memref<1x1x104x64xf32, #tpu.memory_space<hbm>> -> memref<104x64xf32, #tpu.memory_space<hbm>>
        %dma_wait3A_148 = arith.constant 0 : i32
        %dma_wait3A_149 = tpu.memref_slice %arg5[%arg0, %run_scoped3A, %add3A_137, %dma_wait3A_148] : memref<2x2x10000x64xf32, #tpu.memory_space<hbm>> -> memref<1x1x104x64xf32, #tpu.memory_space<hbm>>
        %dma_wait3A_150 = tpu.memref_squeeze %dma_wait3A_149 : memref<1x1x104x64xf32, #tpu.memory_space<hbm>> -> memref<104x64xf32, #tpu.memory_space<hbm>>
        tpu.wait_dma2 semaphore(%run_scoped3A_138 : memref<!tpu.dma_semaphore, #tpu.memory_space<semaphore_mem>>) src(%arg11 : memref<104x64xf32, #tpu.memory_space<vmem>>) dst(%dma_wait3A_150 : memref<104x64xf32, #tpu.memory_space<hbm>>)
        tpu.yield
      }) : () -> ()
    }
    %scan3A_65 = arith.constant 6 : i32
    %convert_element_type3A_66 = arith.extui %eq3A_1 : i1 to i32
    %cond3A_67 = arith.constant 0 : i32
    %cond3A_68 = arith.cmpi ne, %convert_element_type3A_66, %cond3A_67 : i32
    scf.if %cond3A_68 {
      "tpu.region"() ({
        %run_scoped3A_134 = tpu.sem_alloc : memref<!tpu.dma_semaphore, #tpu.memory_space<semaphore_mem>>
        %dma_start3A_135 = arith.constant 0 : i32
        %dma_start3A_136 = arith.constant 0 : i32
        %dma_start3A_137 = tpu.memref_slice %arg11[%dma_start3A_135, %dma_start3A_136] : memref<104x64xf32, #tpu.memory_space<vmem>> -> memref<16x64xf32, #tpu.memory_space<vmem>>
        %dma_start3A_138 = arith.constant 9984 : i32
        %dma_start3A_139 = arith.constant 0 : i32
        %dma_start3A_140 = tpu.memref_slice %arg13[%dma_start3A_138, %dma_start3A_139] : memref<10016x64xf32, #tpu.memory_space<vmem_shared>> -> memref<16x64xf32, #tpu.memory_space<vmem_shared>>
        %dma_start3A_141 = arith.constant 0 : i32
        %dma_start3A_142 = arith.constant 0 : i32
        %dma_start3A_143 = tpu.memref_slice %arg11[%dma_start3A_141, %dma_start3A_142] : memref<104x64xf32, #tpu.memory_space<vmem>> -> memref<16x64xf32, #tpu.memory_space<vmem>>
        %dma_start3A_144 = arith.constant 9984 : i32
        %dma_start3A_145 = arith.constant 0 : i32
        %dma_start3A_146 = tpu.memref_slice %arg13[%dma_start3A_144, %dma_start3A_145] : memref<10016x64xf32, #tpu.memory_space<vmem_shared>> -> memref<16x64xf32, #tpu.memory_space<vmem_shared>>
        tpu.enqueue_dma source(%dma_start3A_146 : memref<16x64xf32, #tpu.memory_space<vmem_shared>>) target(%dma_start3A_143 : memref<16x64xf32, #tpu.memory_space<vmem>>) target_semaphore(%run_scoped3A_134 : memref<!tpu.dma_semaphore, #tpu.memory_space<semaphore_mem>>)
        %dma_wait3A_147 = arith.constant 0 : i32
        %dma_wait3A_148 = arith.constant 0 : i32
        %dma_wait3A_149 = tpu.memref_slice %arg11[%dma_wait3A_147, %dma_wait3A_148] : memref<104x64xf32, #tpu.memory_space<vmem>> -> memref<16x64xf32, #tpu.memory_space<vmem>>
        %dma_wait3A_150 = arith.constant 9984 : i32
        %dma_wait3A_151 = arith.constant 0 : i32
        %dma_wait3A_152 = tpu.memref_slice %arg13[%dma_wait3A_150, %dma_wait3A_151] : memref<10016x64xf32, #tpu.memory_space<vmem_shared>> -> memref<16x64xf32, #tpu.memory_space<vmem_shared>>
        %dma_wait3A_153 = arith.constant 0 : i32
        %dma_wait3A_154 = arith.constant 0 : i32
        %dma_wait3A_155 = tpu.memref_slice %arg11[%dma_wait3A_153, %dma_wait3A_154] : memref<104x64xf32, #tpu.memory_space<vmem>> -> memref<16x64xf32, #tpu.memory_space<vmem>>
        %dma_wait3A_156 = arith.constant 9984 : i32
        %dma_wait3A_157 = arith.constant 0 : i32
        %dma_wait3A_158 = tpu.memref_slice %arg13[%dma_wait3A_156, %dma_wait3A_157] : memref<10016x64xf32, #tpu.memory_space<vmem_shared>> -> memref<16x64xf32, #tpu.memory_space<vmem_shared>>
        tpu.wait_dma2 semaphore(%run_scoped3A_134 : memref<!tpu.dma_semaphore, #tpu.memory_space<semaphore_mem>>) src(%dma_wait3A_158 : memref<16x64xf32, #tpu.memory_space<vmem_shared>>) dst(%dma_wait3A_155 : memref<16x64xf32, #tpu.memory_space<vmem>>)
        tpu.yield
      }) : () -> ()
      %run_scoped3A = arith.constant 0 : i32
      "tpu.region"() ({
        %run_scoped3A_134 = tpu.sem_alloc : memref<!tpu.dma_semaphore, #tpu.memory_space<semaphore_mem>>
        %dma_start3A_135 = arith.constant 0 : i32
        %dma_start3A_136 = arith.constant 0 : i32
        %dma_start3A_137 = tpu.memref_slice %arg11[%dma_start3A_135, %dma_start3A_136] : memref<104x64xf32, #tpu.memory_space<vmem>> -> memref<16x64xf32, #tpu.memory_space<vmem>>
        %dma_start3A_138 = arith.constant 9984 : i32
        %dma_start3A_139 = arith.constant 0 : i32
        %dma_start3A_140 = tpu.memref_slice %arg5[%arg0, %run_scoped3A, %dma_start3A_138, %dma_start3A_139] : memref<2x2x10000x64xf32, #tpu.memory_space<hbm>> -> memref<1x1x16x64xf32, #tpu.memory_space<hbm>>
        %dma_start3A_141 = tpu.memref_squeeze %dma_start3A_140 : memref<1x1x16x64xf32, #tpu.memory_space<hbm>> -> memref<16x64xf32, #tpu.memory_space<hbm>>
        %dma_start3A_142 = arith.constant 9984 : i32
        %dma_start3A_143 = arith.constant 0 : i32
        %dma_start3A_144 = tpu.memref_slice %arg5[%arg0, %run_scoped3A, %dma_start3A_142, %dma_start3A_143] : memref<2x2x10000x64xf32, #tpu.memory_space<hbm>> -> memref<1x1x16x64xf32, #tpu.memory_space<hbm>>
        %dma_start3A_145 = tpu.memref_squeeze %dma_start3A_144 : memref<1x1x16x64xf32, #tpu.memory_space<hbm>> -> memref<16x64xf32, #tpu.memory_space<hbm>>
        %dma_start3A_146 = arith.constant 0 : i32
        %dma_start3A_147 = arith.constant 0 : i32
        %dma_start3A_148 = tpu.memref_slice %arg11[%dma_start3A_146, %dma_start3A_147] : memref<104x64xf32, #tpu.memory_space<vmem>> -> memref<16x64xf32, #tpu.memory_space<vmem>>
        tpu.enqueue_dma source(%dma_start3A_148 : memref<16x64xf32, #tpu.memory_space<vmem>>) target(%dma_start3A_145 : memref<16x64xf32, #tpu.memory_space<hbm>>) target_semaphore(%run_scoped3A_134 : memref<!tpu.dma_semaphore, #tpu.memory_space<semaphore_mem>>)
        %dma_wait3A_149 = arith.constant 0 : i32
        %dma_wait3A_150 = arith.constant 0 : i32
        %dma_wait3A_151 = tpu.memref_slice %arg11[%dma_wait3A_149, %dma_wait3A_150] : memref<104x64xf32, #tpu.memory_space<vmem>> -> memref<16x64xf32, #tpu.memory_space<vmem>>
        %dma_wait3A_152 = arith.constant 9984 : i32
        %dma_wait3A_153 = arith.constant 0 : i32
        %dma_wait3A_154 = tpu.memref_slice %arg5[%arg0, %run_scoped3A, %dma_wait3A_152, %dma_wait3A_153] : memref<2x2x10000x64xf32, #tpu.memory_space<hbm>> -> memref<1x1x16x64xf32, #tpu.memory_space<hbm>>
        %dma_wait3A_155 = tpu.memref_squeeze %dma_wait3A_154 : memref<1x1x16x64xf32, #tpu.memory_space<hbm>> -> memref<16x64xf32, #tpu.memory_space<hbm>>
        %dma_wait3A_156 = arith.constant 9984 : i32
        %dma_wait3A_157 = arith.constant 0 : i32
        %dma_wait3A_158 = tpu.memref_slice %arg5[%arg0, %run_scoped3A, %dma_wait3A_156, %dma_wait3A_157] : memref<2x2x10000x64xf32, #tpu.memory_space<hbm>> -> memref<1x1x16x64xf32, #tpu.memory_space<hbm>>
        %dma_wait3A_159 = tpu.memref_squeeze %dma_wait3A_158 : memref<1x1x16x64xf32, #tpu.memory_space<hbm>> -> memref<16x64xf32, #tpu.memory_space<hbm>>
        %dma_wait3A_160 = arith.constant 0 : i32
        %dma_wait3A_161 = arith.constant 0 : i32
        %dma_wait3A_162 = tpu.memref_slice %arg11[%dma_wait3A_160, %dma_wait3A_161] : memref<104x64xf32, #tpu.memory_space<vmem>> -> memref<16x64xf32, #tpu.memory_space<vmem>>
        tpu.wait_dma2 semaphore(%run_scoped3A_134 : memref<!tpu.dma_semaphore, #tpu.memory_space<semaphore_mem>>) src(%dma_wait3A_162 : memref<16x64xf32, #tpu.memory_space<vmem>>) dst(%dma_wait3A_159 : memref<16x64xf32, #tpu.memory_space<hbm>>)
        tpu.yield
      }) : () -> ()
    } else {
    }
    %scan3A_69 = arith.constant 0 : i32
    %scan3A_70 = arith.constant 1 : i32
    %scan3A_71 = arith.constant 0 : i32
    %scan3A_72 = arith.constant 6 : i32
    %scan3A_73 = arith.addi %scan3A_71, %scan3A_72 : i32
    %scan3A_74 = arith.constant 1 : i32
    scf.for %scan3A_134 = %scan3A_71 to %scan3A_73 step %scan3A_74  : i32 {
      %mul3A_135 = arith.constant 104 : i32
      %mul3A_136 = arith.muli %scan3A_134, %mul3A_135 : i32
      %add3A_137 = arith.addi %mul3A_3, %mul3A_136 : i32
      "tpu.region"() ({
        %run_scoped3A = tpu.sem_alloc : memref<!tpu.dma_semaphore, #tpu.memory_space<semaphore_mem>>
        %dma_start3A_138 = arith.constant 0 : i32
        %dma_start3A_139 = arith.constant 0 : i32
        %dma_start3A_140 = tpu.memref_slice %arg2[%scan3A_70, %dma_start3A_138, %dma_start3A_139] : memref<2x10000x64xf32, #tpu.memory_space<hbm>> -> memref<1x10000x64xf32, #tpu.memory_space<hbm>>
        %dma_start3A_141 = tpu.memref_squeeze %dma_start3A_140 : memref<1x10000x64xf32, #tpu.memory_space<hbm>> -> memref<10000x64xf32, #tpu.memory_space<hbm>>
        %dma_start3A_142 = arith.constant 0 : i32
        %dma_start3A_143 = tpu.memref_slice %dma_start3A_141[%add3A_137, %dma_start3A_142] : memref<10000x64xf32, #tpu.memory_space<hbm>> -> memref<104x64xf32, #tpu.memory_space<hbm>>
        %dma_start3A_144 = arith.constant 0 : i32
        %dma_start3A_145 = arith.constant 0 : i32
        %dma_start3A_146 = tpu.memref_slice %arg2[%scan3A_70, %dma_start3A_144, %dma_start3A_145] : memref<2x10000x64xf32, #tpu.memory_space<hbm>> -> memref<1x10000x64xf32, #tpu.memory_space<hbm>>
        %dma_start3A_147 = tpu.memref_squeeze %dma_start3A_146 : memref<1x10000x64xf32, #tpu.memory_space<hbm>> -> memref<10000x64xf32, #tpu.memory_space<hbm>>
        %dma_start3A_148 = arith.constant 0 : i32
        %dma_start3A_149 = tpu.memref_slice %dma_start3A_147[%add3A_137, %dma_start3A_148] : memref<10000x64xf32, #tpu.memory_space<hbm>> -> memref<104x64xf32, #tpu.memory_space<hbm>>
        tpu.enqueue_dma source(%dma_start3A_149 : memref<104x64xf32, #tpu.memory_space<hbm>>) target(%arg11 : memref<104x64xf32, #tpu.memory_space<vmem>>) target_semaphore(%run_scoped3A : memref<!tpu.dma_semaphore, #tpu.memory_space<semaphore_mem>>)
        %dma_wait3A_150 = arith.constant 0 : i32
        %dma_wait3A_151 = arith.constant 0 : i32
        %dma_wait3A_152 = tpu.memref_slice %arg2[%scan3A_70, %dma_wait3A_150, %dma_wait3A_151] : memref<2x10000x64xf32, #tpu.memory_space<hbm>> -> memref<1x10000x64xf32, #tpu.memory_space<hbm>>
        %dma_wait3A_153 = tpu.memref_squeeze %dma_wait3A_152 : memref<1x10000x64xf32, #tpu.memory_space<hbm>> -> memref<10000x64xf32, #tpu.memory_space<hbm>>
        %dma_wait3A_154 = arith.constant 0 : i32
        %dma_wait3A_155 = tpu.memref_slice %dma_wait3A_153[%add3A_137, %dma_wait3A_154] : memref<10000x64xf32, #tpu.memory_space<hbm>> -> memref<104x64xf32, #tpu.memory_space<hbm>>
        %dma_wait3A_156 = arith.constant 0 : i32
        %dma_wait3A_157 = arith.constant 0 : i32
        %dma_wait3A_158 = tpu.memref_slice %arg2[%scan3A_70, %dma_wait3A_156, %dma_wait3A_157] : memref<2x10000x64xf32, #tpu.memory_space<hbm>> -> memref<1x10000x64xf32, #tpu.memory_space<hbm>>
        %dma_wait3A_159 = tpu.memref_squeeze %dma_wait3A_158 : memref<1x10000x64xf32, #tpu.memory_space<hbm>> -> memref<10000x64xf32, #tpu.memory_space<hbm>>
        %dma_wait3A_160 = arith.constant 0 : i32
        %dma_wait3A_161 = tpu.memref_slice %dma_wait3A_159[%add3A_137, %dma_wait3A_160] : memref<10000x64xf32, #tpu.memory_space<hbm>> -> memref<104x64xf32, #tpu.memory_space<hbm>>
        tpu.wait_dma2 semaphore(%run_scoped3A : memref<!tpu.dma_semaphore, #tpu.memory_space<semaphore_mem>>) src(%dma_wait3A_161 : memref<104x64xf32, #tpu.memory_space<hbm>>) dst(%arg11 : memref<104x64xf32, #tpu.memory_space<vmem>>)
        tpu.yield
      }) : () -> ()
      "tpu.region"() ({
        %run_scoped3A = tpu.sem_alloc : memref<!tpu.dma_semaphore, #tpu.memory_space<semaphore_mem>>
        %dma_start3A_138 = arith.constant 0 : i32
        %dma_start3A_139 = tpu.memref_slice %arg12[%add3A_137, %dma_start3A_138] : memref<10000x64xf32, #tpu.memory_space<vmem_shared>> -> memref<104x64xf32, #tpu.memory_space<vmem_shared>>
        %dma_start3A_140 = arith.constant 0 : i32
        %dma_start3A_141 = tpu.memref_slice %arg12[%add3A_137, %dma_start3A_140] : memref<10000x64xf32, #tpu.memory_space<vmem_shared>> -> memref<104x64xf32, #tpu.memory_space<vmem_shared>>
        tpu.enqueue_dma source(%arg11 : memref<104x64xf32, #tpu.memory_space<vmem>>) target(%dma_start3A_141 : memref<104x64xf32, #tpu.memory_space<vmem_shared>>) target_semaphore(%run_scoped3A : memref<!tpu.dma_semaphore, #tpu.memory_space<semaphore_mem>>)
        %dma_wait3A_142 = arith.constant 0 : i32
        %dma_wait3A_143 = tpu.memref_slice %arg12[%add3A_137, %dma_wait3A_142] : memref<10000x64xf32, #tpu.memory_space<vmem_shared>> -> memref<104x64xf32, #tpu.memory_space<vmem_shared>>
        %dma_wait3A_144 = arith.constant 0 : i32
        %dma_wait3A_145 = tpu.memref_slice %arg12[%add3A_137, %dma_wait3A_144] : memref<10000x64xf32, #tpu.memory_space<vmem_shared>> -> memref<104x64xf32, #tpu.memory_space<vmem_shared>>
        tpu.wait_dma2 semaphore(%run_scoped3A : memref<!tpu.dma_semaphore, #tpu.memory_space<semaphore_mem>>) src(%arg11 : memref<104x64xf32, #tpu.memory_space<vmem>>) dst(%dma_wait3A_145 : memref<104x64xf32, #tpu.memory_space<vmem_shared>>)
        tpu.yield
      }) : () -> ()
    }
    %scan3A_75 = arith.constant 6 : i32
    %convert_element_type3A_76 = arith.extui %eq3A_1 : i1 to i32
    %cond3A_77 = arith.constant 1 : i32
    %cond3A_78 = arith.constant 0 : i32
    %cond3A_79 = arith.cmpi ne, %convert_element_type3A_76, %cond3A_78 : i32
    scf.if %cond3A_79 {
      "tpu.region"() ({
        %run_scoped3A = tpu.sem_alloc : memref<!tpu.dma_semaphore, #tpu.memory_space<semaphore_mem>>
        %dma_start3A_134 = arith.constant 0 : i32
        %dma_start3A_135 = arith.constant 0 : i32
        %dma_start3A_136 = tpu.memref_slice %arg11[%dma_start3A_134, %dma_start3A_135] : memref<104x64xf32, #tpu.memory_space<vmem>> -> memref<16x64xf32, #tpu.memory_space<vmem>>
        %dma_start3A_137 = arith.constant 0 : i32
        %dma_start3A_138 = arith.constant 0 : i32
        %dma_start3A_139 = tpu.memref_slice %arg2[%cond3A_77, %dma_start3A_137, %dma_start3A_138] : memref<2x10000x64xf32, #tpu.memory_space<hbm>> -> memref<1x10000x64xf32, #tpu.memory_space<hbm>>
        %dma_start3A_140 = tpu.memref_squeeze %dma_start3A_139 : memref<1x10000x64xf32, #tpu.memory_space<hbm>> -> memref<10000x64xf32, #tpu.memory_space<hbm>>
        %dma_start3A_141 = arith.constant 9984 : i32
        %dma_start3A_142 = arith.constant 0 : i32
        %dma_start3A_143 = tpu.memref_slice %dma_start3A_140[%dma_start3A_141, %dma_start3A_142] : memref<10000x64xf32, #tpu.memory_space<hbm>> -> memref<16x64xf32, #tpu.memory_space<hbm>>
        %dma_start3A_144 = arith.constant 0 : i32
        %dma_start3A_145 = arith.constant 0 : i32
        %dma_start3A_146 = tpu.memref_slice %arg11[%dma_start3A_144, %dma_start3A_145] : memref<104x64xf32, #tpu.memory_space<vmem>> -> memref<16x64xf32, #tpu.memory_space<vmem>>
        %dma_start3A_147 = arith.constant 0 : i32
        %dma_start3A_148 = arith.constant 0 : i32
        %dma_start3A_149 = tpu.memref_slice %arg2[%cond3A_77, %dma_start3A_147, %dma_start3A_148] : memref<2x10000x64xf32, #tpu.memory_space<hbm>> -> memref<1x10000x64xf32, #tpu.memory_space<hbm>>
        %dma_start3A_150 = tpu.memref_squeeze %dma_start3A_149 : memref<1x10000x64xf32, #tpu.memory_space<hbm>> -> memref<10000x64xf32, #tpu.memory_space<hbm>>
        %dma_start3A_151 = arith.constant 9984 : i32
        %dma_start3A_152 = arith.constant 0 : i32
        %dma_start3A_153 = tpu.memref_slice %dma_start3A_150[%dma_start3A_151, %dma_start3A_152] : memref<10000x64xf32, #tpu.memory_space<hbm>> -> memref<16x64xf32, #tpu.memory_space<hbm>>
        tpu.enqueue_dma source(%dma_start3A_153 : memref<16x64xf32, #tpu.memory_space<hbm>>) target(%dma_start3A_146 : memref<16x64xf32, #tpu.memory_space<vmem>>) target_semaphore(%run_scoped3A : memref<!tpu.dma_semaphore, #tpu.memory_space<semaphore_mem>>)
        %dma_wait3A_154 = arith.constant 0 : i32
        %dma_wait3A_155 = arith.constant 0 : i32
        %dma_wait3A_156 = tpu.memref_slice %arg11[%dma_wait3A_154, %dma_wait3A_155] : memref<104x64xf32, #tpu.memory_space<vmem>> -> memref<16x64xf32, #tpu.memory_space<vmem>>
        %dma_wait3A_157 = arith.constant 0 : i32
        %dma_wait3A_158 = arith.constant 0 : i32
        %dma_wait3A_159 = tpu.memref_slice %arg2[%cond3A_77, %dma_wait3A_157, %dma_wait3A_158] : memref<2x10000x64xf32, #tpu.memory_space<hbm>> -> memref<1x10000x64xf32, #tpu.memory_space<hbm>>
        %dma_wait3A_160 = tpu.memref_squeeze %dma_wait3A_159 : memref<1x10000x64xf32, #tpu.memory_space<hbm>> -> memref<10000x64xf32, #tpu.memory_space<hbm>>
        %dma_wait3A_161 = arith.constant 9984 : i32
        %dma_wait3A_162 = arith.constant 0 : i32
        %dma_wait3A_163 = tpu.memref_slice %dma_wait3A_160[%dma_wait3A_161, %dma_wait3A_162] : memref<10000x64xf32, #tpu.memory_space<hbm>> -> memref<16x64xf32, #tpu.memory_space<hbm>>
        %dma_wait3A_164 = arith.constant 0 : i32
        %dma_wait3A_165 = arith.constant 0 : i32
        %dma_wait3A_166 = tpu.memref_slice %arg11[%dma_wait3A_164, %dma_wait3A_165] : memref<104x64xf32, #tpu.memory_space<vmem>> -> memref<16x64xf32, #tpu.memory_space<vmem>>
        %dma_wait3A_167 = arith.constant 0 : i32
        %dma_wait3A_168 = arith.constant 0 : i32
        %dma_wait3A_169 = tpu.memref_slice %arg2[%cond3A_77, %dma_wait3A_167, %dma_wait3A_168] : memref<2x10000x64xf32, #tpu.memory_space<hbm>> -> memref<1x10000x64xf32, #tpu.memory_space<hbm>>
        %dma_wait3A_170 = tpu.memref_squeeze %dma_wait3A_169 : memref<1x10000x64xf32, #tpu.memory_space<hbm>> -> memref<10000x64xf32, #tpu.memory_space<hbm>>
        %dma_wait3A_171 = arith.constant 9984 : i32
        %dma_wait3A_172 = arith.constant 0 : i32
        %dma_wait3A_173 = tpu.memref_slice %dma_wait3A_170[%dma_wait3A_171, %dma_wait3A_172] : memref<10000x64xf32, #tpu.memory_space<hbm>> -> memref<16x64xf32, #tpu.memory_space<hbm>>
        tpu.wait_dma2 semaphore(%run_scoped3A : memref<!tpu.dma_semaphore, #tpu.memory_space<semaphore_mem>>) src(%dma_wait3A_173 : memref<16x64xf32, #tpu.memory_space<hbm>>) dst(%dma_wait3A_166 : memref<16x64xf32, #tpu.memory_space<vmem>>)
        tpu.yield
      }) : () -> ()
      "tpu.region"() ({
        %run_scoped3A = tpu.sem_alloc : memref<!tpu.dma_semaphore, #tpu.memory_space<semaphore_mem>>
        %dma_start3A_134 = arith.constant 0 : i32
        %dma_start3A_135 = arith.constant 0 : i32
        %dma_start3A_136 = tpu.memref_slice %arg11[%dma_start3A_134, %dma_start3A_135] : memref<104x64xf32, #tpu.memory_space<vmem>> -> memref<16x64xf32, #tpu.memory_space<vmem>>
        %dma_start3A_137 = arith.constant 9984 : i32
        %dma_start3A_138 = arith.constant 0 : i32
        %dma_start3A_139 = tpu.memref_slice %arg12[%dma_start3A_137, %dma_start3A_138] : memref<10000x64xf32, #tpu.memory_space<vmem_shared>> -> memref<16x64xf32, #tpu.memory_space<vmem_shared>>
        %dma_start3A_140 = arith.constant 9984 : i32
        %dma_start3A_141 = arith.constant 0 : i32
        %dma_start3A_142 = tpu.memref_slice %arg12[%dma_start3A_140, %dma_start3A_141] : memref<10000x64xf32, #tpu.memory_space<vmem_shared>> -> memref<16x64xf32, #tpu.memory_space<vmem_shared>>
        %dma_start3A_143 = arith.constant 0 : i32
        %dma_start3A_144 = arith.constant 0 : i32
        %dma_start3A_145 = tpu.memref_slice %arg11[%dma_start3A_143, %dma_start3A_144] : memref<104x64xf32, #tpu.memory_space<vmem>> -> memref<16x64xf32, #tpu.memory_space<vmem>>
        tpu.enqueue_dma source(%dma_start3A_145 : memref<16x64xf32, #tpu.memory_space<vmem>>) target(%dma_start3A_142 : memref<16x64xf32, #tpu.memory_space<vmem_shared>>) target_semaphore(%run_scoped3A : memref<!tpu.dma_semaphore, #tpu.memory_space<semaphore_mem>>)
        %dma_wait3A_146 = arith.constant 0 : i32
        %dma_wait3A_147 = arith.constant 0 : i32
        %dma_wait3A_148 = tpu.memref_slice %arg11[%dma_wait3A_146, %dma_wait3A_147] : memref<104x64xf32, #tpu.memory_space<vmem>> -> memref<16x64xf32, #tpu.memory_space<vmem>>
        %dma_wait3A_149 = arith.constant 9984 : i32
        %dma_wait3A_150 = arith.constant 0 : i32
        %dma_wait3A_151 = tpu.memref_slice %arg12[%dma_wait3A_149, %dma_wait3A_150] : memref<10000x64xf32, #tpu.memory_space<vmem_shared>> -> memref<16x64xf32, #tpu.memory_space<vmem_shared>>
        %dma_wait3A_152 = arith.constant 9984 : i32
        %dma_wait3A_153 = arith.constant 0 : i32
        %dma_wait3A_154 = tpu.memref_slice %arg12[%dma_wait3A_152, %dma_wait3A_153] : memref<10000x64xf32, #tpu.memory_space<vmem_shared>> -> memref<16x64xf32, #tpu.memory_space<vmem_shared>>
        %dma_wait3A_155 = arith.constant 0 : i32
        %dma_wait3A_156 = arith.constant 0 : i32
        %dma_wait3A_157 = tpu.memref_slice %arg11[%dma_wait3A_155, %dma_wait3A_156] : memref<104x64xf32, #tpu.memory_space<vmem>> -> memref<16x64xf32, #tpu.memory_space<vmem>>
        tpu.wait_dma2 semaphore(%run_scoped3A : memref<!tpu.dma_semaphore, #tpu.memory_space<semaphore_mem>>) src(%dma_wait3A_157 : memref<16x64xf32, #tpu.memory_space<vmem>>) dst(%dma_wait3A_154 : memref<16x64xf32, #tpu.memory_space<vmem_shared>>)
        tpu.yield
      }) : () -> ()
    } else {
    }
    %scan3A_80 = arith.constant 0 : i32
    %scan3A_81 = arith.constant 0 : i32
    %scan3A_82 = arith.constant 39 : i32
    %scan3A_83 = arith.addi %scan3A_81, %scan3A_82 : i32
    %scan3A_84 = arith.constant 1 : i32
    scf.for %scan3A_134 = %scan3A_81 to %scan3A_83 step %scan3A_84  : i32 {
      %mul3A_135 = arith.constant 16 : i32
      %mul3A_136 = arith.muli %scan3A_134, %mul3A_135 : i32
      %add3A_137 = arith.addi %mul3A_3, %mul3A_136 : i32
      "tpu.region"() ({
        %run_scoped3A = tpu.sem_alloc : memref<!tpu.dma_semaphore, #tpu.memory_space<semaphore_mem>>
        %dma_start3A_138 = arith.constant 0 : i32
        %dma_start3A_139 = tpu.memref_slice %arg13[%add3A_137, %dma_start3A_138] : memref<10016x64xf32, #tpu.memory_space<vmem_shared>> -> memref<16x64xf32, #tpu.memory_space<vmem_shared>>
        %dma_start3A_140 = arith.constant 0 : i32
        %dma_start3A_141 = tpu.memref_slice %arg13[%add3A_137, %dma_start3A_140] : memref<10016x64xf32, #tpu.memory_space<vmem_shared>> -> memref<16x64xf32, #tpu.memory_space<vmem_shared>>
        tpu.enqueue_dma source(%arg10 : memref<16x64xf32, #tpu.memory_space<vmem>>) target(%dma_start3A_141 : memref<16x64xf32, #tpu.memory_space<vmem_shared>>) target_semaphore(%run_scoped3A : memref<!tpu.dma_semaphore, #tpu.memory_space<semaphore_mem>>)
        %dma_wait3A_142 = arith.constant 0 : i32
        %dma_wait3A_143 = tpu.memref_slice %arg13[%add3A_137, %dma_wait3A_142] : memref<10016x64xf32, #tpu.memory_space<vmem_shared>> -> memref<16x64xf32, #tpu.memory_space<vmem_shared>>
        %dma_wait3A_144 = arith.constant 0 : i32
        %dma_wait3A_145 = tpu.memref_slice %arg13[%add3A_137, %dma_wait3A_144] : memref<10016x64xf32, #tpu.memory_space<vmem_shared>> -> memref<16x64xf32, #tpu.memory_space<vmem_shared>>
        tpu.wait_dma2 semaphore(%run_scoped3A : memref<!tpu.dma_semaphore, #tpu.memory_space<semaphore_mem>>) src(%arg10 : memref<16x64xf32, #tpu.memory_space<vmem>>) dst(%dma_wait3A_145 : memref<16x64xf32, #tpu.memory_space<vmem_shared>>)
        tpu.yield
      }) : () -> ()
    }
    %scan3A_85 = arith.constant 39 : i32
    %convert_element_type3A_86 = arith.extui %eq3A_1 : i1 to i32
    %cond3A_87 = arith.constant 0 : i32
    %cond3A_88 = arith.cmpi ne, %convert_element_type3A_86, %cond3A_87 : i32
    scf.if %cond3A_88 {
      "tpu.region"() ({
        %run_scoped3A = tpu.sem_alloc : memref<!tpu.dma_semaphore, #tpu.memory_space<semaphore_mem>>
        %dma_start3A_134 = arith.constant 9984 : i32
        %dma_start3A_135 = arith.constant 0 : i32
        %dma_start3A_136 = tpu.memref_slice %arg13[%dma_start3A_134, %dma_start3A_135] : memref<10016x64xf32, #tpu.memory_space<vmem_shared>> -> memref<16x64xf32, #tpu.memory_space<vmem_shared>>
        %dma_start3A_137 = arith.constant 9984 : i32
        %dma_start3A_138 = arith.constant 0 : i32
        %dma_start3A_139 = tpu.memref_slice %arg13[%dma_start3A_137, %dma_start3A_138] : memref<10016x64xf32, #tpu.memory_space<vmem_shared>> -> memref<16x64xf32, #tpu.memory_space<vmem_shared>>
        tpu.enqueue_dma source(%arg10 : memref<16x64xf32, #tpu.memory_space<vmem>>) target(%dma_start3A_139 : memref<16x64xf32, #tpu.memory_space<vmem_shared>>) target_semaphore(%run_scoped3A : memref<!tpu.dma_semaphore, #tpu.memory_space<semaphore_mem>>)
        %dma_wait3A_140 = arith.constant 9984 : i32
        %dma_wait3A_141 = arith.constant 0 : i32
        %dma_wait3A_142 = tpu.memref_slice %arg13[%dma_wait3A_140, %dma_wait3A_141] : memref<10016x64xf32, #tpu.memory_space<vmem_shared>> -> memref<16x64xf32, #tpu.memory_space<vmem_shared>>
        %dma_wait3A_143 = arith.constant 9984 : i32
        %dma_wait3A_144 = arith.constant 0 : i32
        %dma_wait3A_145 = tpu.memref_slice %arg13[%dma_wait3A_143, %dma_wait3A_144] : memref<10016x64xf32, #tpu.memory_space<vmem_shared>> -> memref<16x64xf32, #tpu.memory_space<vmem_shared>>
        tpu.wait_dma2 semaphore(%run_scoped3A : memref<!tpu.dma_semaphore, #tpu.memory_space<semaphore_mem>>) src(%arg10 : memref<16x64xf32, #tpu.memory_space<vmem>>) dst(%dma_wait3A_145 : memref<16x64xf32, #tpu.memory_space<vmem_shared>>)
        tpu.yield
      }) : () -> ()
    } else {
    }
    %barrier3A_89 = arith.constant 0 : index
    tpu.barrier barrier_id(%barrier3A_89)
    %dma_start3A_90 = arith.constant 0 : i32
    %dma_start3A_91 = arith.constant 0 : i32
    %dma_start3A_92 = tpu.memref_slice %arg6[%dma_start3A_90, %dma_start3A_91] : memref<80x128xi32, #tpu.memory_space<vmem>> -> memref<1x128xi32, #tpu.memory_space<vmem>>
    %dma_start3A_93 = tpu.memref_squeeze %dma_start3A_92 : memref<1x128xi32, #tpu.memory_space<vmem>> -> memref<128xi32, #tpu.memory_space<vmem>>
    %dma_start3A_94 = arith.constant 0 : i32
    %dma_start3A_95 = arith.constant 0 : i32
    %dma_start3A_96 = tpu.memref_slice %arg12[%dma_start3A_94, %dma_start3A_95] : memref<10000x64xf32, #tpu.memory_space<vmem_shared>> -> memref<10000x64xf32, #tpu.memory_space<vmem_shared>>
    tpu.enqueue_indirect_dma source(%dma_start3A_96 : memref<10000x64xf32, #tpu.memory_space<vmem_shared>>) target(%arg8 : memref<128x64xf32, #tpu.memory_space<vmem>>) offsets(%dma_start3A_93 : memref<128xi32, #tpu.memory_space<vmem>>) semaphore(%arg14 : memref<!tpu.dma_semaphore, #tpu.memory_space<semaphore_mem>>)
    %dma_start3A_97 = arith.constant 1 : i32
    %dma_start3A_98 = arith.constant 0 : i32
    %dma_start3A_99 = tpu.memref_slice %arg6[%dma_start3A_97, %dma_start3A_98] : memref<80x128xi32, #tpu.memory_space<vmem>> -> memref<1x128xi32, #tpu.memory_space<vmem>>
    %dma_start3A_100 = tpu.memref_squeeze %dma_start3A_99 : memref<1x128xi32, #tpu.memory_space<vmem>> -> memref<128xi32, #tpu.memory_space<vmem>>
    %dma_start3A_101 = arith.constant 0 : i32
    %dma_start3A_102 = arith.constant 0 : i32
    %dma_start3A_103 = tpu.memref_slice %arg12[%dma_start3A_101, %dma_start3A_102] : memref<10000x64xf32, #tpu.memory_space<vmem_shared>> -> memref<10000x64xf32, #tpu.memory_space<vmem_shared>>
    tpu.enqueue_indirect_dma source(%dma_start3A_103 : memref<10000x64xf32, #tpu.memory_space<vmem_shared>>) target(%arg9 : memref<128x64xf32, #tpu.memory_space<vmem>>) offsets(%dma_start3A_100 : memref<128xi32, #tpu.memory_space<vmem>>) semaphore(%arg15 : memref<!tpu.dma_semaphore, #tpu.memory_space<semaphore_mem>>)
    %scan3A_104 = arith.constant 0 : i32
    %scan3A_105 = arith.constant 0 : i32
    %scan3A_106 = arith.constant 20 : i32
    %scan3A_107 = arith.addi %scan3A_105, %scan3A_106 : i32
    %scan3A_108 = arith.constant 1 : i32
    scf.for %scan3A_134 = %scan3A_105 to %scan3A_107 step %scan3A_108  : i32 {
      %mul3A_135 = arith.constant 4 : i32
      %mul3A_136 = arith.muli %scan3A_134, %mul3A_135 : i32
      %add3A_137 = arith.constant 0 : i32
      %add3A_138 = arith.addi %mul3A_136, %add3A_137 : i32
      %dma_wait3A_139 = arith.constant 0 : i32
      %dma_wait3A_140 = arith.constant 0 : i32
      %dma_wait3A_141 = tpu.memref_slice %arg6[%dma_wait3A_139, %dma_wait3A_140] : memref<80x128xi32, #tpu.memory_space<vmem>> -> memref<1x128xi32, #tpu.memory_space<vmem>>
      %dma_wait3A_142 = tpu.memref_squeeze %dma_wait3A_141 : memref<1x128xi32, #tpu.memory_space<vmem>> -> memref<128xi32, #tpu.memory_space<vmem>>
      %dma_wait3A_143 = arith.constant 0 : i32
      %dma_wait3A_144 = arith.constant 0 : i32
      %dma_wait3A_145 = tpu.memref_slice %arg12[%dma_wait3A_143, %dma_wait3A_144] : memref<10000x64xf32, #tpu.memory_space<vmem_shared>> -> memref<10000x64xf32, #tpu.memory_space<vmem_shared>>
      tpu.wait_indirect_dma semaphore(%arg14 : memref<!tpu.dma_semaphore, #tpu.memory_space<semaphore_mem>>) src(%dma_wait3A_145 : memref<10000x64xf32, #tpu.memory_space<vmem_shared>>) dst(%arg8 : memref<128x64xf32, #tpu.memory_space<vmem>>)
      %dma_start3A_146 = arith.constant 0 : i32
      %dma_start3A_147 = tpu.memref_slice %arg7[%add3A_138, %dma_start3A_146] : memref<80x128xi32, #tpu.memory_space<vmem>> -> memref<1x128xi32, #tpu.memory_space<vmem>>
      %dma_start3A_148 = tpu.memref_squeeze %dma_start3A_147 : memref<1x128xi32, #tpu.memory_space<vmem>> -> memref<128xi32, #tpu.memory_space<vmem>>
      %dma_start3A_149 = arith.constant 0 : i32
      %dma_start3A_150 = arith.constant 0 : i32
      %dma_start3A_151 = tpu.memref_slice %arg13[%dma_start3A_149, %dma_start3A_150] : memref<10016x64xf32, #tpu.memory_space<vmem_shared>> -> memref<10016x64xf32, #tpu.memory_space<vmem_shared>>
      tpu.enqueue_indirect_dma source(%arg8 : memref<128x64xf32, #tpu.memory_space<vmem>>) target(%dma_start3A_151 : memref<10016x64xf32, #tpu.memory_space<vmem_shared>>) offsets(%dma_start3A_148 : memref<128xi32, #tpu.memory_space<vmem>>) semaphore(%arg16 : memref<!tpu.dma_semaphore, #tpu.memory_space<semaphore_mem>>) {add = true}
      %ge3A = arith.constant 1 : i32
      %ge3A_152 = arith.cmpi sge, %add3A_138, %ge3A : i32
      %sub3A = arith.constant 1 : i32
      %sub3A_153 = arith.subi %add3A_138, %sub3A : i32
      %add3A_154 = arith.constant 2 : i32
      %add3A_155 = arith.addi %sub3A_153, %add3A_154 : i32
      %lt3A = arith.constant 80 : i32
      %lt3A_156 = arith.cmpi slt, %add3A_155, %lt3A : i32
      %and3A = arith.andi %ge3A_152, %lt3A_156 : i1
      %convert_element_type3A_157 = arith.extui %and3A : i1 to i32
      %cond3A_158 = arith.constant 0 : i32
      %cond3A_159 = arith.cmpi ne, %convert_element_type3A_157, %cond3A_158 : i32
      scf.if %cond3A_159 {
        %dma_wait3A_247 = arith.constant 0 : i32
        %dma_wait3A_248 = arith.constant 0 : i32
        %dma_wait3A_249 = tpu.memref_slice %arg7[%dma_wait3A_247, %dma_wait3A_248] : memref<80x128xi32, #tpu.memory_space<vmem>> -> memref<1x128xi32, #tpu.memory_space<vmem>>
        %dma_wait3A_250 = tpu.memref_squeeze %dma_wait3A_249 : memref<1x128xi32, #tpu.memory_space<vmem>> -> memref<128xi32, #tpu.memory_space<vmem>>
        %dma_wait3A_251 = arith.constant 0 : i32
        %dma_wait3A_252 = arith.constant 0 : i32
        %dma_wait3A_253 = tpu.memref_slice %arg13[%dma_wait3A_251, %dma_wait3A_252] : memref<10016x64xf32, #tpu.memory_space<vmem_shared>> -> memref<10016x64xf32, #tpu.memory_space<vmem_shared>>
        tpu.wait_indirect_dma semaphore(%arg17 : memref<!tpu.dma_semaphore, #tpu.memory_space<semaphore_mem>>) src(%arg9 : memref<128x64xf32, #tpu.memory_space<vmem>>) dst(%dma_wait3A_253 : memref<10016x64xf32, #tpu.memory_space<vmem_shared>>)
        %sub3A_254 = arith.constant 1 : i32
        %sub3A_255 = arith.subi %add3A_138, %sub3A_254 : i32
        %add3A_256 = arith.constant 2 : i32
        %add3A_257 = arith.addi %sub3A_255, %add3A_256 : i32
        %dma_start3A_258 = arith.constant 0 : i32
        %dma_start3A_259 = tpu.memref_slice %arg6[%add3A_257, %dma_start3A_258] : memref<80x128xi32, #tpu.memory_space<vmem>> -> memref<1x128xi32, #tpu.memory_space<vmem>>
        %dma_start3A_260 = tpu.memref_squeeze %dma_start3A_259 : memref<1x128xi32, #tpu.memory_space<vmem>> -> memref<128xi32, #tpu.memory_space<vmem>>
        %dma_start3A_261 = arith.constant 0 : i32
        %dma_start3A_262 = arith.constant 0 : i32
        %dma_start3A_263 = tpu.memref_slice %arg12[%dma_start3A_261, %dma_start3A_262] : memref<10000x64xf32, #tpu.memory_space<vmem_shared>> -> memref<10000x64xf32, #tpu.memory_space<vmem_shared>>
        tpu.enqueue_indirect_dma source(%dma_start3A_263 : memref<10000x64xf32, #tpu.memory_space<vmem_shared>>) target(%arg9 : memref<128x64xf32, #tpu.memory_space<vmem>>) offsets(%dma_start3A_260 : memref<128xi32, #tpu.memory_space<vmem>>) semaphore(%arg15 : memref<!tpu.dma_semaphore, #tpu.memory_space<semaphore_mem>>)
      } else {
      }
      %mul3A_160 = arith.constant 4 : i32
      %mul3A_161 = arith.muli %scan3A_134, %mul3A_160 : i32
      %add3A_162 = arith.constant 1 : i32
      %add3A_163 = arith.addi %mul3A_161, %add3A_162 : i32
      %dma_wait3A_164 = arith.constant 0 : i32
      %dma_wait3A_165 = arith.constant 0 : i32
      %dma_wait3A_166 = tpu.memref_slice %arg6[%dma_wait3A_164, %dma_wait3A_165] : memref<80x128xi32, #tpu.memory_space<vmem>> -> memref<1x128xi32, #tpu.memory_space<vmem>>
      %dma_wait3A_167 = tpu.memref_squeeze %dma_wait3A_166 : memref<1x128xi32, #tpu.memory_space<vmem>> -> memref<128xi32, #tpu.memory_space<vmem>>
      %dma_wait3A_168 = arith.constant 0 : i32
      %dma_wait3A_169 = arith.constant 0 : i32
      %dma_wait3A_170 = tpu.memref_slice %arg12[%dma_wait3A_168, %dma_wait3A_169] : memref<10000x64xf32, #tpu.memory_space<vmem_shared>> -> memref<10000x64xf32, #tpu.memory_space<vmem_shared>>
      tpu.wait_indirect_dma semaphore(%arg15 : memref<!tpu.dma_semaphore, #tpu.memory_space<semaphore_mem>>) src(%dma_wait3A_170 : memref<10000x64xf32, #tpu.memory_space<vmem_shared>>) dst(%arg9 : memref<128x64xf32, #tpu.memory_space<vmem>>)
      %dma_start3A_171 = arith.constant 0 : i32
      %dma_start3A_172 = tpu.memref_slice %arg7[%add3A_163, %dma_start3A_171] : memref<80x128xi32, #tpu.memory_space<vmem>> -> memref<1x128xi32, #tpu.memory_space<vmem>>
      %dma_start3A_173 = tpu.memref_squeeze %dma_start3A_172 : memref<1x128xi32, #tpu.memory_space<vmem>> -> memref<128xi32, #tpu.memory_space<vmem>>
      %dma_start3A_174 = arith.constant 0 : i32
      %dma_start3A_175 = arith.constant 0 : i32
      %dma_start3A_176 = tpu.memref_slice %arg13[%dma_start3A_174, %dma_start3A_175] : memref<10016x64xf32, #tpu.memory_space<vmem_shared>> -> memref<10016x64xf32, #tpu.memory_space<vmem_shared>>
      tpu.enqueue_indirect_dma source(%arg9 : memref<128x64xf32, #tpu.memory_space<vmem>>) target(%dma_start3A_176 : memref<10016x64xf32, #tpu.memory_space<vmem_shared>>) offsets(%dma_start3A_173 : memref<128xi32, #tpu.memory_space<vmem>>) semaphore(%arg17 : memref<!tpu.dma_semaphore, #tpu.memory_space<semaphore_mem>>) {add = true}
      %ge3A_177 = arith.constant 1 : i32
      %ge3A_178 = arith.cmpi sge, %add3A_163, %ge3A_177 : i32
      %sub3A_179 = arith.constant 1 : i32
      %sub3A_180 = arith.subi %add3A_163, %sub3A_179 : i32
      %add3A_181 = arith.constant 2 : i32
      %add3A_182 = arith.addi %sub3A_180, %add3A_181 : i32
      %lt3A_183 = arith.constant 80 : i32
      %lt3A_184 = arith.cmpi slt, %add3A_182, %lt3A_183 : i32
      %and3A_185 = arith.andi %ge3A_178, %lt3A_184 : i1
      %convert_element_type3A_186 = arith.extui %and3A_185 : i1 to i32
      %cond3A_187 = arith.constant 0 : i32
      %cond3A_188 = arith.cmpi ne, %convert_element_type3A_186, %cond3A_187 : i32
      scf.if %cond3A_188 {
        %dma_wait3A_247 = arith.constant 0 : i32
        %dma_wait3A_248 = arith.constant 0 : i32
        %dma_wait3A_249 = tpu.memref_slice %arg7[%dma_wait3A_247, %dma_wait3A_248] : memref<80x128xi32, #tpu.memory_space<vmem>> -> memref<1x128xi32, #tpu.memory_space<vmem>>
        %dma_wait3A_250 = tpu.memref_squeeze %dma_wait3A_249 : memref<1x128xi32, #tpu.memory_space<vmem>> -> memref<128xi32, #tpu.memory_space<vmem>>
        %dma_wait3A_251 = arith.constant 0 : i32
        %dma_wait3A_252 = arith.constant 0 : i32
        %dma_wait3A_253 = tpu.memref_slice %arg13[%dma_wait3A_251, %dma_wait3A_252] : memref<10016x64xf32, #tpu.memory_space<vmem_shared>> -> memref<10016x64xf32, #tpu.memory_space<vmem_shared>>
        tpu.wait_indirect_dma semaphore(%arg16 : memref<!tpu.dma_semaphore, #tpu.memory_space<semaphore_mem>>) src(%arg8 : memref<128x64xf32, #tpu.memory_space<vmem>>) dst(%dma_wait3A_253 : memref<10016x64xf32, #tpu.memory_space<vmem_shared>>)
        %sub3A_254 = arith.constant 1 : i32
        %sub3A_255 = arith.subi %add3A_163, %sub3A_254 : i32
        %add3A_256 = arith.constant 2 : i32
        %add3A_257 = arith.addi %sub3A_255, %add3A_256 : i32
        %dma_start3A_258 = arith.constant 0 : i32
        %dma_start3A_259 = tpu.memref_slice %arg6[%add3A_257, %dma_start3A_258] : memref<80x128xi32, #tpu.memory_space<vmem>> -> memref<1x128xi32, #tpu.memory_space<vmem>>
        %dma_start3A_260 = tpu.memref_squeeze %dma_start3A_259 : memref<1x128xi32, #tpu.memory_space<vmem>> -> memref<128xi32, #tpu.memory_space<vmem>>
        %dma_start3A_261 = arith.constant 0 : i32
        %dma_start3A_262 = arith.constant 0 : i32
        %dma_start3A_263 = tpu.memref_slice %arg12[%dma_start3A_261, %dma_start3A_262] : memref<10000x64xf32, #tpu.memory_space<vmem_shared>> -> memref<10000x64xf32, #tpu.memory_space<vmem_shared>>
        tpu.enqueue_indirect_dma source(%dma_start3A_263 : memref<10000x64xf32, #tpu.memory_space<vmem_shared>>) target(%arg8 : memref<128x64xf32, #tpu.memory_space<vmem>>) offsets(%dma_start3A_260 : memref<128xi32, #tpu.memory_space<vmem>>) semaphore(%arg14 : memref<!tpu.dma_semaphore, #tpu.memory_space<semaphore_mem>>)
      } else {
      }
      %mul3A_189 = arith.constant 4 : i32
      %mul3A_190 = arith.muli %scan3A_134, %mul3A_189 : i32
      %add3A_191 = arith.constant 2 : i32
      %add3A_192 = arith.addi %mul3A_190, %add3A_191 : i32
      %dma_wait3A_193 = arith.constant 0 : i32
      %dma_wait3A_194 = arith.constant 0 : i32
      %dma_wait3A_195 = tpu.memref_slice %arg6[%dma_wait3A_193, %dma_wait3A_194] : memref<80x128xi32, #tpu.memory_space<vmem>> -> memref<1x128xi32, #tpu.memory_space<vmem>>
      %dma_wait3A_196 = tpu.memref_squeeze %dma_wait3A_195 : memref<1x128xi32, #tpu.memory_space<vmem>> -> memref<128xi32, #tpu.memory_space<vmem>>
      %dma_wait3A_197 = arith.constant 0 : i32
      %dma_wait3A_198 = arith.constant 0 : i32
      %dma_wait3A_199 = tpu.memref_slice %arg12[%dma_wait3A_197, %dma_wait3A_198] : memref<10000x64xf32, #tpu.memory_space<vmem_shared>> -> memref<10000x64xf32, #tpu.memory_space<vmem_shared>>
      tpu.wait_indirect_dma semaphore(%arg14 : memref<!tpu.dma_semaphore, #tpu.memory_space<semaphore_mem>>) src(%dma_wait3A_199 : memref<10000x64xf32, #tpu.memory_space<vmem_shared>>) dst(%arg8 : memref<128x64xf32, #tpu.memory_space<vmem>>)
      %dma_start3A_200 = arith.constant 0 : i32
      %dma_start3A_201 = tpu.memref_slice %arg7[%add3A_192, %dma_start3A_200] : memref<80x128xi32, #tpu.memory_space<vmem>> -> memref<1x128xi32, #tpu.memory_space<vmem>>
      %dma_start3A_202 = tpu.memref_squeeze %dma_start3A_201 : memref<1x128xi32, #tpu.memory_space<vmem>> -> memref<128xi32, #tpu.memory_space<vmem>>
      %dma_start3A_203 = arith.constant 0 : i32
      %dma_start3A_204 = arith.constant 0 : i32
      %dma_start3A_205 = tpu.memref_slice %arg13[%dma_start3A_203, %dma_start3A_204] : memref<10016x64xf32, #tpu.memory_space<vmem_shared>> -> memref<10016x64xf32, #tpu.memory_space<vmem_shared>>
      tpu.enqueue_indirect_dma source(%arg8 : memref<128x64xf32, #tpu.memory_space<vmem>>) target(%dma_start3A_205 : memref<10016x64xf32, #tpu.memory_space<vmem_shared>>) offsets(%dma_start3A_202 : memref<128xi32, #tpu.memory_space<vmem>>) semaphore(%arg16 : memref<!tpu.dma_semaphore, #tpu.memory_space<semaphore_mem>>) {add = true}
      %ge3A_206 = arith.constant 1 : i32
      %ge3A_207 = arith.cmpi sge, %add3A_192, %ge3A_206 : i32
      %sub3A_208 = arith.constant 1 : i32
      %sub3A_209 = arith.subi %add3A_192, %sub3A_208 : i32
      %add3A_210 = arith.constant 2 : i32
      %add3A_211 = arith.addi %sub3A_209, %add3A_210 : i32
      %lt3A_212 = arith.constant 80 : i32
      %lt3A_213 = arith.cmpi slt, %add3A_211, %lt3A_212 : i32
      %and3A_214 = arith.andi %ge3A_207, %lt3A_213 : i1
      %convert_element_type3A_215 = arith.extui %and3A_214 : i1 to i32
      %cond3A_216 = arith.constant 0 : i32
      %cond3A_217 = arith.cmpi ne, %convert_element_type3A_215, %cond3A_216 : i32
      scf.if %cond3A_217 {
        %dma_wait3A_247 = arith.constant 0 : i32
        %dma_wait3A_248 = arith.constant 0 : i32
        %dma_wait3A_249 = tpu.memref_slice %arg7[%dma_wait3A_247, %dma_wait3A_248] : memref<80x128xi32, #tpu.memory_space<vmem>> -> memref<1x128xi32, #tpu.memory_space<vmem>>
        %dma_wait3A_250 = tpu.memref_squeeze %dma_wait3A_249 : memref<1x128xi32, #tpu.memory_space<vmem>> -> memref<128xi32, #tpu.memory_space<vmem>>
        %dma_wait3A_251 = arith.constant 0 : i32
        %dma_wait3A_252 = arith.constant 0 : i32
        %dma_wait3A_253 = tpu.memref_slice %arg13[%dma_wait3A_251, %dma_wait3A_252] : memref<10016x64xf32, #tpu.memory_space<vmem_shared>> -> memref<10016x64xf32, #tpu.memory_space<vmem_shared>>
        tpu.wait_indirect_dma semaphore(%arg17 : memref<!tpu.dma_semaphore, #tpu.memory_space<semaphore_mem>>) src(%arg9 : memref<128x64xf32, #tpu.memory_space<vmem>>) dst(%dma_wait3A_253 : memref<10016x64xf32, #tpu.memory_space<vmem_shared>>)
        %sub3A_254 = arith.constant 1 : i32
        %sub3A_255 = arith.subi %add3A_192, %sub3A_254 : i32
        %add3A_256 = arith.constant 2 : i32
        %add3A_257 = arith.addi %sub3A_255, %add3A_256 : i32
        %dma_start3A_258 = arith.constant 0 : i32
        %dma_start3A_259 = tpu.memref_slice %arg6[%add3A_257, %dma_start3A_258] : memref<80x128xi32, #tpu.memory_space<vmem>> -> memref<1x128xi32, #tpu.memory_space<vmem>>
        %dma_start3A_260 = tpu.memref_squeeze %dma_start3A_259 : memref<1x128xi32, #tpu.memory_space<vmem>> -> memref<128xi32, #tpu.memory_space<vmem>>
        %dma_start3A_261 = arith.constant 0 : i32
        %dma_start3A_262 = arith.constant 0 : i32
        %dma_start3A_263 = tpu.memref_slice %arg12[%dma_start3A_261, %dma_start3A_262] : memref<10000x64xf32, #tpu.memory_space<vmem_shared>> -> memref<10000x64xf32, #tpu.memory_space<vmem_shared>>
        tpu.enqueue_indirect_dma source(%dma_start3A_263 : memref<10000x64xf32, #tpu.memory_space<vmem_shared>>) target(%arg9 : memref<128x64xf32, #tpu.memory_space<vmem>>) offsets(%dma_start3A_260 : memref<128xi32, #tpu.memory_space<vmem>>) semaphore(%arg15 : memref<!tpu.dma_semaphore, #tpu.memory_space<semaphore_mem>>)
      } else {
      }
      %mul3A_218 = arith.constant 4 : i32
      %mul3A_219 = arith.muli %scan3A_134, %mul3A_218 : i32
      %add3A_220 = arith.constant 3 : i32
      %add3A_221 = arith.addi %mul3A_219, %add3A_220 : i32
      %dma_wait3A_222 = arith.constant 0 : i32
      %dma_wait3A_223 = arith.constant 0 : i32
      %dma_wait3A_224 = tpu.memref_slice %arg6[%dma_wait3A_222, %dma_wait3A_223] : memref<80x128xi32, #tpu.memory_space<vmem>> -> memref<1x128xi32, #tpu.memory_space<vmem>>
      %dma_wait3A_225 = tpu.memref_squeeze %dma_wait3A_224 : memref<1x128xi32, #tpu.memory_space<vmem>> -> memref<128xi32, #tpu.memory_space<vmem>>
      %dma_wait3A_226 = arith.constant 0 : i32
      %dma_wait3A_227 = arith.constant 0 : i32
      %dma_wait3A_228 = tpu.memref_slice %arg12[%dma_wait3A_226, %dma_wait3A_227] : memref<10000x64xf32, #tpu.memory_space<vmem_shared>> -> memref<10000x64xf32, #tpu.memory_space<vmem_shared>>
      tpu.wait_indirect_dma semaphore(%arg15 : memref<!tpu.dma_semaphore, #tpu.memory_space<semaphore_mem>>) src(%dma_wait3A_228 : memref<10000x64xf32, #tpu.memory_space<vmem_shared>>) dst(%arg9 : memref<128x64xf32, #tpu.memory_space<vmem>>)
      %dma_start3A_229 = arith.constant 0 : i32
      %dma_start3A_230 = tpu.memref_slice %arg7[%add3A_221, %dma_start3A_229] : memref<80x128xi32, #tpu.memory_space<vmem>> -> memref<1x128xi32, #tpu.memory_space<vmem>>
      %dma_start3A_231 = tpu.memref_squeeze %dma_start3A_230 : memref<1x128xi32, #tpu.memory_space<vmem>> -> memref<128xi32, #tpu.memory_space<vmem>>
      %dma_start3A_232 = arith.constant 0 : i32
      %dma_start3A_233 = arith.constant 0 : i32
      %dma_start3A_234 = tpu.memref_slice %arg13[%dma_start3A_232, %dma_start3A_233] : memref<10016x64xf32, #tpu.memory_space<vmem_shared>> -> memref<10016x64xf32, #tpu.memory_space<vmem_shared>>
      tpu.enqueue_indirect_dma source(%arg9 : memref<128x64xf32, #tpu.memory_space<vmem>>) target(%dma_start3A_234 : memref<10016x64xf32, #tpu.memory_space<vmem_shared>>) offsets(%dma_start3A_231 : memref<128xi32, #tpu.memory_space<vmem>>) semaphore(%arg17 : memref<!tpu.dma_semaphore, #tpu.memory_space<semaphore_mem>>) {add = true}
      %ge3A_235 = arith.constant 1 : i32
      %ge3A_236 = arith.cmpi sge, %add3A_221, %ge3A_235 : i32
      %sub3A_237 = arith.constant 1 : i32
      %sub3A_238 = arith.subi %add3A_221, %sub3A_237 : i32
      %add3A_239 = arith.constant 2 : i32
      %add3A_240 = arith.addi %sub3A_238, %add3A_239 : i32
      %lt3A_241 = arith.constant 80 : i32
      %lt3A_242 = arith.cmpi slt, %add3A_240, %lt3A_241 : i32
      %and3A_243 = arith.andi %ge3A_236, %lt3A_242 : i1
      %convert_element_type3A_244 = arith.extui %and3A_243 : i1 to i32
      %cond3A_245 = arith.constant 0 : i32
      %cond3A_246 = arith.cmpi ne, %convert_element_type3A_244, %cond3A_245 : i32
      scf.if %cond3A_246 {
        %dma_wait3A_247 = arith.constant 0 : i32
        %dma_wait3A_248 = arith.constant 0 : i32
        %dma_wait3A_249 = tpu.memref_slice %arg7[%dma_wait3A_247, %dma_wait3A_248] : memref<80x128xi32, #tpu.memory_space<vmem>> -> memref<1x128xi32, #tpu.memory_space<vmem>>
        %dma_wait3A_250 = tpu.memref_squeeze %dma_wait3A_249 : memref<1x128xi32, #tpu.memory_space<vmem>> -> memref<128xi32, #tpu.memory_space<vmem>>
        %dma_wait3A_251 = arith.constant 0 : i32
        %dma_wait3A_252 = arith.constant 0 : i32
        %dma_wait3A_253 = tpu.memref_slice %arg13[%dma_wait3A_251, %dma_wait3A_252] : memref<10016x64xf32, #tpu.memory_space<vmem_shared>> -> memref<10016x64xf32, #tpu.memory_space<vmem_shared>>
        tpu.wait_indirect_dma semaphore(%arg16 : memref<!tpu.dma_semaphore, #tpu.memory_space<semaphore_mem>>) src(%arg8 : memref<128x64xf32, #tpu.memory_space<vmem>>) dst(%dma_wait3A_253 : memref<10016x64xf32, #tpu.memory_space<vmem_shared>>)
        %sub3A_254 = arith.constant 1 : i32
        %sub3A_255 = arith.subi %add3A_221, %sub3A_254 : i32
        %add3A_256 = arith.constant 2 : i32
        %add3A_257 = arith.addi %sub3A_255, %add3A_256 : i32
        %dma_start3A_258 = arith.constant 0 : i32
        %dma_start3A_259 = tpu.memref_slice %arg6[%add3A_257, %dma_start3A_258] : memref<80x128xi32, #tpu.memory_space<vmem>> -> memref<1x128xi32, #tpu.memory_space<vmem>>
        %dma_start3A_260 = tpu.memref_squeeze %dma_start3A_259 : memref<1x128xi32, #tpu.memory_space<vmem>> -> memref<128xi32, #tpu.memory_space<vmem>>
        %dma_start3A_261 = arith.constant 0 : i32
        %dma_start3A_262 = arith.constant 0 : i32
        %dma_start3A_263 = tpu.memref_slice %arg12[%dma_start3A_261, %dma_start3A_262] : memref<10000x64xf32, #tpu.memory_space<vmem_shared>> -> memref<10000x64xf32, #tpu.memory_space<vmem_shared>>
        tpu.enqueue_indirect_dma source(%dma_start3A_263 : memref<10000x64xf32, #tpu.memory_space<vmem_shared>>) target(%arg8 : memref<128x64xf32, #tpu.memory_space<vmem>>) offsets(%dma_start3A_260 : memref<128xi32, #tpu.memory_space<vmem>>) semaphore(%arg14 : memref<!tpu.dma_semaphore, #tpu.memory_space<semaphore_mem>>)
      } else {
      }
    }
    %scan3A_109 = arith.constant 20 : i32
    %dma_wait3A_110 = arith.constant 0 : i32
    %dma_wait3A_111 = arith.constant 0 : i32
    %dma_wait3A_112 = tpu.memref_slice %arg7[%dma_wait3A_110, %dma_wait3A_111] : memref<80x128xi32, #tpu.memory_space<vmem>> -> memref<1x128xi32, #tpu.memory_space<vmem>>
    %dma_wait3A_113 = tpu.memref_squeeze %dma_wait3A_112 : memref<1x128xi32, #tpu.memory_space<vmem>> -> memref<128xi32, #tpu.memory_space<vmem>>
    %dma_wait3A_114 = arith.constant 0 : i32
    %dma_wait3A_115 = arith.constant 0 : i32
    %dma_wait3A_116 = tpu.memref_slice %arg13[%dma_wait3A_114, %dma_wait3A_115] : memref<10016x64xf32, #tpu.memory_space<vmem_shared>> -> memref<10016x64xf32, #tpu.memory_space<vmem_shared>>
    tpu.wait_indirect_dma semaphore(%arg16 : memref<!tpu.dma_semaphore, #tpu.memory_space<semaphore_mem>>) src(%arg8 : memref<128x64xf32, #tpu.memory_space<vmem>>) dst(%dma_wait3A_116 : memref<10016x64xf32, #tpu.memory_space<vmem_shared>>)
    %dma_wait3A_117 = arith.constant 0 : i32
    %dma_wait3A_118 = arith.constant 0 : i32
    %dma_wait3A_119 = tpu.memref_slice %arg7[%dma_wait3A_117, %dma_wait3A_118] : memref<80x128xi32, #tpu.memory_space<vmem>> -> memref<1x128xi32, #tpu.memory_space<vmem>>
    %dma_wait3A_120 = tpu.memref_squeeze %dma_wait3A_119 : memref<1x128xi32, #tpu.memory_space<vmem>> -> memref<128xi32, #tpu.memory_space<vmem>>
    %dma_wait3A_121 = arith.constant 0 : i32
    %dma_wait3A_122 = arith.constant 0 : i32
    %dma_wait3A_123 = tpu.memref_slice %arg13[%dma_wait3A_121, %dma_wait3A_122] : memref<10016x64xf32, #tpu.memory_space<vmem_shared>> -> memref<10016x64xf32, #tpu.memory_space<vmem_shared>>
    tpu.wait_indirect_dma semaphore(%arg17 : memref<!tpu.dma_semaphore, #tpu.memory_space<semaphore_mem>>) src(%arg9 : memref<128x64xf32, #tpu.memory_space<vmem>>) dst(%dma_wait3A_123 : memref<10016x64xf32, #tpu.memory_space<vmem_shared>>)
    %barrier3A_124 = arith.constant 0 : index
    tpu.barrier barrier_id(%barrier3A_124)
    %scan3A_125 = arith.constant 0 : i32
    %scan3A_126 = arith.constant 0 : i32
    %scan3A_127 = arith.constant 6 : i32
    %scan3A_128 = arith.addi %scan3A_126, %scan3A_127 : i32
    %scan3A_129 = arith.constant 1 : i32
    scf.for %scan3A_134 = %scan3A_126 to %scan3A_128 step %scan3A_129  : i32 {
      %mul3A_135 = arith.constant 104 : i32
      %mul3A_136 = arith.muli %scan3A_134, %mul3A_135 : i32
      %add3A_137 = arith.addi %mul3A_3, %mul3A_136 : i32
      "tpu.region"() ({
        %run_scoped3A_138 = tpu.sem_alloc : memref<!tpu.dma_semaphore, #tpu.memory_space<semaphore_mem>>
        %dma_start3A_139 = arith.constant 0 : i32
        %dma_start3A_140 = tpu.memref_slice %arg13[%add3A_137, %dma_start3A_139] : memref<10016x64xf32, #tpu.memory_space<vmem_shared>> -> memref<104x64xf32, #tpu.memory_space<vmem_shared>>
        %dma_start3A_141 = arith.constant 0 : i32
        %dma_start3A_142 = tpu.memref_slice %arg13[%add3A_137, %dma_start3A_141] : memref<10016x64xf32, #tpu.memory_space<vmem_shared>> -> memref<104x64xf32, #tpu.memory_space<vmem_shared>>
        tpu.enqueue_dma source(%dma_start3A_142 : memref<104x64xf32, #tpu.memory_space<vmem_shared>>) target(%arg11 : memref<104x64xf32, #tpu.memory_space<vmem>>) target_semaphore(%run_scoped3A_138 : memref<!tpu.dma_semaphore, #tpu.memory_space<semaphore_mem>>)
        %dma_wait3A_143 = arith.constant 0 : i32
        %dma_wait3A_144 = tpu.memref_slice %arg13[%add3A_137, %dma_wait3A_143] : memref<10016x64xf32, #tpu.memory_space<vmem_shared>> -> memref<104x64xf32, #tpu.memory_space<vmem_shared>>
        %dma_wait3A_145 = arith.constant 0 : i32
        %dma_wait3A_146 = tpu.memref_slice %arg13[%add3A_137, %dma_wait3A_145] : memref<10016x64xf32, #tpu.memory_space<vmem_shared>> -> memref<104x64xf32, #tpu.memory_space<vmem_shared>>
        tpu.wait_dma2 semaphore(%run_scoped3A_138 : memref<!tpu.dma_semaphore, #tpu.memory_space<semaphore_mem>>) src(%dma_wait3A_146 : memref<104x64xf32, #tpu.memory_space<vmem_shared>>) dst(%arg11 : memref<104x64xf32, #tpu.memory_space<vmem>>)
        tpu.yield
      }) : () -> ()
      %run_scoped3A = arith.constant 1 : i32
      "tpu.region"() ({
        %run_scoped3A_138 = tpu.sem_alloc : memref<!tpu.dma_semaphore, #tpu.memory_space<semaphore_mem>>
        %dma_start3A_139 = arith.constant 0 : i32
        %dma_start3A_140 = tpu.memref_slice %arg5[%arg0, %run_scoped3A, %add3A_137, %dma_start3A_139] : memref<2x2x10000x64xf32, #tpu.memory_space<hbm>> -> memref<1x1x104x64xf32, #tpu.memory_space<hbm>>
        %dma_start3A_141 = tpu.memref_squeeze %dma_start3A_140 : memref<1x1x104x64xf32, #tpu.memory_space<hbm>> -> memref<104x64xf32, #tpu.memory_space<hbm>>
        %dma_start3A_142 = arith.constant 0 : i32
        %dma_start3A_143 = tpu.memref_slice %arg5[%arg0, %run_scoped3A, %add3A_137, %dma_start3A_142] : memref<2x2x10000x64xf32, #tpu.memory_space<hbm>> -> memref<1x1x104x64xf32, #tpu.memory_space<hbm>>
        %dma_start3A_144 = tpu.memref_squeeze %dma_start3A_143 : memref<1x1x104x64xf32, #tpu.memory_space<hbm>> -> memref<104x64xf32, #tpu.memory_space<hbm>>
        tpu.enqueue_dma source(%arg11 : memref<104x64xf32, #tpu.memory_space<vmem>>) target(%dma_start3A_144 : memref<104x64xf32, #tpu.memory_space<hbm>>) target_semaphore(%run_scoped3A_138 : memref<!tpu.dma_semaphore, #tpu.memory_space<semaphore_mem>>)
        %dma_wait3A_145 = arith.constant 0 : i32
        %dma_wait3A_146 = tpu.memref_slice %arg5[%arg0, %run_scoped3A, %add3A_137, %dma_wait3A_145] : memref<2x2x10000x64xf32, #tpu.memory_space<hbm>> -> memref<1x1x104x64xf32, #tpu.memory_space<hbm>>
        %dma_wait3A_147 = tpu.memref_squeeze %dma_wait3A_146 : memref<1x1x104x64xf32, #tpu.memory_space<hbm>> -> memref<104x64xf32, #tpu.memory_space<hbm>>
        %dma_wait3A_148 = arith.constant 0 : i32
        %dma_wait3A_149 = tpu.memref_slice %arg5[%arg0, %run_scoped3A, %add3A_137, %dma_wait3A_148] : memref<2x2x10000x64xf32, #tpu.memory_space<hbm>> -> memref<1x1x104x64xf32, #tpu.memory_space<hbm>>
        %dma_wait3A_150 = tpu.memref_squeeze %dma_wait3A_149 : memref<1x1x104x64xf32, #tpu.memory_space<hbm>> -> memref<104x64xf32, #tpu.memory_space<hbm>>
        tpu.wait_dma2 semaphore(%run_scoped3A_138 : memref<!tpu.dma_semaphore, #tpu.memory_space<semaphore_mem>>) src(%arg11 : memref<104x64xf32, #tpu.memory_space<vmem>>) dst(%dma_wait3A_150 : memref<104x64xf32, #tpu.memory_space<hbm>>)
        tpu.yield
      }) : () -> ()
    }
    %scan3A_130 = arith.constant 6 : i32
    %convert_element_type3A_131 = arith.extui %eq3A_1 : i1 to i32
    %cond3A_132 = arith.constant 0 : i32
    %cond3A_133 = arith.cmpi ne, %convert_element_type3A_131, %cond3A_132 : i32
    scf.if %cond3A_133 {
      "tpu.region"() ({
        %run_scoped3A_134 = tpu.sem_alloc : memref<!tpu.dma_semaphore, #tpu.memory_space<semaphore_mem>>
        %dma_start3A_135 = arith.constant 0 : i32
        %dma_start3A_136 = arith.constant 0 : i32
        %dma_start3A_137 = tpu.memref_slice %arg11[%dma_start3A_135, %dma_start3A_136] : memref<104x64xf32, #tpu.memory_space<vmem>> -> memref<16x64xf32, #tpu.memory_space<vmem>>
        %dma_start3A_138 = arith.constant 9984 : i32
        %dma_start3A_139 = arith.constant 0 : i32
        %dma_start3A_140 = tpu.memref_slice %arg13[%dma_start3A_138, %dma_start3A_139] : memref<10016x64xf32, #tpu.memory_space<vmem_shared>> -> memref<16x64xf32, #tpu.memory_space<vmem_shared>>
        %dma_start3A_141 = arith.constant 0 : i32
        %dma_start3A_142 = arith.constant 0 : i32
        %dma_start3A_143 = tpu.memref_slice %arg11[%dma_start3A_141, %dma_start3A_142] : memref<104x64xf32, #tpu.memory_space<vmem>> -> memref<16x64xf32, #tpu.memory_space<vmem>>
        %dma_start3A_144 = arith.constant 9984 : i32
        %dma_start3A_145 = arith.constant 0 : i32
        %dma_start3A_146 = tpu.memref_slice %arg13[%dma_start3A_144, %dma_start3A_145] : memref<10016x64xf32, #tpu.memory_space<vmem_shared>> -> memref<16x64xf32, #tpu.memory_space<vmem_shared>>
        tpu.enqueue_dma source(%dma_start3A_146 : memref<16x64xf32, #tpu.memory_space<vmem_shared>>) target(%dma_start3A_143 : memref<16x64xf32, #tpu.memory_space<vmem>>) target_semaphore(%run_scoped3A_134 : memref<!tpu.dma_semaphore, #tpu.memory_space<semaphore_mem>>)
        %dma_wait3A_147 = arith.constant 0 : i32
        %dma_wait3A_148 = arith.constant 0 : i32
        %dma_wait3A_149 = tpu.memref_slice %arg11[%dma_wait3A_147, %dma_wait3A_148] : memref<104x64xf32, #tpu.memory_space<vmem>> -> memref<16x64xf32, #tpu.memory_space<vmem>>
        %dma_wait3A_150 = arith.constant 9984 : i32
        %dma_wait3A_151 = arith.constant 0 : i32
        %dma_wait3A_152 = tpu.memref_slice %arg13[%dma_wait3A_150, %dma_wait3A_151] : memref<10016x64xf32, #tpu.memory_space<vmem_shared>> -> memref<16x64xf32, #tpu.memory_space<vmem_shared>>
        %dma_wait3A_153 = arith.constant 0 : i32
        %dma_wait3A_154 = arith.constant 0 : i32
        %dma_wait3A_155 = tpu.memref_slice %arg11[%dma_wait3A_153, %dma_wait3A_154] : memref<104x64xf32, #tpu.memory_space<vmem>> -> memref<16x64xf32, #tpu.memory_space<vmem>>
        %dma_wait3A_156 = arith.constant 9984 : i32
        %dma_wait3A_157 = arith.constant 0 : i32
        %dma_wait3A_158 = tpu.memref_slice %arg13[%dma_wait3A_156, %dma_wait3A_157] : memref<10016x64xf32, #tpu.memory_space<vmem_shared>> -> memref<16x64xf32, #tpu.memory_space<vmem_shared>>
        tpu.wait_dma2 semaphore(%run_scoped3A_134 : memref<!tpu.dma_semaphore, #tpu.memory_space<semaphore_mem>>) src(%dma_wait3A_158 : memref<16x64xf32, #tpu.memory_space<vmem_shared>>) dst(%dma_wait3A_155 : memref<16x64xf32, #tpu.memory_space<vmem>>)
        tpu.yield
      }) : () -> ()
      %run_scoped3A = arith.constant 1 : i32
      "tpu.region"() ({
        %run_scoped3A_134 = tpu.sem_alloc : memref<!tpu.dma_semaphore, #tpu.memory_space<semaphore_mem>>
        %dma_start3A_135 = arith.constant 0 : i32
        %dma_start3A_136 = arith.constant 0 : i32
        %dma_start3A_137 = tpu.memref_slice %arg11[%dma_start3A_135, %dma_start3A_136] : memref<104x64xf32, #tpu.memory_space<vmem>> -> memref<16x64xf32, #tpu.memory_space<vmem>>
        %dma_start3A_138 = arith.constant 9984 : i32
        %dma_start3A_139 = arith.constant 0 : i32
        %dma_start3A_140 = tpu.memref_slice %arg5[%arg0, %run_scoped3A, %dma_start3A_138, %dma_start3A_139] : memref<2x2x10000x64xf32, #tpu.memory_space<hbm>> -> memref<1x1x16x64xf32, #tpu.memory_space<hbm>>
        %dma_start3A_141 = tpu.memref_squeeze %dma_start3A_140 : memref<1x1x16x64xf32, #tpu.memory_space<hbm>> -> memref<16x64xf32, #tpu.memory_space<hbm>>
        %dma_start3A_142 = arith.constant 9984 : i32
        %dma_start3A_143 = arith.constant 0 : i32
        %dma_start3A_144 = tpu.memref_slice %arg5[%arg0, %run_scoped3A, %dma_start3A_142, %dma_start3A_143] : memref<2x2x10000x64xf32, #tpu.memory_space<hbm>> -> memref<1x1x16x64xf32, #tpu.memory_space<hbm>>
        %dma_start3A_145 = tpu.memref_squeeze %dma_start3A_144 : memref<1x1x16x64xf32, #tpu.memory_space<hbm>> -> memref<16x64xf32, #tpu.memory_space<hbm>>
        %dma_start3A_146 = arith.constant 0 : i32
        %dma_start3A_147 = arith.constant 0 : i32
        %dma_start3A_148 = tpu.memref_slice %arg11[%dma_start3A_146, %dma_start3A_147] : memref<104x64xf32, #tpu.memory_space<vmem>> -> memref<16x64xf32, #tpu.memory_space<vmem>>
        tpu.enqueue_dma source(%dma_start3A_148 : memref<16x64xf32, #tpu.memory_space<vmem>>) target(%dma_start3A_145 : memref<16x64xf32, #tpu.memory_space<hbm>>) target_semaphore(%run_scoped3A_134 : memref<!tpu.dma_semaphore, #tpu.memory_space<semaphore_mem>>)
        %dma_wait3A_149 = arith.constant 0 : i32
        %dma_wait3A_150 = arith.constant 0 : i32
        %dma_wait3A_151 = tpu.memref_slice %arg11[%dma_wait3A_149, %dma_wait3A_150] : memref<104x64xf32, #tpu.memory_space<vmem>> -> memref<16x64xf32, #tpu.memory_space<vmem>>
        %dma_wait3A_152 = arith.constant 9984 : i32
        %dma_wait3A_153 = arith.constant 0 : i32
        %dma_wait3A_154 = tpu.memref_slice %arg5[%arg0, %run_scoped3A, %dma_wait3A_152, %dma_wait3A_153] : memref<2x2x10000x64xf32, #tpu.memory_space<hbm>> -> memref<1x1x16x64xf32, #tpu.memory_space<hbm>>
        %dma_wait3A_155 = tpu.memref_squeeze %dma_wait3A_154 : memref<1x1x16x64xf32, #tpu.memory_space<hbm>> -> memref<16x64xf32, #tpu.memory_space<hbm>>
        %dma_wait3A_156 = arith.constant 9984 : i32
        %dma_wait3A_157 = arith.constant 0 : i32
        %dma_wait3A_158 = tpu.memref_slice %arg5[%arg0, %run_scoped3A, %dma_wait3A_156, %dma_wait3A_157] : memref<2x2x10000x64xf32, #tpu.memory_space<hbm>> -> memref<1x1x16x64xf32, #tpu.memory_space<hbm>>
        %dma_wait3A_159 = tpu.memref_squeeze %dma_wait3A_158 : memref<1x1x16x64xf32, #tpu.memory_space<hbm>> -> memref<16x64xf32, #tpu.memory_space<hbm>>
        %dma_wait3A_160 = arith.constant 0 : i32
        %dma_wait3A_161 = arith.constant 0 : i32
        %dma_wait3A_162 = tpu.memref_slice %arg11[%dma_wait3A_160, %dma_wait3A_161] : memref<104x64xf32, #tpu.memory_space<vmem>> -> memref<16x64xf32, #tpu.memory_space<vmem>>
        tpu.wait_dma2 semaphore(%run_scoped3A_134 : memref<!tpu.dma_semaphore, #tpu.memory_space<semaphore_mem>>) src(%dma_wait3A_162 : memref<16x64xf32, #tpu.memory_space<vmem>>) dst(%dma_wait3A_159 : memref<16x64xf32, #tpu.memory_space<hbm>>)
        tpu.yield
      }) : () -> ()
    } else {
    }
    return
  }
}

module attributes {stable_mosaic.version = 14 : i64} {
  func.func @body(%arg0: i32, %arg1: memref<2x2000x16xf32, #tpu.memory_space<vmem>>, %arg2: memref<2000x128xf32, #tpu.memory_space<vmem>>, %arg3: memref<128x128xf32, #tpu.memory_space<vmem>>, %arg4: memref<2x2000x64xf32, #tpu.memory_space<vmem>>, %arg5: memref<2000x1xf32, #tpu.memory_space<vmem>>) attributes {dimension_semantics = [#tpu.dimension_semantics<arbitrary>], iteration_bounds = array<i64: 5>, scalar_prefetch = 0 : i64, scratch_operands = 0 : i64, tpu.core_type = #tpu.core_type<tc>, window_params = [{transform_indices = @transform_0, window_bounds = array<i64: 2, 2000, 16>}, {transform_indices = @transform_1, window_bounds = array<i64: 2000, 128>}, {pipeline_mode = #tpu.pipeline_mode<synchronous>, transform_indices = @transform_2, window_bounds = array<i64: 128, 128>}, {transform_indices = @transform_3, window_bounds = array<i64: 2, 2000, 64>}, {transform_indices = @transform_4, window_bounds = array<i64: 2000, 1>}]} {
    %get3A = arith.constant 0 : index
    %get3A_0 = arith.constant 0 : index
    %get3A_1 = arith.constant 0 : index
    %get3A_2 = vector.load %arg1[%get3A, %get3A_0, %get3A_1] : memref<2x2000x16xf32, #tpu.memory_space<vmem>>, vector<1x2000x1xf32>
    %get3A_3 = vector.shape_cast %get3A_2 : vector<1x2000x1xf32> to vector<2000x1xf32>
    %get3A_4 = arith.constant 1 : index
    %get3A_5 = arith.constant 0 : index
    %get3A_6 = arith.constant 0 : index
    %get3A_7 = vector.load %arg1[%get3A_4, %get3A_5, %get3A_6] : memref<2x2000x16xf32, #tpu.memory_space<vmem>>, vector<1x2000x1xf32>
    %get3A_8 = vector.shape_cast %get3A_7 : vector<1x2000x1xf32> to vector<2000x1xf32>
    %add3A = arith.addf %get3A_3, %get3A_8 : vector<2000x1xf32>
    %add3A_9 = arith.constant 1.000000e+00 : f32
    %add3A_10 = vector.broadcast %add3A_9 : f32 to vector<2000x1xf32>
    %add3A_11 = arith.addf %add3A, %add3A_10 : vector<2000x1xf32>
    %rsqrt3A = math.rsqrt %add3A_11 : vector<2000x1xf32>
    %get3A_12 = arith.constant 0 : index
    %get3A_13 = arith.constant 0 : index
    %get3A_14 = vector.load %arg2[%get3A_12, %get3A_13] : memref<2000x128xf32, #tpu.memory_space<vmem>>, vector<2000x128xf32>
    %get3A_15 = arith.constant 0 : index
    %get3A_16 = arith.constant 0 : index
    %get3A_17 = vector.load %arg3[%get3A_15, %get3A_16] : memref<128x128xf32, #tpu.memory_space<vmem>>, vector<128x128xf32>
    %dot_general3A = arith.constant dense<0.000000e+00> : vector<2000x128xf32>
    %dot_general3A_18 = tpu.matmul %get3A_14, %get3A_17, %dot_general3A {dimension_numbers = #tpu.dot_dimension_numbers<[1], [0], [0], [1], [0, 0, 1, 1], [], []>, transpose_lhs_hint = false} : vector<2000x128xf32>, vector<128x128xf32>, vector<2000x128xf32> -> vector<2000x128xf32>
    %mul3A = vector.broadcast %rsqrt3A : vector<2000x1xf32> to vector<2000x128xf32>
    %mul3A_19 = arith.mulf %mul3A, %dot_general3A_18 : vector<2000x128xf32>
    %slice3A = vector.extract_strided_slice %mul3A_19 {offsets = [0, 0], sizes = [2000, 64], strides = [1, 1]} : vector<2000x128xf32> to vector<2000x64xf32>
    %swap3A = arith.constant 0 : index
    %swap3A_20 = arith.constant 0 : index
    %swap3A_21 = arith.constant 0 : index
    %swap3A_22 = vector.load %arg4[%swap3A, %swap3A_20, %swap3A_21] : memref<2x2000x64xf32, #tpu.memory_space<vmem>>, vector<1x2000x64xf32>
    %swap3A_23 = vector.shape_cast %swap3A_22 : vector<1x2000x64xf32> to vector<2000x64xf32>
    %swap3A_24 = vector.shape_cast %slice3A : vector<2000x64xf32> to vector<1x2000x64xf32>
    tpu.vector_store %arg4[%swap3A, %swap3A_20, %swap3A_21], %swap3A_24 {strides = array<i32>} : memref<2x2000x64xf32, #tpu.memory_space<vmem>>, vector<1x2000x64xf32>,
    %slice3A_25 = vector.extract_strided_slice %mul3A_19 {offsets = [0, 64], sizes = [2000, 64], strides = [1, 1]} : vector<2000x128xf32> to vector<2000x64xf32>
    %swap3A_26 = arith.constant 1 : index
    %swap3A_27 = arith.constant 0 : index
    %swap3A_28 = arith.constant 0 : index
    %swap3A_29 = vector.load %arg4[%swap3A_26, %swap3A_27, %swap3A_28] : memref<2x2000x64xf32, #tpu.memory_space<vmem>>, vector<1x2000x64xf32>
    %swap3A_30 = vector.shape_cast %swap3A_29 : vector<1x2000x64xf32> to vector<2000x64xf32>
    %swap3A_31 = vector.shape_cast %slice3A_25 : vector<2000x64xf32> to vector<1x2000x64xf32>
    tpu.vector_store %arg4[%swap3A_26, %swap3A_27, %swap3A_28], %swap3A_31 {strides = array<i32>} : memref<2x2000x64xf32, #tpu.memory_space<vmem>>, vector<1x2000x64xf32>,
    %swap3A_32 = arith.constant 0 : index
    %swap3A_33 = arith.constant 0 : index
    %swap3A_34 = vector.load %arg5[%swap3A_32, %swap3A_33] : memref<2000x1xf32, #tpu.memory_space<vmem>>, vector<2000x1xf32>
    tpu.vector_store %arg5[%swap3A_32, %swap3A_33], %rsqrt3A {strides = array<i32>} : memref<2000x1xf32, #tpu.memory_space<vmem>>, vector<2000x1xf32>,
    return
  }
  func.func @transform_0(%arg0: i32) -> (i32, i32, i32) {
    %c0_i32 = arith.constant 0 : i32
    %c0_i32_0 = arith.constant 0 : i32
    %c0_i32_1 = arith.constant 0 : i32
    return %c0_i32, %arg0, %c0_i32_0 : i32, i32, i32
  }
  func.func @transform_1(%arg0: i32) -> (i32, i32) {
    %c0_i32 = arith.constant 0 : i32
    %c0_i32_0 = arith.constant 0 : i32
    return %arg0, %c0_i32 : i32, i32
  }
  func.func @transform_2(%arg0: i32) -> (i32, i32) {
    %c0_i32 = arith.constant 0 : i32
    %c0_i32_0 = arith.constant 0 : i32
    %c0_i32_1 = arith.constant 0 : i32
    return %c0_i32, %c0_i32_0 : i32, i32
  }
  func.func @transform_3(%arg0: i32) -> (i32, i32, i32) {
    %c0_i32 = arith.constant 0 : i32
    %c0_i32_0 = arith.constant 0 : i32
    %c0_i32_1 = arith.constant 0 : i32
    return %c0_i32, %arg0, %c0_i32_0 : i32, i32, i32
  }
  func.func @transform_4(%arg0: i32) -> (i32, i32) {
    %c0_i32 = arith.constant 0 : i32
    %c0_i32_0 = arith.constant 0 : i32
    return %arg0, %c0_i32 : i32, i32
  }
}

module attributes {stable_mosaic.version = 14 : i64} {
  func.func @body(%arg0: i32, %arg1: i32, %arg2: memref<2x2x2000x64xf32, #tpu.memory_space<vmem>>, %arg3: memref<2x2000x64xf32, #tpu.memory_space<vmem>>, %arg4: memref<2000x1xf32, #tpu.memory_space<vmem>>, %arg5: memref<1x128xf32, #tpu.memory_space<vmem>>, %arg6: memref<1x128xf32, #tpu.memory_space<vmem>>, %arg7: memref<1x128xf32, #tpu.memory_space<vmem>>, %arg8: memref<1x128xf32, #tpu.memory_space<vmem>>, %arg9: memref<128x128xf32, #tpu.memory_space<vmem>>, %arg10: memref<1x128xf32, #tpu.memory_space<vmem>>, %arg11: memref<2x2000x64xf32, #tpu.memory_space<vmem>>, %arg12: memref<1x128xf32, #tpu.memory_space<vmem>>, %arg13: memref<1x128xf32, #tpu.memory_space<vmem>>) attributes {dimension_semantics = [#tpu.dimension_semantics<arbitrary>, #tpu.dimension_semantics<arbitrary>], iteration_bounds = array<i64: 2, 5>, scalar_prefetch = 0 : i64, scratch_operands = 2 : i64, tpu.core_type = #tpu.core_type<tc>, window_params = [{transform_indices = @transform_0, window_bounds = array<i64: 2, 2, 2000, 64>}, {transform_indices = @transform_1, window_bounds = array<i64: 2, 2000, 64>}, {transform_indices = @transform_2, window_bounds = array<i64: 2000, 1>}, {pipeline_mode = #tpu.pipeline_mode<synchronous>, transform_indices = @transform_3, window_bounds = array<i64: 1, 128>}, {pipeline_mode = #tpu.pipeline_mode<synchronous>, transform_indices = @transform_4, window_bounds = array<i64: 1, 128>}, {pipeline_mode = #tpu.pipeline_mode<synchronous>, transform_indices = @transform_5, window_bounds = array<i64: 1, 128>}, {pipeline_mode = #tpu.pipeline_mode<synchronous>, transform_indices = @transform_6, window_bounds = array<i64: 1, 128>}, {pipeline_mode = #tpu.pipeline_mode<synchronous>, transform_indices = @transform_7, window_bounds = array<i64: 128, 128>}, {pipeline_mode = #tpu.pipeline_mode<synchronous>, transform_indices = @transform_8, window_bounds = array<i64: 1, 128>}, {transform_indices = @transform_9, window_bounds = array<i64: 2, 2000, 64>}]} {
    %get3A = arith.constant 0 : index
    %get3A_0 = arith.constant 0 : index
    %get3A_1 = vector.load %arg4[%get3A, %get3A_0] : memref<2000x1xf32, #tpu.memory_space<vmem>>, vector<2000x1xf32>
    %get3A_2 = arith.constant 0 : index
    %get3A_3 = arith.constant 0 : index
    %get3A_4 = arith.constant 0 : index
    %get3A_5 = arith.constant 0 : index
    %get3A_6 = vector.load %arg2[%get3A_2, %get3A_3, %get3A_4, %get3A_5] : memref<2x2x2000x64xf32, #tpu.memory_space<vmem>>, vector<1x2x2000x64xf32>
    %get3A_7 = vector.shape_cast %get3A_6 : vector<1x2x2000x64xf32> to vector<2x2000x64xf32>
    %get3A_8 = arith.constant 1 : index
    %get3A_9 = arith.constant 0 : index
    %get3A_10 = arith.constant 0 : index
    %get3A_11 = arith.constant 0 : index
    %get3A_12 = vector.load %arg2[%get3A_8, %get3A_9, %get3A_10, %get3A_11] : memref<2x2x2000x64xf32, #tpu.memory_space<vmem>>, vector<1x2x2000x64xf32>
    %get3A_13 = vector.shape_cast %get3A_12 : vector<1x2x2000x64xf32> to vector<2x2000x64xf32>
    %add3A = arith.addf %get3A_7, %get3A_13 : vector<2x2000x64xf32>
    %slice3A = vector.extract_strided_slice %add3A {offsets = [0, 0, 0], sizes = [1, 2000, 64], strides = [1, 1, 1]} : vector<2x2000x64xf32> to vector<1x2000x64xf32>
    %squeeze3A = vector.shape_cast %slice3A : vector<1x2000x64xf32> to vector<2000x64xf32>
    %get3A_14 = arith.constant 0 : index
    %get3A_15 = arith.constant 0 : index
    %get3A_16 = arith.constant 0 : index
    %get3A_17 = vector.load %arg3[%get3A_14, %get3A_15, %get3A_16] : memref<2x2000x64xf32, #tpu.memory_space<vmem>>, vector<1x2000x64xf32>
    %get3A_18 = vector.shape_cast %get3A_17 : vector<1x2000x64xf32> to vector<2000x64xf32>
    %add3A_19 = arith.addf %squeeze3A, %get3A_18 : vector<2000x64xf32>
    %slice3A_20 = vector.extract_strided_slice %add3A {offsets = [1, 0, 0], sizes = [1, 2000, 64], strides = [1, 1, 1]} : vector<2x2000x64xf32> to vector<1x2000x64xf32>
    %squeeze3A_21 = vector.shape_cast %slice3A_20 : vector<1x2000x64xf32> to vector<2000x64xf32>
    %get3A_22 = arith.constant 1 : index
    %get3A_23 = arith.constant 0 : index
    %get3A_24 = arith.constant 0 : index
    %get3A_25 = vector.load %arg3[%get3A_22, %get3A_23, %get3A_24] : memref<2x2000x64xf32, #tpu.memory_space<vmem>>, vector<1x2000x64xf32>
    %get3A_26 = vector.shape_cast %get3A_25 : vector<1x2000x64xf32> to vector<2000x64xf32>
    %add3A_27 = arith.addf %squeeze3A_21, %get3A_26 : vector<2000x64xf32>
    %concatenate3A = tpu.concatenate %add3A_19, %add3A_27 in 1 : vector<2000x64xf32>, vector<2000x64xf32> -> vector<2000x128xf32>
    %mul3A = vector.broadcast %get3A_1 : vector<2000x1xf32> to vector<2000x128xf32>
    %mul3A_28 = arith.mulf %mul3A, %concatenate3A : vector<2000x128xf32>
    %get3A_29 = arith.constant 0 : index
    %get3A_30 = arith.constant 0 : index
    %get3A_31 = vector.load %arg5[%get3A_29, %get3A_30] : memref<1x128xf32, #tpu.memory_space<vmem>>, vector<1x128xf32>
    %add3A_32 = vector.broadcast %get3A_31 : vector<1x128xf32> to vector<2000x128xf32>
    %add3A_33 = arith.addf %mul3A_28, %add3A_32 : vector<2000x128xf32>
    %eq3A = arith.constant 0 : i32
    %eq3A_34 = arith.cmpi eq, %arg0, %eq3A : i32
    %convert_element_type3A = arith.extui %eq3A_34 : i1 to i32
    %cond3A = arith.constant 0 : i32
    %cond3A_35 = arith.cmpi ne, %convert_element_type3A, %cond3A : i32
    scf.if %cond3A_35 {
      %reduce_sum3A = arith.constant dense<0.000000e+00> : vector<128xf32>
      %reduce_sum3A_41 = vector.multi_reduction <add>, %add3A_33, %reduce_sum3A [0] : vector<2000x128xf32> to vector<128xf32>
      %broadcast_in_dim3A = vector.shape_cast %reduce_sum3A_41 : vector<128xf32> to vector<1x128xf32>
      %mul3A_42 = arith.mulf %add3A_33, %add3A_33 : vector<2000x128xf32>
      %reduce_sum3A_43 = arith.constant dense<0.000000e+00> : vector<128xf32>
      %reduce_sum3A_44 = vector.multi_reduction <add>, %mul3A_42, %reduce_sum3A_43 [0] : vector<2000x128xf32> to vector<128xf32>
      %broadcast_in_dim3A_45 = vector.shape_cast %reduce_sum3A_44 : vector<128xf32> to vector<1x128xf32>
      %eq3A_46 = arith.constant 0 : i32
      %eq3A_47 = arith.cmpi eq, %arg1, %eq3A_46 : i32
      %convert_element_type3A_48 = arith.extui %eq3A_47 : i1 to i32
      %cond3A_49 = arith.constant 0 : i32
      %cond3A_50 = arith.cmpi ne, %convert_element_type3A_48, %cond3A_49 : i32
      scf.if %cond3A_50 {
        %swap3A = arith.constant 0 : index
        %swap3A_55 = arith.constant 0 : index
        %swap3A_56 = vector.load %arg12[%swap3A, %swap3A_55] : memref<1x128xf32, #tpu.memory_space<vmem>>, vector<1x128xf32>
        tpu.vector_store %arg12[%swap3A, %swap3A_55], %broadcast_in_dim3A {strides = array<i32>} : memref<1x128xf32, #tpu.memory_space<vmem>>, vector<1x128xf32>,
        %swap3A_57 = arith.constant 0 : index
        %swap3A_58 = arith.constant 0 : index
        %swap3A_59 = vector.load %arg13[%swap3A_57, %swap3A_58] : memref<1x128xf32, #tpu.memory_space<vmem>>, vector<1x128xf32>
        tpu.vector_store %arg13[%swap3A_57, %swap3A_58], %broadcast_in_dim3A_45 {strides = array<i32>} : memref<1x128xf32, #tpu.memory_space<vmem>>, vector<1x128xf32>,
      } else {
      }
      %ne3A = arith.constant 0 : i32
      %ne3A_51 = arith.cmpi ne, %arg1, %ne3A : i32
      %convert_element_type3A_52 = arith.extui %ne3A_51 : i1 to i32
      %cond3A_53 = arith.constant 0 : i32
      %cond3A_54 = arith.cmpi ne, %convert_element_type3A_52, %cond3A_53 : i32
      scf.if %cond3A_54 {
        %get3A_55 = arith.constant 0 : index
        %get3A_56 = arith.constant 0 : index
        %get3A_57 = vector.load %arg12[%get3A_55, %get3A_56] : memref<1x128xf32, #tpu.memory_space<vmem>>, vector<1x128xf32>
        %add3A_58 = arith.addf %get3A_57, %broadcast_in_dim3A : vector<1x128xf32>
        %swap3A = arith.constant 0 : index
        %swap3A_59 = arith.constant 0 : index
        %swap3A_60 = vector.load %arg12[%swap3A, %swap3A_59] : memref<1x128xf32, #tpu.memory_space<vmem>>, vector<1x128xf32>
        tpu.vector_store %arg12[%swap3A, %swap3A_59], %add3A_58 {strides = array<i32>} : memref<1x128xf32, #tpu.memory_space<vmem>>, vector<1x128xf32>,
        %get3A_61 = arith.constant 0 : index
        %get3A_62 = arith.constant 0 : index
        %get3A_63 = vector.load %arg13[%get3A_61, %get3A_62] : memref<1x128xf32, #tpu.memory_space<vmem>>, vector<1x128xf32>
        %add3A_64 = arith.addf %get3A_63, %broadcast_in_dim3A_45 : vector<1x128xf32>
        %swap3A_65 = arith.constant 0 : index
        %swap3A_66 = arith.constant 0 : index
        %swap3A_67 = vector.load %arg13[%swap3A_65, %swap3A_66] : memref<1x128xf32, #tpu.memory_space<vmem>>, vector<1x128xf32>
        tpu.vector_store %arg13[%swap3A_65, %swap3A_66], %add3A_64 {strides = array<i32>} : memref<1x128xf32, #tpu.memory_space<vmem>>, vector<1x128xf32>,
      } else {
      }
    } else {
    }
    %eq3A_36 = arith.constant 1 : i32
    %eq3A_37 = arith.cmpi eq, %arg0, %eq3A_36 : i32
    %convert_element_type3A_38 = arith.extui %eq3A_37 : i1 to i32
    %cond3A_39 = arith.constant 0 : i32
    %cond3A_40 = arith.cmpi ne, %convert_element_type3A_38, %cond3A_39 : i32
    scf.if %cond3A_40 {
      %get3A_41 = arith.constant 0 : index
      %get3A_42 = arith.constant 0 : index
      %get3A_43 = vector.load %arg12[%get3A_41, %get3A_42] : memref<1x128xf32, #tpu.memory_space<vmem>>, vector<1x128xf32>
      %mul3A_44 = arith.constant 9.99999974E-5 : f32
      %mul3A_45 = vector.broadcast %mul3A_44 : f32 to vector<1x128xf32>
      %mul3A_46 = arith.mulf %get3A_43, %mul3A_45 : vector<1x128xf32>
      %get3A_47 = arith.constant 0 : index
      %get3A_48 = arith.constant 0 : index
      %get3A_49 = vector.load %arg13[%get3A_47, %get3A_48] : memref<1x128xf32, #tpu.memory_space<vmem>>, vector<1x128xf32>
      %mul3A_50 = arith.constant 9.99999974E-5 : f32
      %mul3A_51 = vector.broadcast %mul3A_50 : f32 to vector<1x128xf32>
      %mul3A_52 = arith.mulf %get3A_49, %mul3A_51 : vector<1x128xf32>
      %get3A_53 = arith.constant 0 : index
      %get3A_54 = arith.constant 0 : index
      %get3A_55 = vector.load %arg8[%get3A_53, %get3A_54] : memref<1x128xf32, #tpu.memory_space<vmem>>, vector<1x128xf32>
      %mul3A_56 = arith.mulf %get3A_55, %mul3A_46 : vector<1x128xf32>
      %mul3A_57 = arith.constant 2.000000e+00 : f32
      %mul3A_58 = vector.broadcast %mul3A_57 : f32 to vector<1x128xf32>
      %mul3A_59 = arith.mulf %mul3A_58, %mul3A_46 : vector<1x128xf32>
      %mul3A_60 = arith.mulf %mul3A_59, %mul3A_56 : vector<1x128xf32>
      %sub3A = arith.subf %mul3A_52, %mul3A_60 : vector<1x128xf32>
      %mul3A_61 = arith.mulf %mul3A_56, %mul3A_56 : vector<1x128xf32>
      %add3A_62 = arith.addf %sub3A, %mul3A_61 : vector<1x128xf32>
      %get3A_63 = arith.constant 0 : index
      %get3A_64 = arith.constant 0 : index
      %get3A_65 = vector.load %arg6[%get3A_63, %get3A_64] : memref<1x128xf32, #tpu.memory_space<vmem>>, vector<1x128xf32>
      %sub3A_66 = vector.broadcast %mul3A_56 : vector<1x128xf32> to vector<2000x128xf32>
      %sub3A_67 = arith.subf %add3A_33, %sub3A_66 : vector<2000x128xf32>
      %mul3A_68 = vector.broadcast %get3A_65 : vector<1x128xf32> to vector<2000x128xf32>
      %mul3A_69 = arith.mulf %mul3A_68, %sub3A_67 : vector<2000x128xf32>
      %add3A_70 = arith.constant 9.99999974E-6 : f32
      %add3A_71 = vector.broadcast %add3A_70 : f32 to vector<1x128xf32>
      %add3A_72 = arith.addf %add3A_62, %add3A_71 : vector<1x128xf32>
      %rsqrt3A = math.rsqrt %add3A_72 : vector<1x128xf32>
      %mul3A_73 = vector.broadcast %rsqrt3A : vector<1x128xf32> to vector<2000x128xf32>
      %mul3A_74 = arith.mulf %mul3A_69, %mul3A_73 : vector<2000x128xf32>
      %get3A_75 = arith.constant 0 : index
      %get3A_76 = arith.constant 0 : index
      %get3A_77 = vector.load %arg7[%get3A_75, %get3A_76] : memref<1x128xf32, #tpu.memory_space<vmem>>, vector<1x128xf32>
      %add3A_78 = vector.broadcast %get3A_77 : vector<1x128xf32> to vector<2000x128xf32>
      %add3A_79 = arith.addf %mul3A_74, %add3A_78 : vector<2000x128xf32>
      %max3A = arith.constant 0.000000e+00 : f32
      %max3A_80 = vector.broadcast %max3A : f32 to vector<2000x128xf32>
      %max3A_81 = arith.maximumf %add3A_79, %max3A_80 : vector<2000x128xf32>
      %get3A_82 = arith.constant 0 : index
      %get3A_83 = arith.constant 0 : index
      %get3A_84 = vector.load %arg9[%get3A_82, %get3A_83] : memref<128x128xf32, #tpu.memory_space<vmem>>, vector<128x128xf32>
      %dot_general3A = arith.constant dense<0.000000e+00> : vector<2000x128xf32>
      %dot_general3A_85 = tpu.matmul %max3A_81, %get3A_84, %dot_general3A {dimension_numbers = #tpu.dot_dimension_numbers<[1], [0], [0], [1], [0, 0, 1, 1], [], []>, transpose_lhs_hint = false} : vector<2000x128xf32>, vector<128x128xf32>, vector<2000x128xf32> -> vector<2000x128xf32>
      %mul3A_86 = vector.broadcast %get3A_1 : vector<2000x1xf32> to vector<2000x128xf32>
      %mul3A_87 = arith.mulf %mul3A_86, %dot_general3A_85 : vector<2000x128xf32>
      %slice3A_88 = vector.extract_strided_slice %mul3A_87 {offsets = [0, 0], sizes = [2000, 64], strides = [1, 1]} : vector<2000x128xf32> to vector<2000x64xf32>
      %swap3A = arith.constant 0 : index
      %swap3A_89 = arith.constant 0 : index
      %swap3A_90 = arith.constant 0 : index
      %swap3A_91 = vector.load %arg11[%swap3A, %swap3A_89, %swap3A_90] : memref<2x2000x64xf32, #tpu.memory_space<vmem>>, vector<1x2000x64xf32>
      %swap3A_92 = vector.shape_cast %swap3A_91 : vector<1x2000x64xf32> to vector<2000x64xf32>
      %swap3A_93 = vector.shape_cast %slice3A_88 : vector<2000x64xf32> to vector<1x2000x64xf32>
      tpu.vector_store %arg11[%swap3A, %swap3A_89, %swap3A_90], %swap3A_93 {strides = array<i32>} : memref<2x2000x64xf32, #tpu.memory_space<vmem>>, vector<1x2000x64xf32>,
      %slice3A_94 = vector.extract_strided_slice %mul3A_87 {offsets = [0, 64], sizes = [2000, 64], strides = [1, 1]} : vector<2000x128xf32> to vector<2000x64xf32>
      %swap3A_95 = arith.constant 1 : index
      %swap3A_96 = arith.constant 0 : index
      %swap3A_97 = arith.constant 0 : index
      %swap3A_98 = vector.load %arg11[%swap3A_95, %swap3A_96, %swap3A_97] : memref<2x2000x64xf32, #tpu.memory_space<vmem>>, vector<1x2000x64xf32>
      %swap3A_99 = vector.shape_cast %swap3A_98 : vector<1x2000x64xf32> to vector<2000x64xf32>
      %swap3A_100 = vector.shape_cast %slice3A_94 : vector<2000x64xf32> to vector<1x2000x64xf32>
      tpu.vector_store %arg11[%swap3A_95, %swap3A_96, %swap3A_97], %swap3A_100 {strides = array<i32>} : memref<2x2000x64xf32, #tpu.memory_space<vmem>>, vector<1x2000x64xf32>,
    } else {
    }
    return
  }
  func.func @transform_0(%arg0: i32, %arg1: i32) -> (i32, i32, i32, i32) {
    %c0_i32 = arith.constant 0 : i32
    %c0_i32_0 = arith.constant 0 : i32
    %c0_i32_1 = arith.constant 0 : i32
    %c0_i32_2 = arith.constant 0 : i32
    return %c0_i32, %c0_i32_0, %arg1, %c0_i32_1 : i32, i32, i32, i32
  }
  func.func @transform_1(%arg0: i32, %arg1: i32) -> (i32, i32, i32) {
    %c0_i32 = arith.constant 0 : i32
    %c0_i32_0 = arith.constant 0 : i32
    %c0_i32_1 = arith.constant 0 : i32
    return %c0_i32, %arg1, %c0_i32_0 : i32, i32, i32
  }
  func.func @transform_2(%arg0: i32, %arg1: i32) -> (i32, i32) {
    %c0_i32 = arith.constant 0 : i32
    %c0_i32_0 = arith.constant 0 : i32
    return %arg1, %c0_i32 : i32, i32
  }
  func.func @transform_3(%arg0: i32, %arg1: i32) -> (i32, i32) {
    %c0_i32 = arith.constant 0 : i32
    %c0_i32_0 = arith.constant 0 : i32
    %c0_i32_1 = arith.constant 0 : i32
    return %c0_i32, %c0_i32_0 : i32, i32
  }
  func.func @transform_4(%arg0: i32, %arg1: i32) -> (i32, i32) {
    %c0_i32 = arith.constant 0 : i32
    %c0_i32_0 = arith.constant 0 : i32
    %c0_i32_1 = arith.constant 0 : i32
    return %c0_i32, %c0_i32_0 : i32, i32
  }
  func.func @transform_5(%arg0: i32, %arg1: i32) -> (i32, i32) {
    %c0_i32 = arith.constant 0 : i32
    %c0_i32_0 = arith.constant 0 : i32
    %c0_i32_1 = arith.constant 0 : i32
    return %c0_i32, %c0_i32_0 : i32, i32
  }
  func.func @transform_6(%arg0: i32, %arg1: i32) -> (i32, i32) {
    %c0_i32 = arith.constant 0 : i32
    %c0_i32_0 = arith.constant 0 : i32
    %c0_i32_1 = arith.constant 0 : i32
    return %c0_i32, %c0_i32_0 : i32, i32
  }
  func.func @transform_7(%arg0: i32, %arg1: i32) -> (i32, i32) {
    %c0_i32 = arith.constant 0 : i32
    %c0_i32_0 = arith.constant 0 : i32
    %c0_i32_1 = arith.constant 0 : i32
    return %c0_i32, %c0_i32_0 : i32, i32
  }
  func.func @transform_8(%arg0: i32, %arg1: i32) -> (i32, i32) {
    %c0_i32 = arith.constant 0 : i32
    %c0_i32_0 = arith.constant 0 : i32
    %c0_i32_1 = arith.constant 0 : i32
    return %c0_i32, %c0_i32_0 : i32, i32
  }
  func.func @transform_9(%arg0: i32, %arg1: i32) -> (i32, i32, i32) {
    %mul3A = arith.muli %arg1, %arg0 : i32
    %c0_i32 = arith.constant 0 : i32
    %c0_i32_0 = arith.constant 0 : i32
    %c0_i32_1 = arith.constant 0 : i32
    return %c0_i32, %mul3A, %c0_i32_0 : i32, i32, i32
  }
}

module attributes {stable_mosaic.version = 14 : i64} {
  func.func @body(%arg0: i32, %arg1: i32, %arg2: memref<2x2x2000x64xf32, #tpu.memory_space<vmem>>, %arg3: memref<2x2000x64xf32, #tpu.memory_space<vmem>>, %arg4: memref<2000x1xf32, #tpu.memory_space<vmem>>, %arg5: memref<1x128xf32, #tpu.memory_space<vmem>>, %arg6: memref<1x128xf32, #tpu.memory_space<vmem>>, %arg7: memref<1x128xf32, #tpu.memory_space<vmem>>, %arg8: memref<1x128xf32, #tpu.memory_space<vmem>>, %arg9: memref<128x64xf32, #tpu.memory_space<vmem>>, %arg10: memref<1x64xf32, #tpu.memory_space<vmem>>, %arg11: memref<2000x64xf32, #tpu.memory_space<vmem>>, %arg12: memref<1x128xf32, #tpu.memory_space<vmem>>, %arg13: memref<1x128xf32, #tpu.memory_space<vmem>>) attributes {dimension_semantics = [#tpu.dimension_semantics<arbitrary>, #tpu.dimension_semantics<arbitrary>], iteration_bounds = array<i64: 2, 5>, scalar_prefetch = 0 : i64, scratch_operands = 2 : i64, tpu.core_type = #tpu.core_type<tc>, window_params = [{transform_indices = @transform_0, window_bounds = array<i64: 2, 2, 2000, 64>}, {transform_indices = @transform_1, window_bounds = array<i64: 2, 2000, 64>}, {transform_indices = @transform_2, window_bounds = array<i64: 2000, 1>}, {pipeline_mode = #tpu.pipeline_mode<synchronous>, transform_indices = @transform_3, window_bounds = array<i64: 1, 128>}, {pipeline_mode = #tpu.pipeline_mode<synchronous>, transform_indices = @transform_4, window_bounds = array<i64: 1, 128>}, {pipeline_mode = #tpu.pipeline_mode<synchronous>, transform_indices = @transform_5, window_bounds = array<i64: 1, 128>}, {pipeline_mode = #tpu.pipeline_mode<synchronous>, transform_indices = @transform_6, window_bounds = array<i64: 1, 128>}, {pipeline_mode = #tpu.pipeline_mode<synchronous>, transform_indices = @transform_7, window_bounds = array<i64: 128, 64>}, {pipeline_mode = #tpu.pipeline_mode<synchronous>, transform_indices = @transform_8, window_bounds = array<i64: 1, 64>}, {transform_indices = @transform_9, window_bounds = array<i64: 2000, 64>}]} {
    %get3A = arith.constant 0 : index
    %get3A_0 = arith.constant 0 : index
    %get3A_1 = vector.load %arg4[%get3A, %get3A_0] : memref<2000x1xf32, #tpu.memory_space<vmem>>, vector<2000x1xf32>
    %get3A_2 = arith.constant 0 : index
    %get3A_3 = arith.constant 0 : index
    %get3A_4 = arith.constant 0 : index
    %get3A_5 = arith.constant 0 : index
    %get3A_6 = vector.load %arg2[%get3A_2, %get3A_3, %get3A_4, %get3A_5] : memref<2x2x2000x64xf32, #tpu.memory_space<vmem>>, vector<1x2x2000x64xf32>
    %get3A_7 = vector.shape_cast %get3A_6 : vector<1x2x2000x64xf32> to vector<2x2000x64xf32>
    %get3A_8 = arith.constant 1 : index
    %get3A_9 = arith.constant 0 : index
    %get3A_10 = arith.constant 0 : index
    %get3A_11 = arith.constant 0 : index
    %get3A_12 = vector.load %arg2[%get3A_8, %get3A_9, %get3A_10, %get3A_11] : memref<2x2x2000x64xf32, #tpu.memory_space<vmem>>, vector<1x2x2000x64xf32>
    %get3A_13 = vector.shape_cast %get3A_12 : vector<1x2x2000x64xf32> to vector<2x2000x64xf32>
    %add3A = arith.addf %get3A_7, %get3A_13 : vector<2x2000x64xf32>
    %slice3A = vector.extract_strided_slice %add3A {offsets = [0, 0, 0], sizes = [1, 2000, 64], strides = [1, 1, 1]} : vector<2x2000x64xf32> to vector<1x2000x64xf32>
    %squeeze3A = vector.shape_cast %slice3A : vector<1x2000x64xf32> to vector<2000x64xf32>
    %get3A_14 = arith.constant 0 : index
    %get3A_15 = arith.constant 0 : index
    %get3A_16 = arith.constant 0 : index
    %get3A_17 = vector.load %arg3[%get3A_14, %get3A_15, %get3A_16] : memref<2x2000x64xf32, #tpu.memory_space<vmem>>, vector<1x2000x64xf32>
    %get3A_18 = vector.shape_cast %get3A_17 : vector<1x2000x64xf32> to vector<2000x64xf32>
    %add3A_19 = arith.addf %squeeze3A, %get3A_18 : vector<2000x64xf32>
    %slice3A_20 = vector.extract_strided_slice %add3A {offsets = [1, 0, 0], sizes = [1, 2000, 64], strides = [1, 1, 1]} : vector<2x2000x64xf32> to vector<1x2000x64xf32>
    %squeeze3A_21 = vector.shape_cast %slice3A_20 : vector<1x2000x64xf32> to vector<2000x64xf32>
    %get3A_22 = arith.constant 1 : index
    %get3A_23 = arith.constant 0 : index
    %get3A_24 = arith.constant 0 : index
    %get3A_25 = vector.load %arg3[%get3A_22, %get3A_23, %get3A_24] : memref<2x2000x64xf32, #tpu.memory_space<vmem>>, vector<1x2000x64xf32>
    %get3A_26 = vector.shape_cast %get3A_25 : vector<1x2000x64xf32> to vector<2000x64xf32>
    %add3A_27 = arith.addf %squeeze3A_21, %get3A_26 : vector<2000x64xf32>
    %concatenate3A = tpu.concatenate %add3A_19, %add3A_27 in 1 : vector<2000x64xf32>, vector<2000x64xf32> -> vector<2000x128xf32>
    %mul3A = vector.broadcast %get3A_1 : vector<2000x1xf32> to vector<2000x128xf32>
    %mul3A_28 = arith.mulf %mul3A, %concatenate3A : vector<2000x128xf32>
    %get3A_29 = arith.constant 0 : index
    %get3A_30 = arith.constant 0 : index
    %get3A_31 = vector.load %arg5[%get3A_29, %get3A_30] : memref<1x128xf32, #tpu.memory_space<vmem>>, vector<1x128xf32>
    %add3A_32 = vector.broadcast %get3A_31 : vector<1x128xf32> to vector<2000x128xf32>
    %add3A_33 = arith.addf %mul3A_28, %add3A_32 : vector<2000x128xf32>
    %eq3A = arith.constant 0 : i32
    %eq3A_34 = arith.cmpi eq, %arg0, %eq3A : i32
    %convert_element_type3A = arith.extui %eq3A_34 : i1 to i32
    %cond3A = arith.constant 0 : i32
    %cond3A_35 = arith.cmpi ne, %convert_element_type3A, %cond3A : i32
    scf.if %cond3A_35 {
      %reduce_sum3A = arith.constant dense<0.000000e+00> : vector<128xf32>
      %reduce_sum3A_41 = vector.multi_reduction <add>, %add3A_33, %reduce_sum3A [0] : vector<2000x128xf32> to vector<128xf32>
      %broadcast_in_dim3A = vector.shape_cast %reduce_sum3A_41 : vector<128xf32> to vector<1x128xf32>
      %mul3A_42 = arith.mulf %add3A_33, %add3A_33 : vector<2000x128xf32>
      %reduce_sum3A_43 = arith.constant dense<0.000000e+00> : vector<128xf32>
      %reduce_sum3A_44 = vector.multi_reduction <add>, %mul3A_42, %reduce_sum3A_43 [0] : vector<2000x128xf32> to vector<128xf32>
      %broadcast_in_dim3A_45 = vector.shape_cast %reduce_sum3A_44 : vector<128xf32> to vector<1x128xf32>
      %eq3A_46 = arith.constant 0 : i32
      %eq3A_47 = arith.cmpi eq, %arg1, %eq3A_46 : i32
      %convert_element_type3A_48 = arith.extui %eq3A_47 : i1 to i32
      %cond3A_49 = arith.constant 0 : i32
      %cond3A_50 = arith.cmpi ne, %convert_element_type3A_48, %cond3A_49 : i32
      scf.if %cond3A_50 {
        %swap3A = arith.constant 0 : index
        %swap3A_55 = arith.constant 0 : index
        %swap3A_56 = vector.load %arg12[%swap3A, %swap3A_55] : memref<1x128xf32, #tpu.memory_space<vmem>>, vector<1x128xf32>
        tpu.vector_store %arg12[%swap3A, %swap3A_55], %broadcast_in_dim3A {strides = array<i32>} : memref<1x128xf32, #tpu.memory_space<vmem>>, vector<1x128xf32>,
        %swap3A_57 = arith.constant 0 : index
        %swap3A_58 = arith.constant 0 : index
        %swap3A_59 = vector.load %arg13[%swap3A_57, %swap3A_58] : memref<1x128xf32, #tpu.memory_space<vmem>>, vector<1x128xf32>
        tpu.vector_store %arg13[%swap3A_57, %swap3A_58], %broadcast_in_dim3A_45 {strides = array<i32>} : memref<1x128xf32, #tpu.memory_space<vmem>>, vector<1x128xf32>,
      } else {
      }
      %ne3A = arith.constant 0 : i32
      %ne3A_51 = arith.cmpi ne, %arg1, %ne3A : i32
      %convert_element_type3A_52 = arith.extui %ne3A_51 : i1 to i32
      %cond3A_53 = arith.constant 0 : i32
      %cond3A_54 = arith.cmpi ne, %convert_element_type3A_52, %cond3A_53 : i32
      scf.if %cond3A_54 {
        %get3A_55 = arith.constant 0 : index
        %get3A_56 = arith.constant 0 : index
        %get3A_57 = vector.load %arg12[%get3A_55, %get3A_56] : memref<1x128xf32, #tpu.memory_space<vmem>>, vector<1x128xf32>
        %add3A_58 = arith.addf %get3A_57, %broadcast_in_dim3A : vector<1x128xf32>
        %swap3A = arith.constant 0 : index
        %swap3A_59 = arith.constant 0 : index
        %swap3A_60 = vector.load %arg12[%swap3A, %swap3A_59] : memref<1x128xf32, #tpu.memory_space<vmem>>, vector<1x128xf32>
        tpu.vector_store %arg12[%swap3A, %swap3A_59], %add3A_58 {strides = array<i32>} : memref<1x128xf32, #tpu.memory_space<vmem>>, vector<1x128xf32>,
        %get3A_61 = arith.constant 0 : index
        %get3A_62 = arith.constant 0 : index
        %get3A_63 = vector.load %arg13[%get3A_61, %get3A_62] : memref<1x128xf32, #tpu.memory_space<vmem>>, vector<1x128xf32>
        %add3A_64 = arith.addf %get3A_63, %broadcast_in_dim3A_45 : vector<1x128xf32>
        %swap3A_65 = arith.constant 0 : index
        %swap3A_66 = arith.constant 0 : index
        %swap3A_67 = vector.load %arg13[%swap3A_65, %swap3A_66] : memref<1x128xf32, #tpu.memory_space<vmem>>, vector<1x128xf32>
        tpu.vector_store %arg13[%swap3A_65, %swap3A_66], %add3A_64 {strides = array<i32>} : memref<1x128xf32, #tpu.memory_space<vmem>>, vector<1x128xf32>,
      } else {
      }
    } else {
    }
    %eq3A_36 = arith.constant 1 : i32
    %eq3A_37 = arith.cmpi eq, %arg0, %eq3A_36 : i32
    %convert_element_type3A_38 = arith.extui %eq3A_37 : i1 to i32
    %cond3A_39 = arith.constant 0 : i32
    %cond3A_40 = arith.cmpi ne, %convert_element_type3A_38, %cond3A_39 : i32
    scf.if %cond3A_40 {
      %get3A_41 = arith.constant 0 : index
      %get3A_42 = arith.constant 0 : index
      %get3A_43 = vector.load %arg12[%get3A_41, %get3A_42] : memref<1x128xf32, #tpu.memory_space<vmem>>, vector<1x128xf32>
      %mul3A_44 = arith.constant 9.99999974E-5 : f32
      %mul3A_45 = vector.broadcast %mul3A_44 : f32 to vector<1x128xf32>
      %mul3A_46 = arith.mulf %get3A_43, %mul3A_45 : vector<1x128xf32>
      %get3A_47 = arith.constant 0 : index
      %get3A_48 = arith.constant 0 : index
      %get3A_49 = vector.load %arg13[%get3A_47, %get3A_48] : memref<1x128xf32, #tpu.memory_space<vmem>>, vector<1x128xf32>
      %mul3A_50 = arith.constant 9.99999974E-5 : f32
      %mul3A_51 = vector.broadcast %mul3A_50 : f32 to vector<1x128xf32>
      %mul3A_52 = arith.mulf %get3A_49, %mul3A_51 : vector<1x128xf32>
      %get3A_53 = arith.constant 0 : index
      %get3A_54 = arith.constant 0 : index
      %get3A_55 = vector.load %arg8[%get3A_53, %get3A_54] : memref<1x128xf32, #tpu.memory_space<vmem>>, vector<1x128xf32>
      %mul3A_56 = arith.mulf %get3A_55, %mul3A_46 : vector<1x128xf32>
      %mul3A_57 = arith.constant 2.000000e+00 : f32
      %mul3A_58 = vector.broadcast %mul3A_57 : f32 to vector<1x128xf32>
      %mul3A_59 = arith.mulf %mul3A_58, %mul3A_46 : vector<1x128xf32>
      %mul3A_60 = arith.mulf %mul3A_59, %mul3A_56 : vector<1x128xf32>
      %sub3A = arith.subf %mul3A_52, %mul3A_60 : vector<1x128xf32>
      %mul3A_61 = arith.mulf %mul3A_56, %mul3A_56 : vector<1x128xf32>
      %add3A_62 = arith.addf %sub3A, %mul3A_61 : vector<1x128xf32>
      %get3A_63 = arith.constant 0 : index
      %get3A_64 = arith.constant 0 : index
      %get3A_65 = vector.load %arg6[%get3A_63, %get3A_64] : memref<1x128xf32, #tpu.memory_space<vmem>>, vector<1x128xf32>
      %sub3A_66 = vector.broadcast %mul3A_56 : vector<1x128xf32> to vector<2000x128xf32>
      %sub3A_67 = arith.subf %add3A_33, %sub3A_66 : vector<2000x128xf32>
      %mul3A_68 = vector.broadcast %get3A_65 : vector<1x128xf32> to vector<2000x128xf32>
      %mul3A_69 = arith.mulf %mul3A_68, %sub3A_67 : vector<2000x128xf32>
      %add3A_70 = arith.constant 9.99999974E-6 : f32
      %add3A_71 = vector.broadcast %add3A_70 : f32 to vector<1x128xf32>
      %add3A_72 = arith.addf %add3A_62, %add3A_71 : vector<1x128xf32>
      %rsqrt3A = math.rsqrt %add3A_72 : vector<1x128xf32>
      %mul3A_73 = vector.broadcast %rsqrt3A : vector<1x128xf32> to vector<2000x128xf32>
      %mul3A_74 = arith.mulf %mul3A_69, %mul3A_73 : vector<2000x128xf32>
      %get3A_75 = arith.constant 0 : index
      %get3A_76 = arith.constant 0 : index
      %get3A_77 = vector.load %arg7[%get3A_75, %get3A_76] : memref<1x128xf32, #tpu.memory_space<vmem>>, vector<1x128xf32>
      %add3A_78 = vector.broadcast %get3A_77 : vector<1x128xf32> to vector<2000x128xf32>
      %add3A_79 = arith.addf %mul3A_74, %add3A_78 : vector<2000x128xf32>
      %max3A = arith.constant 0.000000e+00 : f32
      %max3A_80 = vector.broadcast %max3A : f32 to vector<2000x128xf32>
      %max3A_81 = arith.maximumf %add3A_79, %max3A_80 : vector<2000x128xf32>
      %get3A_82 = arith.constant 0 : index
      %get3A_83 = arith.constant 0 : index
      %get3A_84 = vector.load %arg9[%get3A_82, %get3A_83] : memref<128x64xf32, #tpu.memory_space<vmem>>, vector<128x64xf32>
      %dot_general3A = arith.constant dense<0.000000e+00> : vector<2000x64xf32>
      %dot_general3A_85 = tpu.matmul %max3A_81, %get3A_84, %dot_general3A {dimension_numbers = #tpu.dot_dimension_numbers<[1], [0], [0], [1], [0, 0, 1, 1], [], []>, transpose_lhs_hint = false} : vector<2000x128xf32>, vector<128x64xf32>, vector<2000x64xf32> -> vector<2000x64xf32>
      %get3A_86 = arith.constant 0 : index
      %get3A_87 = arith.constant 0 : index
      %get3A_88 = vector.load %arg10[%get3A_86, %get3A_87] : memref<1x64xf32, #tpu.memory_space<vmem>>, vector<1x64xf32>
      %add3A_89 = vector.broadcast %get3A_88 : vector<1x64xf32> to vector<2000x64xf32>
      %add3A_90 = arith.addf %dot_general3A_85, %add3A_89 : vector<2000x64xf32>
      %swap3A = arith.constant 0 : index
      %swap3A_91 = arith.constant 0 : index
      %swap3A_92 = vector.load %arg11[%swap3A, %swap3A_91] : memref<2000x64xf32, #tpu.memory_space<vmem>>, vector<2000x64xf32>
      tpu.vector_store %arg11[%swap3A, %swap3A_91], %add3A_90 {strides = array<i32>} : memref<2000x64xf32, #tpu.memory_space<vmem>>, vector<2000x64xf32>,
    } else {
    }
    return
  }
  func.func @transform_0(%arg0: i32, %arg1: i32) -> (i32, i32, i32, i32) {
    %c0_i32 = arith.constant 0 : i32
    %c0_i32_0 = arith.constant 0 : i32
    %c0_i32_1 = arith.constant 0 : i32
    %c0_i32_2 = arith.constant 0 : i32
    return %c0_i32, %c0_i32_0, %arg1, %c0_i32_1 : i32, i32, i32, i32
  }
  func.func @transform_1(%arg0: i32, %arg1: i32) -> (i32, i32, i32) {
    %c0_i32 = arith.constant 0 : i32
    %c0_i32_0 = arith.constant 0 : i32
    %c0_i32_1 = arith.constant 0 : i32
    return %c0_i32, %arg1, %c0_i32_0 : i32, i32, i32
  }
  func.func @transform_2(%arg0: i32, %arg1: i32) -> (i32, i32) {
    %c0_i32 = arith.constant 0 : i32
    %c0_i32_0 = arith.constant 0 : i32
    return %arg1, %c0_i32 : i32, i32
  }
  func.func @transform_3(%arg0: i32, %arg1: i32) -> (i32, i32) {
    %c0_i32 = arith.constant 0 : i32
    %c0_i32_0 = arith.constant 0 : i32
    %c0_i32_1 = arith.constant 0 : i32
    return %c0_i32, %c0_i32_0 : i32, i32
  }
  func.func @transform_4(%arg0: i32, %arg1: i32) -> (i32, i32) {
    %c0_i32 = arith.constant 0 : i32
    %c0_i32_0 = arith.constant 0 : i32
    %c0_i32_1 = arith.constant 0 : i32
    return %c0_i32, %c0_i32_0 : i32, i32
  }
  func.func @transform_5(%arg0: i32, %arg1: i32) -> (i32, i32) {
    %c0_i32 = arith.constant 0 : i32
    %c0_i32_0 = arith.constant 0 : i32
    %c0_i32_1 = arith.constant 0 : i32
    return %c0_i32, %c0_i32_0 : i32, i32
  }
  func.func @transform_6(%arg0: i32, %arg1: i32) -> (i32, i32) {
    %c0_i32 = arith.constant 0 : i32
    %c0_i32_0 = arith.constant 0 : i32
    %c0_i32_1 = arith.constant 0 : i32
    return %c0_i32, %c0_i32_0 : i32, i32
  }
  func.func @transform_7(%arg0: i32, %arg1: i32) -> (i32, i32) {
    %c0_i32 = arith.constant 0 : i32
    %c0_i32_0 = arith.constant 0 : i32
    %c0_i32_1 = arith.constant 0 : i32
    return %c0_i32, %c0_i32_0 : i32, i32
  }
  func.func @transform_8(%arg0: i32, %arg1: i32) -> (i32, i32) {
    %c0_i32 = arith.constant 0 : i32
    %c0_i32_0 = arith.constant 0 : i32
    %c0_i32_1 = arith.constant 0 : i32
    return %c0_i32, %c0_i32_0 : i32, i32
  }
  func.func @transform_9(%arg0: i32, %arg1: i32) -> (i32, i32) {
    %mul3A = arith.muli %arg1, %arg0 : i32
    %c0_i32 = arith.constant 0 : i32
    %c0_i32_0 = arith.constant 0 : i32
    return %mul3A, %c0_i32 : i32, i32
  }
}

</mosaic_0001>

<sc_bundles>
// kernel: closed_call.15.cloned.1.call-start
scs
__scs_entry_jumppad:
0x0: {  	(pc) =	sbr.rel $0x88, $3  }
0x1: {  	(tag) =	ssettag $0x0;
	lr =	simm.s32 $0x1  }
0x2: {  	[smem:$0x3F8E] =	sst lr;
	_ =	strace $0xD0000000  }
0x3: {  	_ = 	snop  }
0x4: {  	_ = 	snop  }
0x5: {  	_ = 	snop  }
0x6: {  	_ = 	snop  }
0x7: {  	_ = 	snop  }
__scs_overlays_trampoline_lowered:
0x8: {  	[smem:$0x3F9D] =	sst s0  }
0x9: {  	[smem:$0x3F9E] =	sst s1  }
0xa: {  	[smem:$0x3F9F] =	sst s2  }
0xb: {  	[smem:$0x3FA0] =	sst s3  }
0xc: {  	[smem:$0x3FA1] =	sst s4  }
0xd: {  	[smem:$0x3FA2] =	sst s5  }
0xe: {  	[smem:$0x3FA3] =	sst s6  }
0xf: {  	[smem:$0x3FA4] =	sst s7  }
0x10: {  	[smem:$0x3FA5] =	sst s8  }
0x11: {  	[smem:$0x3FA6] =	sst s9;
	s0 =	simm.s32 @!p0 $0x0  }
0x12: {  	s1 =	sld [smem:$0x3F8C];
	s0 =	simm.s32 @p0 $0x1  }
0x13: {  	[smem:$0x3FA7] =	sst s0;
	s0 =	simm.s32 @!p1 $0x0  }
0x14: {  	s2 =	sld [smem:$0x3F8B];
	s0 =	simm.s32 @p1 $0x1  }
0x15: {  	[smem:$0x3FA8] =	sst s0;
	s0 =	simm.s32 @!p2 $0x0  }
0x16: {  	s3 =	sld [smem:$0x3FDB];
	s0 =	simm.s32 @p2 $0x1  }
0x17: {  	s4 =	simm.s32 $0x1BF5;
	[smem:$0x3FAA] =	sst s0  }
0x18: {  	s0 =	sld [smem:$0x3F8D];
	_ =	swait.ge [sflag:s4], $0x0  }
0x19: {  	s7 =	sld [smem:$0x3F8E]  }
0x1a: {  	s8 =	sadd.s32 $0xFFFFE003, lr  }
0x1b: {  	s9 =	sadd.s32 $0xFFFFFEF7, lr;
	s5 =	simm.s32 $0xFFFFFFFF;
	p2 =	slt.u32 s8, $0xFFFFF086  }
0x1c: {  	p1 =	slt.u32 s9, $0xF7A;
	s5 =	simm.s32 @!p2 $0x0  }
0x1d: {  	s5 =	simm.s32 @p1 $0x1;
	p0 =	seq.s32 s7, s2  }
0x1e: {  	s7 =	smul.u32 @!p0 $0xF7A, s2;
	p2 =	seq.s32 @!p0 s5, $0x0  }
0x1f: {  	s9 =	smul.u32 $0xF7A, s1;
	s8 =	simm.s32 @!p0 $0x1BF5;
	p2 =	por !p2, p0  }
0x20: {  	[sflag:s8] =	ssyncset.s32 @!p0 $0xFFFFF086;
	s6 =	sadd.s32 @!p0 s3, s7;
	s7 =	simm.s32 @!p0 $0x108  }
0x21: {  	s3 =	sadd.s32 s3, s9;
	s6 =	sadd.s32 @!p0 $0x88, s6;
	s7 =	simm.s32 @p2 $0x1082  }
0x22: {  	[simem:s7], [sflag:s8] =	dma.local @!p0 [hbm:s6], $0xF7A  }
0x23: {  	s9 =	sor.u32 $0xD0000000, s2;
	s6 =	simm.s32 $0x108;
	_ =	swait.ge @!p0 [sflag:s8], $0x0  }
0x24: {  	s3 =	sadd.s32 $0x88, s3;
	s6 =	simm.s32 @!p1 $0x1082;
	[sflag:s4] =	ssyncset.s32 $0xFFFFF086  }
0x25: {  	[simem:s6], [sflag:s4] =	dma.local [hbm:s3], $0xF7A  }
0x26: {  	[smem:$0x3F8E] =	sst s1;
	(tag) =	ssettag s2;
	_ =	strace s9  }
0x27: {  	s1 =	sld [smem:$0x3F9E]  }
0x28: {  	s2 =	sld [smem:$0x3F9F]  }
0x29: {  	s4 =	sld [smem:$0x3FA1]  }
0x2a: {  	p0 =	seq.s32 s5, $0x0;
	s5 =	sld [smem:$0x3FA2]  }
0x2b: {  	s6 =	sld [smem:$0x3FA3]  }
0x2c: {  	s7 =	sld [smem:$0x3FA4]  }
0x2d: {  	s3 =	simm.s32 $0x108;
	s8 =	sld [smem:$0x3FA5]  }
0x2e: {  	s3 =	simm.s32 @!p0 $0x1082;
	s9 =	sld [smem:$0x3FA6]  }
0x2f: {  	lr =	sadd.s32 s0, s3;
	s0 =	sld [smem:$0x3F9D]  }
0x30: {  	s3 =	sld [smem:$0x3FA0]  }
0x31: {  	[smem:$0x3FA9] =	sst s10  }
0x32: {  	s10 =	sld [smem:$0x3FA7];
	_ =	sdelay $0x3  }
0x33: {  	p0 =	seq.s32 s10, $0x1;
	s10 =	sld [smem:$0x3FA9];
	_ =	sdelay $0x3  }
0x34: {  	[smem:$0x3FA9] =	sst s10  }
0x35: {  	s10 =	sld [smem:$0x3FA8];
	_ =	sdelay $0x3  }
0x36: {  	p1 =	seq.s32 s10, $0x1;
	s10 =	sld [smem:$0x3FA9];
	_ =	sdelay $0x3  }
0x37: {  	[smem:$0x3FA9] =	sst s10  }
0x38: {  	s10 =	sld [smem:$0x3FAA]  }
0x39: {  	_ = 	snop;
	(pc) =	sbr.ind lr, $3  }
0x3a: {  	_ = 	snop  }
0x3b: {  	_ = 	snop  }
0x3c: {  	p2 =	seq.s32 s10, $0x1;
	s10 =	sld [smem:$0x3FA9]  }
0x3d: {  	_ =	shalt  }
0x3e: {  	_ =	shalt  }
0x3f: {  	_ =	shalt  }
0x40: {  	_ =	shalt  }
0x41: {  	_ =	shalt  }
0x42: {  	_ =	shalt  }
0x43: {  	_ =	shalt  }
0x44: {  	_ =	shalt  }
0x45: {  	_ =	shalt  }
0x46: {  	_ =	shalt  }
0x47: {  	_ =	shalt  }
0x48: {  	_ =	shalt  }
0x49: {  	_ =	shalt  }
0x4a: {  	_ =	shalt  }
0x4b: {  	_ =	shalt  }
0x4c: {  	_ =	shalt  }
0x4d: {  	_ =	shalt  }
0x4e: {  	_ =	shalt  }
0x4f: {  	_ =	shalt  }
0x50: {  	_ =	shalt  }
0x51: {  	_ =	shalt  }
0x52: {  	_ =	shalt  }
0x53: {  	_ =	shalt  }
0x54: {  	_ =	shalt  }
0x55: {  	_ =	shalt  }
0x56: {  	_ =	shalt  }
0x57: {  	_ =	shalt  }
0x58: {  	_ =	shalt  }
0x59: {  	_ =	shalt  }
0x5a: {  	_ =	shalt  }
0x5b: {  	_ =	shalt  }
0x5c: {  	_ =	shalt  }
0x5d: {  	_ =	shalt  }
0x5e: {  	_ =	shalt  }
0x5f: {  	_ =	shalt  }
0x60: {  	_ =	shalt  }
0x61: {  	_ =	shalt  }
0x62: {  	_ =	shalt  }
0x63: {  	_ =	shalt  }
0x64: {  	_ =	shalt  }
0x65: {  	_ =	shalt  }
0x66: {  	_ =	shalt  }
0x67: {  	_ =	shalt  }
0x68: {  	_ =	shalt  }
0x69: {  	_ =	shalt  }
0x6a: {  	_ =	shalt  }
0x6b: {  	_ =	shalt  }
0x6c: {  	_ =	shalt  }
0x6d: {  	_ =	shalt  }
0x6e: {  	_ =	shalt  }
0x6f: {  	_ =	shalt  }
0x70: {  	_ =	shalt  }
0x71: {  	_ =	shalt  }
0x72: {  	_ =	shalt  }
0x73: {  	_ =	shalt  }
0x74: {  	_ =	shalt  }
0x75: {  	_ =	shalt  }
0x76: {  	_ =	shalt  }
0x77: {  	_ =	shalt  }
0x78: {  	_ =	shalt  }
0x79: {  	_ =	shalt  }
0x7a: {  	_ =	shalt  }
0x7b: {  	_ =	shalt  }
0x7c: {  	_ =	shalt  }
0x7d: {  	_ =	shalt  }
0x7e: {  	_ =	shalt  }
0x7f: {  	_ =	shalt  }
0x80: {  	_ =	shalt  }
0x81: {  	_ =	shalt  }
0x82: {  	_ =	shalt  }
0x83: {  	_ =	shalt  }
0x84: {  	_ =	shalt  }
0x85: {  	_ =	shalt  }
0x86: {  	_ =	shalt  }
0x87: {  	_ =	shalt  }
.Lfunc_end0:
.L_simem_size_0:
called_computation_lowered:
.L_overlay_start_0:
0x88: {  	s2 =	sld [smem:$0x3FD9]  }
0x89: {  	s3 =	sld [smem:$0x3FFE];
	_ =	sdelay $0x1  }
0x8a: {  	s1 =	srdreg.scid  }
0x8b: {  	s0 =	sand.u32 $0x1, s1  }
0x8c: {  	s17 =	sshll.u32 s0, $0xA;
	s2 =	sadd.s32 s3, s2  }
0x8d: {  	s2 =	sadd.s32 s2, s17  }
0x8e: {  	[smem:$0x3FB5] =	sst s2  }
0x8f: {  	_ = 	snop  }
0x90: {  	s2 =	sld [smem:$0x3FD0];
	(tm) =	ssettm $0x1  }
0x91: {  	s18 =	sld [smem:$0x3FFB];
	_ =	sdelay $0x3  }
0x92: {  	_ =	strace s18  }
0x93: {  	s3 =	sld [smem:$0x3FFC];
	_ =	sdelay $0x3  }
0x94: {  	_ =	strace s3  }
0x95: {  	s3 =	sld [smem:$0x3FFD];
	_ =	sdelay $0x3  }
0x96: {  	_ =	strace s3  }
0x97: {  	_ =	strace $0x8FFFFFFF  }
0x98: {  	s19 =	sld [smem:$0x3FDB];
	_ =	sdelay $0x1  }
0x99: {  	s4 =	simm.s32 $_scs_section_size  }
0x9a: {  	s5 =	simm.s32 $_size__tile_overlayer_lowered;
	s6 =	simm.s32 $_tile_overlayer_lowered  }
0x9b: {  	s22 =	simm.s32 $0x1BFF;
	s21 =	sshll.u32 s6, $0x1;
	s3 =	sadd.s32 s4, s19  }
0x9c: {  	s7 =	simm.s32 $0x0;
	s20 =	sshll.u32 s5, $0x1;
	s5 =	sadd.s32 s21, s3  }
0x9d: {  	[timem:s7], [sflag:s22] =	dma.local [hbm:s5], s20  }
0x9e: {  	_ =	swait.ge [sflag:s22], s20  }
0x9f: {  	s4 =	ssub.s32 $0x0, s20;
	[sflag:s22] =	ssyncset.done $0x0  }
0xa0: {  	[sflag:s22] =	ssyncadd.s32 s4;
	_ =	sdelay $0x1  }
0xa1: {  	s23 =	simm.s32 $0x1B8B  }
0xa2: {  	_ =	swait.ge [sflag:s23], $0x1  }
0xa3: {  	[sflag:s23] =	ssyncset.done $0x0  }
0xa4: {  	s25 =	simm.s32 $0x1B8E;
	s24 =	sld [smem:$0x3FFE];
	[sflag:s23] =	ssyncadd.s32 $0xFFFFFFFF  }
0xa5: {  	s26 =	simm.s32 $execute0_lowered;
	[smem:$0x3FD2] =	sst s25  }
0xa6: {  	s5 =	sshll.u32 s26, $0x1;
	_ =	strace $0x80000049;
	[dreg:$0x1] =	wrdreg $0xFFFFFFFF  }
0xa7: {  	s28 =	simm.s32 $_size_execute0_lowered;
	s3 =	sadd.s32 s3, s5;
	[dreg:$0x0] =	wrdreg $0x0  }
0xa8: {  	s5 =	sshll.u32 s28, $0x1;
	[dreg:$0x2] =	wrdreg s3  }
0xa9: {  	[dreg:$0x3] =	wrdreg s5  }
0xaa: {  	[dreg:$0x4] =	wrdreg $0xC0  }
0xab: {  	_ =	task [dreg:s7], $0x5FFFF  }
0xac: {  	[dreg:$0x1] =	wrdreg $0xFFFFFFFF  }
0xad: {  	[dreg:$0x0] =	wrdreg $0x60  }
0xae: {  	[dreg:$0x2] =	wrdreg s24  }
0xaf: {  	[dreg:$0x3] =	wrdreg s2  }
0xb0: {  	[dreg:$0x4] =	wrdreg $0xAE000  }
0xb1: {  	[dreg:$0x5] =	wrdreg $0x14A400  }
0xb2: {  	[dreg:$0x6] =	wrdreg $0x9  }
0xb3: {  	_ =	task.clear_ibuf [dreg:s7], $0x7FFFF;
	_ =	strace $0x90000049  }
0xb4: {  	s29 =	simm.s32 $0x9;
	_ =	strace $0x8000004B  }
0xb5: {  	_ =	swait.ge [sflag:s29], $0x1  }
0xb6: {  	[sflag:s29] =	ssyncadd.s32 $0xFFFFFFFF  }
0xb7: {  	_ =	strace $0x9000004B  }
0xb8: {  	_ =	sfence  }
0xb9: {  	s30 =	sld [smem:$0x0];
	_ =	sdelay $0x2  }
0xba: {  	s31 =	sshll.u32 s1, $0xD;
	s1 =	sshrl.u32 s1, $0x2  }
0xbb: {  	s3 =	sand.u32 $0x4000, s31;
	s1 =	sadd.s32 s1, s30  }
0xbc: {  	s0 =	sor.u32 s3, s0;
	s1 =	sshll.u32 s1, $0x11  }
0xbd: {  	s0 =	sor.u32 s1, s0  }
0xbe: {  	s0 =	sadd.s32 $0x8F2B, s0  }
0xbf: {  	[sflag:s0] =	ssyncadd.remote.s32 $0x1  }
0xc0: {  	_ =	sfence.sel $0xFFFF  }
0xc1: {  	[dreg:$0x0] =	wrdreg $0xFFFFFFFF;
	(pc) =	sbr.abs _section_cstart, $3  }
0xc2: {  	[dreg:$0x1] =	wrdreg $0xFFFFFFFF  }
0xc3: {  	_ =	task.clear_ibuf [dreg:s7], $0x2FFFF;
	_ =	strace $0x9FFFFFFF  }
0xc4: {  	(tm) =	ssettm $0x7FFFFFFF  }
0xc5: {  	_ =	shalt  }
tec
execute0_lowered:
.L_overlay_start_1:
0x0: {  	(tag) =	ssettag $0x1  }
0x1: {  	s0 =	srdreg.scid  }
0x2: {  	s22 =	stileid.u32;
	s7 =	rddreg [dreg:$0x0]  }
0x3: {  	s0 =	sand.u32 $0x1, s0;
	s3 =	smul.u32 $0x270, s22;
	s16 =	sadd.s32 $0x152A00, s7  }
0x4: {  	s6 =	smul.u32 $0x9C00, s22;
	s1 =	sshll.u32 s0, $0x4;
	s2 =	ssub.s32 $0x2, s0  }
0x5: {  	s13 =	smul.u32 $0x138800, s0;
	s1 =	sor.u32 s22, s1;
	s19 =	sshrl.u32 s2, $0x1  }
0x6: {  	s12 =	sadd.s32 $0x68, s3;
	s10 =	sadd.s32 $0xD0, s3;
	s11 =	sadd.s32 $0x138, s3  }
0x7: {  	s17 =	sadd.s32 $0x1A0, s3;
	s18 =	sadd.s32 $0x208, s3;
	s8 =	smul.u32 $0x500, s1  }
0x8: {  	s1 =	simm.s32 $0x0;
	s9 =	ssub.s32 s2, s19;
	s20 =	sshrl.u32 s13, $0x3  }
0x9: {  	s15 =	sadd.s32 $0x9C400, s13;
	s4 =	sshll.u32 s12, $0x6;
	s2 =	sshll.u32 s10, $0x6  }
0xa: {  	s0 =	sshll.u32 s11, $0x6;
	s19 =	sadd.s32 s13, s6;
	s5 =	sshll.u32 s17, $0x6  }
0xb: {  	s3 =	sshll.u32 s18, $0x6;
	[smem:$0x7FF] =	sst s1;
	s14 =	sadd.s32 s16, s20  }
0xc: {  	s19 =	sshrl.u32 s19, $0x3;
	s21 =	sadd.s32 s13, s4;
	s20 =	sadd.s32 s13, s2  }
0xd: {  	s25 =	sadd.s32 s13, s5;
	s26 =	sadd.s32 s6, s15;
	s19 =	sadd.s32 s16, s19  }
0xe: {  	s20 =	sshrl.u32 s20, $0x3;
	[dreg:$0x5] =	wrdreg s19;
	s19 =	sshrl.u32 s21, $0x3  }
0xf: {  	s21 =	sadd.s32 s13, s0;
	s23 =	sadd.s32 s16, s20;
	s13 =	sadd.s32 s13, s3  }
0x10: {  	s19 =	sadd.s32 s16, s19;
	[dreg:$0x7] =	wrdreg s23;
	s24 =	sshrl.u32 s21, $0x3  }
0x11: {  	s13 =	sshrl.u32 s13, $0x3;
	[dreg:$0x6] =	wrdreg s19;
	s19 =	sadd.s32 s16, s24  }
0x12: {  	s13 =	sadd.s32 s16, s13;
	[dreg:$0x8] =	wrdreg s19;
	s19 =	sshrl.u32 s25, $0x3  }
0x13: {  	s20 =	sadd.s32 s4, s15;
	[dreg:$0xa] =	wrdreg s13;
	s19 =	sadd.s32 s16, s19  }
0x14: {  	s21 =	sadd.s32 s2, s15;
	s23 =	sadd.s32 s0, s15;
	[dreg:$0x9] =	wrdreg s19  }
0x15: {  	s25 =	sshrl.u32 s23, $0x3;
	s19 =	sshrl.u32 s26, $0x3;
	s26 =	rddreg [dreg:$0x1]  }
0x16: {  	s13 =	sadd.s32 s16, s19;
	s19 =	sshrl.u32 s21, $0x3;
	s21 =	sadd.s32 s5, s15  }
0x17: {  	s15 =	sadd.s32 s3, s15;
	[dreg:$0xb] =	wrdreg s13;
	s24 =	sadd.s32 s16, s19  }
0x18: {  	s13 =	sshrl.u32 s20, $0x3;
	s23 =	sshrl.u32 s21, $0x3;
	[dreg:$0xd] =	wrdreg s24  }
0x19: {  	s13 =	sadd.s32 s16, s13;
	s24 =	sshrl.u32 s15, $0x3;
	s15 =	rddreg [dreg:$0x3]  }
0x1a: {  	s20 =	sadd.s32 s16, s23;
	[dreg:$0xc] =	wrdreg s13  }
0x1b: {  	s13 =	sadd.s32 s16, s25;
	[dreg:$0xf] =	wrdreg s20  }
0x1c: {  	s28 =	simm.s32 $0x1;
	[dreg:$0xe] =	wrdreg s13  }
0x1d: {  	s29 =	simm.s32 $0x2;
	s16 =	sadd.s32 s16, s24;
	s13 =	rddreg [dreg:$0x2]  }
0x1e: {  	s19 =	sadd.s32 s26, s8;
	s8 =	sadd.s32 s8, s7;
	[dreg:$0x10] =	wrdreg s16  }
0x1f: {  	s8 =	sadd.s32 $0x121800, s8;
	_ =	strace $0x8000004A;
	[dreg:$0x11] =	wrdreg s19  }
0x20: {  	s31 =	simm.s32 $0x3;
	s20 =	sadd.s32 $0x13F000, s7;
	[dreg:$0x12] =	wrdreg s8  }
0x21: {  	s30 =	simm.s32 $0x0;
	s21 =	sadd.s32 $0x13800, s14;
	[dreg:$0x13] =	wrdreg s20  }
0x22: {  	p0 =	sne.s32 s22, $0xF;
	s23 =	sadd.s32 $0x27080, s14;
	[dreg:$0x14] =	wrdreg s21  }
0x23: {  	s24 =	smax.u32 s9, $0x1;
	s9 =	smul.u32 $0x1380, s22;
	[dreg:$0x15] =	wrdreg s23  }
0x24: {  	s17 =	sshll.u32 s17, $0x3;
	s18 =	sshll.u32 s18, $0x3;
	[dreg:$0x16] =	wrdreg s24  }
0x25: {  	s14 =	sshll.u32 s11, $0x3;
	s25 =	smul.u32 $0x27000, s22;
	[dreg:$0x19] =	wrdreg s9  }
0x26: {  	s6 =	sadd.s32 s6, s15;
	s11 =	sadd.s32 s2, s15;
	[dreg:$0x1b] =	wrdreg s14  }
0x27: {  	s16 =	sadd.s32 $0x12B800, s7;
	s26 =	sshrl.u32 s25, $0x2;
	[dreg:$0x1c] =	wrdreg s17  }
0x28: {  	s20 =	sadd.s32 $0x13F080, s7;
	s8 =	sadd.s32 s16, s9;
	[dreg:$0x1d] =	wrdreg s18  }
0x29: {  	s21 =	sadd.s32 s16, s14;
	s23 =	sadd.s32 s16, s17;
	[smem:$0x7FC] =	sst s6  }
0x2a: {  	s9 =	sadd.s32 s4, s15;
	s14 =	sadd.s32 s0, s13;
	s17 =	sadd.s32 s5, s13  }
0x2b: {  	s22 =	sadd.s32 $0x9C000, s13;
	s6 =	simm.s32 $0x5000;
	[dreg:$0x1e] =	wrdreg s8  }
0x2c: {  	s24 =	sadd.s32 s26, s15;
	s25 =	sadd.s32 s26, s13;
	[smem:$0x7F9] =	sst s21  }
0x2d: {  	s26 =	sshll.u32 s12, $0x3;
	s12 =	sshll.u32 s10, $0x3;
	[smem:$0x7FA] =	sst s23  }
0x2e: {  	s10 =	sadd.s32 s2, s13;
	s21 =	sadd.s32 s3, s15;
	[dreg:$0x17] =	wrdreg s25  }
0x2f: {  	s23 =	sadd.s32 $0x9C000, s15;
	[dreg:$0x18] =	wrdreg s26;
	s7 =	sadd.s32 s16, s26  }
0x30: {  	[dreg:$0x1a] =	wrdreg s12;
	s19 =	sadd.s32 s16, s12;
	s25 =	sadd.s32 s16, s18  }
.Ltmp0:
0x31: {  	s26 =	sadd.s32 s4, s13;
	[dreg:$0x1f] =	wrdreg s7;
	(pc) =	sbr.rel .LBB2_1-.Ltmp0, $4  }
0x32: {  	s16 =	sadd.s32 s0, s15;
	s18 =	sadd.s32 s5, s15;
	[smem:$0x7F8] =	sst s19  }
0x33: {  	s0 =	simm.s32 $0x5;
	s4 =	simm.s32 $0x9000;
	[smem:$0x7FB] =	sst s25  }
0x34: {  	s5 =	simm.s32 $0x80;
	s12 =	simm.s32 $0x4;
	[smem:$0x7FD] =	sst s26  }
0x35: {  	v0 =	vimm.f32 $0.0e+00;
	s19 =	sadd.s32 s3, s13;
	s3 =	simm.s32 $0x9400;
	s26 =	simm.s32 $0x7000  }
.LBB2_11:
0x36: {  	_ =	swait.ge [sflag:s12], $0x2000  }
0x37: {  	[sflag:s12] =	ssyncset.done $0x0  }
0x38: {  	[sflag:s12] =	ssyncadd.s32 $0xFFFFE000  }
0x39: {  	[bflag:$0x0] =	sbarrier.arrive $0xFFFF  }
0x3a: {  	s2 =	sld [smem:$0x7FC];
	_ =	sdelay $0x2  }
0x3b: {  	[tilespmem:s3], [sflag:$0x5] =	stream.linear.gather [spmem:s2], $0x1A00, $0x38;
	[tilespmem:$0x1E6C0] =	vst v63  }
0x3c: {  	_ =	swait.ge [sflag:s0], $0x1A00  }
0x3d: {  	[sflag:s0] =	ssyncset.done $0x0  }
0x3e: {  	s25 =	rddreg [dreg:$0xb];
	[sflag:s0] =	ssyncadd.s32 $0xFFFFE600  }
0x3f: {  	[hbm4b:s25+s1] =	stream.linear.scatter [tilespmem:s3], [sflag:$0x5], $0x1A00, $0x38;
	[tilespmem:$0x1E6C0] =	vst v63  }
0x40: {  	_ =	swait.ge [sflag:s0], $0x1A00  }
0x41: {  	[sflag:s0] =	ssyncset.done $0x0  }
0x42: {  	[sflag:s0] =	ssyncadd.s32 $0xFFFFE600  }
0x43: {  	[tilespmem:s3], [sflag:$0x5] =	stream.linear.gather [spmem:s9], $0x1A00, $0x38;
	[tilespmem:$0x1E6C0] =	vst v63  }
0x44: {  	_ =	swait.ge [sflag:s0], $0x1A00  }
0x45: {  	[sflag:s0] =	ssyncset.done $0x0  }
0x46: {  	s7 =	rddreg [dreg:$0xc];
	[sflag:s0] =	ssyncadd.s32 $0xFFFFE600  }
0x47: {  	[hbm4b:s7+s1] =	stream.linear.scatter [tilespmem:s3], [sflag:$0x5], $0x1A00, $0x38;
	[tilespmem:$0x1E6C0] =	vst v63  }
0x48: {  	_ =	swait.ge [sflag:s0], $0x1A00  }
0x49: {  	[sflag:s0] =	ssyncset.done $0x0  }
0x4a: {  	[sflag:s0] =	ssyncadd.s32 $0xFFFFE600  }
0x4b: {  	[tilespmem:s3], [sflag:$0x5] =	stream.linear.gather [spmem:s11], $0x1A00, $0x38;
	[tilespmem:$0x1E6C0] =	vst v63  }
0x4c: {  	_ =	swait.ge [sflag:s0], $0x1A00  }
0x4d: {  	[sflag:s0] =	ssyncset.done $0x0  }
0x4e: {  	s8 =	rddreg [dreg:$0xd];
	[sflag:s0] =	ssyncadd.s32 $0xFFFFE600  }
0x4f: {  	[hbm4b:s8+s1] =	stream.linear.scatter [tilespmem:s3], [sflag:$0x5], $0x1A00, $0x38;
	[tilespmem:$0x1E6C0] =	vst v63  }
0x50: {  	_ =	swait.ge [sflag:s0], $0x1A00  }
0x51: {  	[sflag:s0] =	ssyncset.done $0x0  }
0x52: {  	[sflag:s0] =	ssyncadd.s32 $0xFFFFE600  }
0x53: {  	[tilespmem:s3], [sflag:$0x5] =	stream.linear.gather [spmem:s16], $0x1A00, $0x38;
	[tilespmem:$0x1E6C0] =	vst v63  }
0x54: {  	_ =	swait.ge [sflag:s0], $0x1A00  }
0x55: {  	[sflag:s0] =	ssyncset.done $0x0  }
0x56: {  	s25 =	rddreg [dreg:$0xe];
	[sflag:s0] =	ssyncadd.s32 $0xFFFFE600  }
0x57: {  	[hbm4b:s25+s1] =	stream.linear.scatter [tilespmem:s3], [sflag:$0x5], $0x1A00, $0x38;
	[tilespmem:$0x1E6C0] =	vst v63  }
0x58: {  	_ =	swait.ge [sflag:s0], $0x1A00  }
0x59: {  	[sflag:s0] =	ssyncset.done $0x0  }
0x5a: {  	[sflag:s0] =	ssyncadd.s32 $0xFFFFE600  }
0x5b: {  	[tilespmem:s3], [sflag:$0x5] =	stream.linear.gather [spmem:s18], $0x1A00, $0x38;
	[tilespmem:$0x1E6C0] =	vst v63  }
0x5c: {  	_ =	swait.ge [sflag:s0], $0x1A00  }
0x5d: {  	[sflag:s0] =	ssyncset.done $0x0  }
0x5e: {  	s7 =	rddreg [dreg:$0xf];
	[sflag:s0] =	ssyncadd.s32 $0xFFFFE600  }
0x5f: {  	[hbm4b:s7+s1] =	stream.linear.scatter [tilespmem:s3], [sflag:$0x5], $0x1A00, $0x38;
	[tilespmem:$0x1E6C0] =	vst v63  }
0x60: {  	_ =	swait.ge [sflag:s0], $0x1A00  }
0x61: {  	[sflag:s0] =	ssyncset.done $0x0  }
0x62: {  	[sflag:s0] =	ssyncadd.s32 $0xFFFFE600  }
0x63: {  	[tilespmem:s3], [sflag:$0x5] =	stream.linear.gather [spmem:s21], $0x1A00, $0x38;
	[tilespmem:$0x1E6C0] =	vst v63  }
0x64: {  	_ =	swait.ge [sflag:s0], $0x1A00  }
0x65: {  	[sflag:s0] =	ssyncset.done $0x0  }
0x66: {  	s8 =	rddreg [dreg:$0x10];
	[sflag:s0] =	ssyncadd.s32 $0xFFFFE600  }
0x67: {  	[hbm4b:s8+s1] =	stream.linear.scatter [tilespmem:s3], [sflag:$0x5], $0x1A00, $0x38;
	[tilespmem:$0x1E6C0] =	vst v63  }
0x68: {  	_ =	swait.ge [sflag:s0], $0x1A00  }
0x69: {  	[sflag:s0] =	ssyncset.done $0x0  }
0x6a: {  	s2 =	simm.s32 @!p0 $0x9400;
	s7 =	simm.s32 @!p0 $0x5;
	[sflag:s0] =	ssyncadd.s32 $0xFFFFE600  }
0x6b: {  	[tilespmem:s2], [sflag:$0x5] =	stream.linear.gather @!p0 [spmem:s23], $0x400, $0x38;
	[tilespmem:$0x1E6C0] =	vst v63  }
0x6c: {  	_ =	swait.ge @!p0 [sflag:s7], $0x400  }
0x6d: {  	[sflag:s7] =	ssyncset.done @!p0 $0x0  }
0x6e: {  	s8 =	simm.s32 @!p0 $0x0;
	s25 =	rddreg [dreg:$0x15];
	[sflag:s7] =	ssyncadd.s32 @!p0 $0xFFFFFC00  }
0x6f: {  	[hbm4b:s25+s8] =	stream.linear.scatter @!p0 [tilespmem:s2], [sflag:$0x5], $0x400, $0x38;
	[tilespmem:$0x1E6C0] =	vst v63  }
0x70: {  	_ =	swait.ge @!p0 [sflag:s7], $0x400  }
0x71: {  	s30 =	sadd.s32 $0x1, s30;
	s25 =	rddreg [dreg:$0x16]  }
0x72: {  	p1 =	sne.s32 s30, s25  }
.Ltmp1:
0x73: {  	_ = 	snop;
	(pc) =	sbr.rel @!p1 .LBB2_12-.Ltmp1, $3  }
0x74: {  	_ =	sdelay $0x1  }
0x75: {  	[sflag:s7] =	ssyncset.done @!p0 $0x0  }
0x76: {  	[sflag:s7] =	ssyncadd.s32 @!p0 $0xFFFFFC00  }
.LBB2_1:
0x77: {  	s2 =	rddreg [dreg:$0x12]  }
0x78: {  	[tilespmem:s1], [sflag:$0x5] =	stream.linear.gather [hbm4b:s2+s1], $0x2800, $0x38;
	[tilespmem:$0x1E6C0] =	vst v63  }
0x79: {  	_ =	swait.ge [sflag:s0], $0x2800  }
0x7a: {  	[sflag:s0] =	ssyncset.done $0x0  }
0x7b: {  	s7 =	simm.s32 $0x2800;
	s25 =	rddreg [dreg:$0x11];
	[sflag:s0] =	ssyncadd.s32 $0xFFFFD800  }
0x7c: {  	[tilespmem:s7], [sflag:$0x5] =	stream.linear.gather [hbm4b:s25+s1], $0x2800, $0x38;
	[tilespmem:$0x1E6C0] =	vst v63  }
0x7d: {  	_ =	swait.ge [sflag:s0], $0x2800  }
0x7e: {  	[sflag:s0] =	ssyncset.done $0x0  }
0x7f: {  	[sflag:s0] =	ssyncadd.s32 $0xFFFFD800  }
0x80: {  	[tilespmem:$0x9000] =	vst v0  }
0x81: {  	[tilespmem:$0x9010] =	vst v0  }
0x82: {  	[tilespmem:$0x9020] =	vst v0  }
0x83: {  	[tilespmem:$0x9030] =	vst v0  }
0x84: {  	[tilespmem:$0x9040] =	vst v0  }
0x85: {  	[tilespmem:$0x9050] =	vst v0  }
0x86: {  	[tilespmem:$0x9060] =	vst v0  }
0x87: {  	[tilespmem:$0x9070] =	vst v0  }
0x88: {  	[tilespmem:$0x9080] =	vst v0  }
0x89: {  	[tilespmem:$0x9090] =	vst v0  }
0x8a: {  	[tilespmem:$0x90A0] =	vst v0  }
0x8b: {  	[tilespmem:$0x90B0] =	vst v0  }
0x8c: {  	[tilespmem:$0x90C0] =	vst v0  }
0x8d: {  	[tilespmem:$0x90D0] =	vst v0  }
0x8e: {  	[tilespmem:$0x90E0] =	vst v0  }
0x8f: {  	[tilespmem:$0x90F0] =	vst v0  }
0x90: {  	[tilespmem:$0x9100] =	vst v0  }
0x91: {  	[tilespmem:$0x9110] =	vst v0  }
0x92: {  	[tilespmem:$0x9120] =	vst v0  }
0x93: {  	[tilespmem:$0x9130] =	vst v0  }
0x94: {  	[tilespmem:$0x9140] =	vst v0  }
0x95: {  	[tilespmem:$0x9150] =	vst v0  }
0x96: {  	[tilespmem:$0x9160] =	vst v0  }
0x97: {  	[tilespmem:$0x9170] =	vst v0  }
0x98: {  	[tilespmem:$0x9180] =	vst v0  }
0x99: {  	[tilespmem:$0x9190] =	vst v0  }
0x9a: {  	[tilespmem:$0x91A0] =	vst v0  }
0x9b: {  	[tilespmem:$0x91B0] =	vst v0  }
0x9c: {  	[tilespmem:$0x91C0] =	vst v0  }
0x9d: {  	[tilespmem:$0x91D0] =	vst v0  }
0x9e: {  	[tilespmem:$0x91E0] =	vst v0  }
0x9f: {  	[tilespmem:$0x91F0] =	vst v0  }
0xa0: {  	[tilespmem:$0x9200] =	vst v0  }
0xa1: {  	[tilespmem:$0x9210] =	vst v0  }
0xa2: {  	[tilespmem:$0x9220] =	vst v0  }
0xa3: {  	[tilespmem:$0x9230] =	vst v0  }
0xa4: {  	[tilespmem:$0x9240] =	vst v0  }
0xa5: {  	[tilespmem:$0x9250] =	vst v0  }
0xa6: {  	[tilespmem:$0x9260] =	vst v0  }
0xa7: {  	[tilespmem:$0x9270] =	vst v0  }
0xa8: {  	[tilespmem:$0x9280] =	vst v0  }
0xa9: {  	[tilespmem:$0x9290] =	vst v0  }
0xaa: {  	[tilespmem:$0x92A0] =	vst v0  }
0xab: {  	[tilespmem:$0x92B0] =	vst v0  }
0xac: {  	[tilespmem:$0x92C0] =	vst v0  }
0xad: {  	[tilespmem:$0x92D0] =	vst v0  }
0xae: {  	[tilespmem:$0x92E0] =	vst v0  }
0xaf: {  	[tilespmem:$0x92F0] =	vst v0  }
0xb0: {  	[tilespmem:$0x9300] =	vst v0  }
0xb1: {  	[tilespmem:$0x9310] =	vst v0  }
0xb2: {  	[tilespmem:$0x9320] =	vst v0  }
0xb3: {  	[tilespmem:$0x9330] =	vst v0  }
0xb4: {  	[tilespmem:$0x9340] =	vst v0  }
0xb5: {  	[tilespmem:$0x9350] =	vst v0  }
0xb6: {  	[tilespmem:$0x9360] =	vst v0  }
0xb7: {  	[tilespmem:$0x9370] =	vst v0  }
0xb8: {  	[tilespmem:$0x9380] =	vst v0  }
0xb9: {  	[tilespmem:$0x9390] =	vst v0  }
0xba: {  	[tilespmem:$0x93A0] =	vst v0  }
0xbb: {  	[tilespmem:$0x93B0] =	vst v0  }
0xbc: {  	[tilespmem:$0x93C0] =	vst v0  }
0xbd: {  	[tilespmem:$0x93D0] =	vst v0  }
0xbe: {  	[tilespmem:$0x93E0] =	vst v0  }
0xbf: {  	s7 =	rddreg [dreg:$0x1e];
	[tilespmem:$0x93F0] =	vst v0  }
0xc0: {  	[tilespmem:s3], [sflag:$0x5] =	stream.linear.gather [hbm4b:s7+s1], $0x1A00, $0x38;
	[tilespmem:$0x1E6C0] =	vst v63  }
0xc1: {  	_ =	swait.ge [sflag:s0], $0x1A00  }
0xc2: {  	[sflag:s0] =	ssyncset.done $0x0  }
0xc3: {  	s8 =	rddreg [dreg:$0x17];
	[sflag:s0] =	ssyncadd.s32 $0xFFFFE600  }
0xc4: {  	[spmem:s8] =	stream.linear.scatter [tilespmem:s3], [sflag:$0x5], $0x1A00, $0x38;
	[tilespmem:$0x1E6C0] =	vst v63  }
0xc5: {  	_ =	swait.ge [sflag:s0], $0x1A00  }
0xc6: {  	[sflag:s0] =	ssyncset.done $0x0  }
0xc7: {  	s25 =	rddreg [dreg:$0x1f];
	[sflag:s0] =	ssyncadd.s32 $0xFFFFE600  }
0xc8: {  	[tilespmem:s3], [sflag:$0x5] =	stream.linear.gather [hbm4b:s25+s1], $0x1A00, $0x38;
	[tilespmem:$0x1E6C0] =	vst v63  }
0xc9: {  	_ =	swait.ge [sflag:s0], $0x1A00  }
0xca: {  	s7 =	sld [smem:$0x7FD]  }
0xcb: {  	[sflag:s0] =	ssyncset.done $0x0  }
0xcc: {  	[sflag:s0] =	ssyncadd.s32 $0xFFFFE600  }
0xcd: {  	[spmem:s7] =	stream.linear.scatter [tilespmem:s3], [sflag:$0x5], $0x1A00, $0x38;
	[tilespmem:$0x1E6C0] =	vst v63  }
0xce: {  	_ =	swait.ge [sflag:s0], $0x1A00  }
0xcf: {  	s8 =	sld [smem:$0x7F8]  }
0xd0: {  	[sflag:s0] =	ssyncset.done $0x0  }
0xd1: {  	[sflag:s0] =	ssyncadd.s32 $0xFFFFE600  }
0xd2: {  	[tilespmem:s3], [sflag:$0x5] =	stream.linear.gather [hbm4b:s8+s1], $0x1A00, $0x38;
	[tilespmem:$0x1E6C0] =	vst v63  }
0xd3: {  	_ =	swait.ge [sflag:s0], $0x1A00  }
0xd4: {  	[sflag:s0] =	ssyncset.done $0x0  }
0xd5: {  	[sflag:s0] =	ssyncadd.s32 $0xFFFFE600  }
0xd6: {  	[spmem:s10] =	stream.linear.scatter [tilespmem:s3], [sflag:$0x5], $0x1A00, $0x38;
	[tilespmem:$0x1E6C0] =	vst v63  }
0xd7: {  	_ =	swait.ge [sflag:s0], $0x1A00  }
0xd8: {  	s25 =	sld [smem:$0x7F9]  }
0xd9: {  	[sflag:s0] =	ssyncset.done $0x0  }
0xda: {  	[sflag:s0] =	ssyncadd.s32 $0xFFFFE600  }
0xdb: {  	[tilespmem:s3], [sflag:$0x5] =	stream.linear.gather [hbm4b:s25+s1], $0x1A00, $0x38;
	[tilespmem:$0x1E6C0] =	vst v63  }
0xdc: {  	_ =	swait.ge [sflag:s0], $0x1A00  }
0xdd: {  	[sflag:s0] =	ssyncset.done $0x0  }
0xde: {  	[sflag:s0] =	ssyncadd.s32 $0xFFFFE600  }
0xdf: {  	[spmem:s14] =	stream.linear.scatter [tilespmem:s3], [sflag:$0x5], $0x1A00, $0x38;
	[tilespmem:$0x1E6C0] =	vst v63  }
0xe0: {  	_ =	swait.ge [sflag:s0], $0x1A00  }
0xe1: {  	s7 =	sld [smem:$0x7FA]  }
0xe2: {  	[sflag:s0] =	ssyncset.done $0x0  }
0xe3: {  	[sflag:s0] =	ssyncadd.s32 $0xFFFFE600  }
0xe4: {  	[tilespmem:s3], [sflag:$0x5] =	stream.linear.gather [hbm4b:s7+s1], $0x1A00, $0x38;
	[tilespmem:$0x1E6C0] =	vst v63  }
0xe5: {  	_ =	swait.ge [sflag:s0], $0x1A00  }
0xe6: {  	[sflag:s0] =	ssyncset.done $0x0  }
0xe7: {  	[sflag:s0] =	ssyncadd.s32 $0xFFFFE600  }
0xe8: {  	[spmem:s17] =	stream.linear.scatter [tilespmem:s3], [sflag:$0x5], $0x1A00, $0x38;
	[tilespmem:$0x1E6C0] =	vst v63  }
0xe9: {  	_ =	swait.ge [sflag:s0], $0x1A00  }
0xea: {  	s8 =	sld [smem:$0x7FB]  }
0xeb: {  	[sflag:s0] =	ssyncset.done $0x0  }
0xec: {  	[sflag:s0] =	ssyncadd.s32 $0xFFFFE600  }
0xed: {  	[tilespmem:s3], [sflag:$0x5] =	stream.linear.gather [hbm4b:s8+s1], $0x1A00, $0x38;
	[tilespmem:$0x1E6C0] =	vst v63  }
0xee: {  	_ =	swait.ge [sflag:s0], $0x1A00  }
0xef: {  	[sflag:s0] =	ssyncset.done $0x0  }
0xf0: {  	[sflag:s0] =	ssyncadd.s32 $0xFFFFE600  }
0xf1: {  	[spmem:s19] =	stream.linear.scatter [tilespmem:s3], [sflag:$0x5], $0x1A00, $0x38;
	[tilespmem:$0x1E6C0] =	vst v63  }
0xf2: {  	_ =	swait.ge [sflag:s0], $0x1A00  }
0xf3: {  	s2 =	simm.s32 @!p0 $0x0;
	[sflag:s0] =	ssyncset.done $0x0  }
0xf4: {  	s25 =	simm.s32 @!p0 $0x9400;
	s7 =	rddreg [dreg:$0x13];
	[sflag:s0] =	ssyncadd.s32 $0xFFFFE600  }
0xf5: {  	[tilespmem:s25], [sflag:$0x5] =	stream.linear.gather @!p0 [hbm4b:s7+s2], $0x400, $0x38;
	[tilespmem:$0x1E6C0] =	vst v63  }
0xf6: {  	s2 =	simm.s32 @!p0 $0x5  }
0xf7: {  	_ =	swait.ge @!p0 [sflag:s2], $0x400  }
0xf8: {  	[sflag:s2] =	ssyncset.done @!p0 $0x0  }
0xf9: {  	[sflag:s2] =	ssyncadd.s32 @!p0 $0xFFFFFC00  }
0xfa: {  	[spmem:s22] =	stream.linear.scatter @!p0 [tilespmem:s25], [sflag:$0x5], $0x400, $0x38;
	[tilespmem:$0x1E6C0] =	vst v63  }
0xfb: {  	_ =	swait.ge @!p0 [sflag:s2], $0x400  }
0xfc: {  	[sflag:s2] =	ssyncset.done @!p0 $0x0  }
0xfd: {  	s25 =	sadd.s32 $0x0, s24;
	[sflag:s2] =	ssyncadd.s32 @!p0 $0xFFFFFC00  }
0xfe: {  	[spmem:s25] =	stream.linear.scatter [tilespmem:s4], [sflag:$0x5], $0x400, $0x38;
	[tilespmem:$0x1E6C0] =	vst v63  }
0xff: {  	s2 =	simm.s32 $0x1000;
	_ =	swait.ge [sflag:s0], $0x400  }
.LBB2_2:
0x100: {  	s25 =	sshra.s32 s2, $0x2;
	[sflag:s0] =	ssyncset.done $0x0;
	p1 =	sne.s32 s2, $0x26000  }
.Ltmp2:
0x101: {  	s25 =	sadd.s32 s25, s24;
	[sflag:s0] =	ssyncadd.s32 $0xFFFFFC00;
	(pc) =	sbr.rel @p1 .LBB2_2-.Ltmp2, $3  }
0x102: {  	[spmem:s25] =	stream.linear.scatter [tilespmem:s4], [sflag:$0x5], $0x400, $0x38;
	[tilespmem:$0x1E6C0] =	vst v63  }
0x103: {  	s2 =	sadd.s32 $0x1000, s2;
	_ =	sdelay $0x1  }
0x104: {  	_ =	swait.ge [sflag:s0], $0x400  }
0x105: {  	[sflag:s0] =	ssyncset.done $0x0  }
0x106: {  	s2 =	simm.s32 @!p0 $0x9000;
	[sflag:s0] =	ssyncadd.s32 $0xFFFFFC00  }
0x107: {  	[spmem:s23] =	stream.linear.scatter @!p0 [tilespmem:s2], [sflag:$0x5], $0x400, $0x38;
	[tilespmem:$0x1E6C0] =	vst v63  }
0x108: {  	s2 =	simm.s32 @!p0 $0x5  }
0x109: {  	_ =	swait.ge @!p0 [sflag:s2], $0x400  }
0x10a: {  	[sflag:s2] =	ssyncset.done @!p0 $0x0  }
0x10b: {  	[sflag:s2] =	ssyncadd.s32 @!p0 $0xFFFFFC00  }
0x10c: {  	s2 =	simm.s32 $0x0;
	[bflag:$0x0] =	sbarrier.arrive $0xFFFF  }
0x10d: {  	[tilespmem:s6], [sflag:$0x1] =	stream.indirect.gather [spmem:s13], $0x40, s2, s5, $0xb8;
	[tilespmem:$0x1E6C0] =	vst v63  }
0x10e: {  	_ = 	snop  }
0x10f: {  	[tilespmem:s26], [sflag:$0x2] =	stream.indirect.gather [spmem:s13], $0x40, s5, s5, $0xb8;
	[tilespmem:$0x1E6C0] =	vst v63  }
0x110: {  	_ =	swait.ge [sflag:s28], $0x2000  }
0x111: {  	[sflag:s28] =	ssyncset.done $0x0  }
0x112: {  	s7 =	simm.s32 $0x2800;
	[sflag:s28] =	ssyncadd.s32 $0xFFFFE000  }
0x113: {  	[spmem:s15] =	stream.indirect.scatter.add.f32 [tilespmem:s6], [sflag:$0x3], $0x40, s7, s5, $0xb8;
	[tilespmem:$0x1E6C0] =	vst v63  }
0x114: {  	_ =	swait.ge [sflag:s29], $0x2000  }
0x115: {  	[sflag:s29] =	ssyncset.done $0x0  }
0x116: {  	s8 =	simm.s32 $0x2880;
	[sflag:s29] =	ssyncadd.s32 $0xFFFFE000  }
0x117: {  	[spmem:s15] =	stream.indirect.scatter.add.f32 [tilespmem:s26], [sflag:$0x4], $0x40, s8, s5, $0xb8;
	[tilespmem:$0x1E6C0] =	vst v63  }
0x118: {  	_ =	swait.ge [sflag:s31], $0x2000  }
0x119: {  	[sflag:s31] =	ssyncset.done $0x0  }
0x11a: {  	s25 =	simm.s32 $0x100;
	[sflag:s31] =	ssyncadd.s32 $0xFFFFE000  }
0x11b: {  	[tilespmem:s6], [sflag:$0x1] =	stream.indirect.gather [spmem:s13], $0x40, s25, s5, $0xb8;
	[tilespmem:$0x1E6C0] =	vst v63  }
0x11c: {  	_ =	swait.ge [sflag:s28], $0x2000  }
0x11d: {  	[sflag:s28] =	ssyncset.done $0x0  }
0x11e: {  	s8 =	simm.s32 $0x2900;
	[sflag:s28] =	ssyncadd.s32 $0xFFFFE000  }
0x11f: {  	[spmem:s15] =	stream.indirect.scatter.add.f32 [tilespmem:s6], [sflag:$0x3], $0x40, s8, s5, $0xb8;
	[tilespmem:$0x1E6C0] =	vst v63  }
0x120: {  	_ =	swait.ge [sflag:s12], $0x2000  }
0x121: {  	[sflag:s12] =	ssyncset.done $0x0  }
0x122: {  	s25 =	simm.s32 $0x180;
	[sflag:s12] =	ssyncadd.s32 $0xFFFFE000  }
0x123: {  	[tilespmem:s26], [sflag:$0x2] =	stream.indirect.gather [spmem:s13], $0x40, s25, s5, $0xb8;
	[tilespmem:$0x1E6C0] =	vst v63  }
0x124: {  	_ =	swait.ge [sflag:s29], $0x2000  }
0x125: {  	[sflag:s29] =	ssyncset.done $0x0  }
0x126: {  	s8 =	simm.s32 $0x2980;
	[sflag:s29] =	ssyncadd.s32 $0xFFFFE000  }
0x127: {  	[spmem:s15] =	stream.indirect.scatter.add.f32 [tilespmem:s26], [sflag:$0x4], $0x40, s8, s5, $0xb8;
	[tilespmem:$0x1E6C0] =	vst v63  }
0x128: {  	_ =	swait.ge [sflag:s31], $0x2000  }
0x129: {  	[sflag:s31] =	ssyncset.done $0x0  }
0x12a: {  	s25 =	simm.s32 $0x200;
	[sflag:s31] =	ssyncadd.s32 $0xFFFFE000  }
0x12b: {  	[tilespmem:s6], [sflag:$0x1] =	stream.indirect.gather [spmem:s13], $0x40, s25, s5, $0xb8;
	[tilespmem:$0x1E6C0] =	vst v63  }
.LBB2_4:
0x12c: {  	_ =	swait.ge [sflag:s28], $0x2000  }
0x12d: {  	s25 =	sshra.s32 s2, $0x2;
	[sflag:s28] =	ssyncset.done $0x0  }
0x12e: {  	s7 =	sadd.s32 $0x2A00, s25;
	[sflag:s28] =	ssyncadd.s32 $0xFFFFE000  }
0x12f: {  	[spmem:s15] =	stream.indirect.scatter.add.f32 [tilespmem:s6], [sflag:$0x3], $0x40, s7, s5, $0xb8;
	[tilespmem:$0x1E6C0] =	vst v63  }
0x130: {  	_ =	swait.ge [sflag:s12], $0x2000  }
0x131: {  	[sflag:s12] =	ssyncset.done $0x0  }
0x132: {  	s8 =	sadd.s32 $0x280, s25;
	[sflag:s12] =	ssyncadd.s32 $0xFFFFE000  }
0x133: {  	[tilespmem:s26], [sflag:$0x2] =	stream.indirect.gather [spmem:s13], $0x40, s8, s5, $0xb8;
	[tilespmem:$0x1E6C0] =	vst v63  }
0x134: {  	_ =	swait.ge [sflag:s29], $0x2000  }
0x135: {  	[sflag:s29] =	ssyncset.done $0x0  }
0x136: {  	s8 =	sadd.s32 $0x2A80, s25;
	[sflag:s29] =	ssyncadd.s32 $0xFFFFE000  }
0x137: {  	[spmem:s15] =	stream.indirect.scatter.add.f32 [tilespmem:s26], [sflag:$0x4], $0x40, s8, s5, $0xb8;
	[tilespmem:$0x1E6C0] =	vst v63  }
0x138: {  	_ =	swait.ge [sflag:s31], $0x2000  }
0x139: {  	[sflag:s31] =	ssyncset.done $0x0  }
0x13a: {  	s8 =	sadd.s32 $0x300, s25;
	[sflag:s31] =	ssyncadd.s32 $0xFFFFE000  }
0x13b: {  	[tilespmem:s6], [sflag:$0x1] =	stream.indirect.gather [spmem:s13], $0x40, s8, s5, $0xb8;
	[tilespmem:$0x1E6C0] =	vst v63  }
0x13c: {  	_ =	swait.ge [sflag:s28], $0x2000  }
0x13d: {  	[sflag:s28] =	ssyncset.done $0x0  }
0x13e: {  	s8 =	sadd.s32 $0x2B00, s25;
	[sflag:s28] =	ssyncadd.s32 $0xFFFFE000  }
0x13f: {  	[spmem:s15] =	stream.indirect.scatter.add.f32 [tilespmem:s6], [sflag:$0x3], $0x40, s8, s5, $0xb8;
	[tilespmem:$0x1E6C0] =	vst v63  }
0x140: {  	_ =	swait.ge [sflag:s12], $0x2000  }
0x141: {  	[sflag:s12] =	ssyncset.done $0x0  }
0x142: {  	s8 =	sadd.s32 $0x380, s25;
	[sflag:s12] =	ssyncadd.s32 $0xFFFFE000  }
0x143: {  	[tilespmem:s26], [sflag:$0x2] =	stream.indirect.gather [spmem:s13], $0x40, s8, s5, $0xb8;
	[tilespmem:$0x1E6C0] =	vst v63  }
0x144: {  	_ =	swait.ge [sflag:s29], $0x2000  }
0x145: {  	p1 =	seq.s32 s2, $0x9000;
	[sflag:s29] =	ssyncset.done $0x0  }
.Ltmp3:
0x146: {  	s8 =	sadd.s32 $0x2B80, s25;
	[sflag:s29] =	ssyncadd.s32 $0xFFFFE000;
	(pc) =	sbr.rel @p1 .LBB2_6-.Ltmp3, $4  }
0x147: {  	[spmem:s15] =	stream.indirect.scatter.add.f32 [tilespmem:s26], [sflag:$0x4], $0x40, s8, s5, $0xb8;
	[tilespmem:$0x1E6C0] =	vst v63  }
0x148: {  	_ =	swait.ge [sflag:s31], $0x2000  }
0x149: {  	[sflag:s31] =	ssyncset.done $0x0  }
0x14a: {  	[sflag:s31] =	ssyncadd.s32 $0xFFFFE000  }
.Ltmp4:
0x14b: {  	(pc) =	sbr.rel .LBB2_4-.Ltmp4, $3  }
0x14c: {  	_ =	sdelay $0x1  }
0x14d: {  	s7 =	sadd.s32 $0x400, s25;
	s2 =	sadd.s32 $0x800, s2  }
0x14e: {  	[tilespmem:s6], [sflag:$0x1] =	stream.indirect.gather [spmem:s13], $0x40, s7, s5, $0xb8;
	[tilespmem:$0x1E6C0] =	vst v63  }
.LBB2_6:
0x14f: {  	_ =	swait.ge [sflag:s12], $0x2000  }
0x150: {  	[sflag:s12] =	ssyncset.done $0x0  }
0x151: {  	[sflag:s12] =	ssyncadd.s32 $0xFFFFE000  }
0x152: {  	[bflag:$0x0] =	sbarrier.arrive $0xFFFF  }
0x153: {  	s2 =	sld [smem:$0x7FC];
	_ =	sdelay $0x2  }
0x154: {  	[tilespmem:s3], [sflag:$0x5] =	stream.linear.gather [spmem:s2], $0x1A00, $0x38;
	[tilespmem:$0x1E6C0] =	vst v63  }
0x155: {  	_ =	swait.ge [sflag:s0], $0x1A00  }
0x156: {  	[sflag:s0] =	ssyncset.done $0x0  }
0x157: {  	s25 =	rddreg [dreg:$0x5];
	[sflag:s0] =	ssyncadd.s32 $0xFFFFE600  }
0x158: {  	[hbm4b:s25+s1] =	stream.linear.scatter [tilespmem:s3], [sflag:$0x5], $0x1A00, $0x38;
	[tilespmem:$0x1E6C0] =	vst v63  }
0x159: {  	_ =	swait.ge [sflag:s0], $0x1A00  }
0x15a: {  	[sflag:s0] =	ssyncset.done $0x0  }
0x15b: {  	[sflag:s0] =	ssyncadd.s32 $0xFFFFE600  }
0x15c: {  	[tilespmem:s3], [sflag:$0x5] =	stream.linear.gather [spmem:s9], $0x1A00, $0x38;
	[tilespmem:$0x1E6C0] =	vst v63  }
0x15d: {  	_ =	swait.ge [sflag:s0], $0x1A00  }
0x15e: {  	[sflag:s0] =	ssyncset.done $0x0  }
0x15f: {  	s7 =	rddreg [dreg:$0x6];
	[sflag:s0] =	ssyncadd.s32 $0xFFFFE600  }
0x160: {  	[hbm4b:s7+s1] =	stream.linear.scatter [tilespmem:s3], [sflag:$0x5], $0x1A00, $0x38;
	[tilespmem:$0x1E6C0] =	vst v63  }
0x161: {  	_ =	swait.ge [sflag:s0], $0x1A00  }
0x162: {  	[sflag:s0] =	ssyncset.done $0x0  }
0x163: {  	[sflag:s0] =	ssyncadd.s32 $0xFFFFE600  }
0x164: {  	[tilespmem:s3], [sflag:$0x5] =	stream.linear.gather [spmem:s11], $0x1A00, $0x38;
	[tilespmem:$0x1E6C0] =	vst v63  }
0x165: {  	_ =	swait.ge [sflag:s0], $0x1A00  }
0x166: {  	[sflag:s0] =	ssyncset.done $0x0  }
0x167: {  	s8 =	rddreg [dreg:$0x7];
	[sflag:s0] =	ssyncadd.s32 $0xFFFFE600  }
0x168: {  	[hbm4b:s8+s1] =	stream.linear.scatter [tilespmem:s3], [sflag:$0x5], $0x1A00, $0x38;
	[tilespmem:$0x1E6C0] =	vst v63  }
0x169: {  	_ =	swait.ge [sflag:s0], $0x1A00  }
0x16a: {  	[sflag:s0] =	ssyncset.done $0x0  }
0x16b: {  	[sflag:s0] =	ssyncadd.s32 $0xFFFFE600  }
0x16c: {  	[tilespmem:s3], [sflag:$0x5] =	stream.linear.gather [spmem:s16], $0x1A00, $0x38;
	[tilespmem:$0x1E6C0] =	vst v63  }
0x16d: {  	_ =	swait.ge [sflag:s0], $0x1A00  }
0x16e: {  	[sflag:s0] =	ssyncset.done $0x0  }
0x16f: {  	s25 =	rddreg [dreg:$0x8];
	[sflag:s0] =	ssyncadd.s32 $0xFFFFE600  }
0x170: {  	[hbm4b:s25+s1] =	stream.linear.scatter [tilespmem:s3], [sflag:$0x5], $0x1A00, $0x38;
	[tilespmem:$0x1E6C0] =	vst v63  }
0x171: {  	_ =	swait.ge [sflag:s0], $0x1A00  }
0x172: {  	[sflag:s0] =	ssyncset.done $0x0  }
0x173: {  	[sflag:s0] =	ssyncadd.s32 $0xFFFFE600  }
0x174: {  	[tilespmem:s3], [sflag:$0x5] =	stream.linear.gather [spmem:s18], $0x1A00, $0x38;
	[tilespmem:$0x1E6C0] =	vst v63  }
0x175: {  	_ =	swait.ge [sflag:s0], $0x1A00  }
0x176: {  	[sflag:s0] =	ssyncset.done $0x0  }
0x177: {  	s7 =	rddreg [dreg:$0x9];
	[sflag:s0] =	ssyncadd.s32 $0xFFFFE600  }
0x178: {  	[hbm4b:s7+s1] =	stream.linear.scatter [tilespmem:s3], [sflag:$0x5], $0x1A00, $0x38;
	[tilespmem:$0x1E6C0] =	vst v63  }
0x179: {  	_ =	swait.ge [sflag:s0], $0x1A00  }
0x17a: {  	[sflag:s0] =	ssyncset.done $0x0  }
0x17b: {  	[sflag:s0] =	ssyncadd.s32 $0xFFFFE600  }
0x17c: {  	[tilespmem:s3], [sflag:$0x5] =	stream.linear.gather [spmem:s21], $0x1A00, $0x38;
	[tilespmem:$0x1E6C0] =	vst v63  }
0x17d: {  	_ =	swait.ge [sflag:s0], $0x1A00  }
0x17e: {  	[sflag:s0] =	ssyncset.done $0x0  }
0x17f: {  	s8 =	rddreg [dreg:$0xa];
	[sflag:s0] =	ssyncadd.s32 $0xFFFFE600  }
0x180: {  	[hbm4b:s8+s1] =	stream.linear.scatter [tilespmem:s3], [sflag:$0x5], $0x1A00, $0x38;
	[tilespmem:$0x1E6C0] =	vst v63  }
0x181: {  	_ =	swait.ge [sflag:s0], $0x1A00  }
0x182: {  	[sflag:s0] =	ssyncset.done $0x0  }
0x183: {  	s2 =	simm.s32 @!p0 $0x5;
	s25 =	simm.s32 @!p0 $0x9400;
	[sflag:s0] =	ssyncadd.s32 $0xFFFFE600  }
0x184: {  	[tilespmem:s25], [sflag:$0x5] =	stream.linear.gather @!p0 [spmem:s23], $0x400, $0x38;
	[tilespmem:$0x1E6C0] =	vst v63  }
0x185: {  	_ =	swait.ge @!p0 [sflag:s2], $0x400  }
0x186: {  	[sflag:s2] =	ssyncset.done @!p0 $0x0  }
0x187: {  	s7 =	simm.s32 @!p0 $0x0;
	s8 =	rddreg [dreg:$0x14];
	[sflag:s2] =	ssyncadd.s32 @!p0 $0xFFFFFC00  }
0x188: {  	[hbm4b:s8+s7] =	stream.linear.scatter @!p0 [tilespmem:s25], [sflag:$0x5], $0x400, $0x38;
	[tilespmem:$0x1E6C0] =	vst v63  }
0x189: {  	_ =	swait.ge @!p0 [sflag:s2], $0x400  }
0x18a: {  	[sflag:s2] =	ssyncset.done @!p0 $0x0;
	s8 =	rddreg [dreg:$0x19]  }
0x18b: {  	[sflag:s2] =	ssyncadd.s32 @!p0 $0xFFFFFC00;
	s8 =	sadd.s32 s8, s20  }
0x18c: {  	[tilespmem:s3], [sflag:$0x5] =	stream.linear.gather [hbm4b:s8+s1], $0x1A00, $0x38;
	[tilespmem:$0x1E6C0] =	vst v63  }
0x18d: {  	_ =	swait.ge [sflag:s0], $0x1A00  }
0x18e: {  	[sflag:s0] =	ssyncset.done $0x0  }
0x18f: {  	s8 =	rddreg [dreg:$0x17];
	[sflag:s0] =	ssyncadd.s32 $0xFFFFE600  }
0x190: {  	[spmem:s8] =	stream.linear.scatter [tilespmem:s3], [sflag:$0x5], $0x1A00, $0x38;
	[tilespmem:$0x1E6C0] =	vst v63  }
0x191: {  	_ =	swait.ge [sflag:s0], $0x1A00  }
0x192: {  	[sflag:s0] =	ssyncset.done $0x0;
	s8 =	rddreg [dreg:$0x18]  }
0x193: {  	[sflag:s0] =	ssyncadd.s32 $0xFFFFE600;
	s8 =	sadd.s32 s8, s20  }
0x194: {  	[tilespmem:s3], [sflag:$0x5] =	stream.linear.gather [hbm4b:s8+s1], $0x1A00, $0x38;
	[tilespmem:$0x1E6C0] =	vst v63  }
0x195: {  	_ =	swait.ge [sflag:s0], $0x1A00  }
0x196: {  	s8 =	sld [smem:$0x7FD]  }
0x197: {  	[sflag:s0] =	ssyncset.done $0x0  }
0x198: {  	[sflag:s0] =	ssyncadd.s32 $0xFFFFE600  }
0x199: {  	[spmem:s8] =	stream.linear.scatter [tilespmem:s3], [sflag:$0x5], $0x1A00, $0x38;
	[tilespmem:$0x1E6C0] =	vst v63  }
0x19a: {  	_ =	swait.ge [sflag:s0], $0x1A00  }
0x19b: {  	[sflag:s0] =	ssyncset.done $0x0;
	s8 =	rddreg [dreg:$0x1a]  }
0x19c: {  	[sflag:s0] =	ssyncadd.s32 $0xFFFFE600;
	s8 =	sadd.s32 s8, s20  }
0x19d: {  	[tilespmem:s3], [sflag:$0x5] =	stream.linear.gather [hbm4b:s8+s1], $0x1A00, $0x38;
	[tilespmem:$0x1E6C0] =	vst v63  }
0x19e: {  	_ =	swait.ge [sflag:s0], $0x1A00  }
0x19f: {  	[sflag:s0] =	ssyncset.done $0x0  }
0x1a0: {  	[sflag:s0] =	ssyncadd.s32 $0xFFFFE600  }
0x1a1: {  	[spmem:s10] =	stream.linear.scatter [tilespmem:s3], [sflag:$0x5], $0x1A00, $0x38;
	[tilespmem:$0x1E6C0] =	vst v63  }
0x1a2: {  	_ =	swait.ge [sflag:s0], $0x1A00  }
0x1a3: {  	[sflag:s0] =	ssyncset.done $0x0;
	s8 =	rddreg [dreg:$0x1b]  }
0x1a4: {  	[sflag:s0] =	ssyncadd.s32 $0xFFFFE600;
	s8 =	sadd.s32 s8, s20  }
0x1a5: {  	[tilespmem:s3], [sflag:$0x5] =	stream.linear.gather [hbm4b:s8+s1], $0x1A00, $0x38;
	[tilespmem:$0x1E6C0] =	vst v63  }
0x1a6: {  	_ =	swait.ge [sflag:s0], $0x1A00  }
0x1a7: {  	[sflag:s0] =	ssyncset.done $0x0  }
0x1a8: {  	[sflag:s0] =	ssyncadd.s32 $0xFFFFE600  }
0x1a9: {  	[spmem:s14] =	stream.linear.scatter [tilespmem:s3], [sflag:$0x5], $0x1A00, $0x38;
	[tilespmem:$0x1E6C0] =	vst v63  }
0x1aa: {  	_ =	swait.ge [sflag:s0], $0x1A00  }
0x1ab: {  	[sflag:s0] =	ssyncset.done $0x0;
	s8 =	rddreg [dreg:$0x1c]  }
0x1ac: {  	[sflag:s0] =	ssyncadd.s32 $0xFFFFE600;
	s8 =	sadd.s32 s8, s20  }
0x1ad: {  	[tilespmem:s3], [sflag:$0x5] =	stream.linear.gather [hbm4b:s8+s1], $0x1A00, $0x38;
	[tilespmem:$0x1E6C0] =	vst v63  }
0x1ae: {  	_ =	swait.ge [sflag:s0], $0x1A00  }
0x1af: {  	[sflag:s0] =	ssyncset.done $0x0  }
0x1b0: {  	[sflag:s0] =	ssyncadd.s32 $0xFFFFE600  }
0x1b1: {  	[spmem:s17] =	stream.linear.scatter [tilespmem:s3], [sflag:$0x5], $0x1A00, $0x38;
	[tilespmem:$0x1E6C0] =	vst v63  }
0x1b2: {  	_ =	swait.ge [sflag:s0], $0x1A00  }
0x1b3: {  	[sflag:s0] =	ssyncset.done $0x0;
	s8 =	rddreg [dreg:$0x1d]  }
0x1b4: {  	[sflag:s0] =	ssyncadd.s32 $0xFFFFE600;
	s8 =	sadd.s32 s8, s20  }
0x1b5: {  	[tilespmem:s3], [sflag:$0x5] =	stream.linear.gather [hbm4b:s8+s1], $0x1A00, $0x38;
	[tilespmem:$0x1E6C0] =	vst v63  }
0x1b6: {  	_ =	swait.ge [sflag:s0], $0x1A00  }
0x1b7: {  	[sflag:s0] =	ssyncset.done $0x0  }
0x1b8: {  	[sflag:s0] =	ssyncadd.s32 $0xFFFFE600  }
0x1b9: {  	[spmem:s19] =	stream.linear.scatter [tilespmem:s3], [sflag:$0x5], $0x1A00, $0x38;
	[tilespmem:$0x1E6C0] =	vst v63  }
0x1ba: {  	_ =	swait.ge [sflag:s0], $0x1A00  }
0x1bb: {  	[sflag:s0] =	ssyncset.done $0x0  }
0x1bc: {  	s8 =	sadd.s32 @!p0 $0x13800, s20;
	[sflag:s0] =	ssyncadd.s32 $0xFFFFE600  }
0x1bd: {  	[tilespmem:s25], [sflag:$0x5] =	stream.linear.gather @!p0 [hbm4b:s8+s7], $0x400, $0x38;
	[tilespmem:$0x1E6C0] =	vst v63  }
0x1be: {  	_ =	swait.ge @!p0 [sflag:s2], $0x400  }
0x1bf: {  	[sflag:s2] =	ssyncset.done @!p0 $0x0  }
0x1c0: {  	[sflag:s2] =	ssyncadd.s32 @!p0 $0xFFFFFC00  }
0x1c1: {  	[spmem:s22] =	stream.linear.scatter @!p0 [tilespmem:s25], [sflag:$0x5], $0x400, $0x38;
	[tilespmem:$0x1E6C0] =	vst v63  }
0x1c2: {  	_ =	swait.ge @!p0 [sflag:s2], $0x400  }
0x1c3: {  	[sflag:s2] =	ssyncset.done @!p0 $0x0  }
0x1c4: {  	s25 =	sadd.s32 $0x0, s24;
	[sflag:s2] =	ssyncadd.s32 @!p0 $0xFFFFFC00  }
0x1c5: {  	[spmem:s25] =	stream.linear.scatter [tilespmem:s4], [sflag:$0x5], $0x400, $0x38;
	[tilespmem:$0x1E6C0] =	vst v63  }
0x1c6: {  	s2 =	simm.s32 $0x1000;
	_ =	swait.ge [sflag:s0], $0x400  }
.LBB2_7:
0x1c7: {  	s7 =	sshra.s32 s2, $0x2;
	[sflag:s0] =	ssyncset.done $0x0;
	p1 =	sne.s32 s2, $0x26000  }
.Ltmp5:
0x1c8: {  	s7 =	sadd.s32 s7, s24;
	[sflag:s0] =	ssyncadd.s32 $0xFFFFFC00;
	(pc) =	sbr.rel @p1 .LBB2_7-.Ltmp5, $3  }
0x1c9: {  	[spmem:s7] =	stream.linear.scatter [tilespmem:s4], [sflag:$0x5], $0x400, $0x38;
	[tilespmem:$0x1E6C0] =	vst v63  }
0x1ca: {  	s2 =	sadd.s32 $0x1000, s2;
	_ =	sdelay $0x1  }
0x1cb: {  	_ =	swait.ge [sflag:s0], $0x400  }
0x1cc: {  	[sflag:s0] =	ssyncset.done $0x0  }
0x1cd: {  	s2 =	simm.s32 @!p0 $0x9000;
	[sflag:s0] =	ssyncadd.s32 $0xFFFFFC00  }
0x1ce: {  	[spmem:s23] =	stream.linear.scatter @!p0 [tilespmem:s2], [sflag:$0x5], $0x400, $0x38;
	[tilespmem:$0x1E6C0] =	vst v63  }
0x1cf: {  	s2 =	simm.s32 @!p0 $0x5  }
0x1d0: {  	_ =	swait.ge @!p0 [sflag:s2], $0x400  }
0x1d1: {  	[sflag:s2] =	ssyncset.done @!p0 $0x0  }
0x1d2: {  	[sflag:s2] =	ssyncadd.s32 @!p0 $0xFFFFFC00  }
0x1d3: {  	s2 =	simm.s32 $0x0;
	[bflag:$0x0] =	sbarrier.arrive $0xFFFF  }
0x1d4: {  	[tilespmem:s6], [sflag:$0x1] =	stream.indirect.gather [spmem:s13], $0x40, s2, s5, $0xb8;
	[tilespmem:$0x1E6C0] =	vst v63  }
0x1d5: {  	_ = 	snop  }
0x1d6: {  	[tilespmem:s26], [sflag:$0x2] =	stream.indirect.gather [spmem:s13], $0x40, s5, s5, $0xb8;
	[tilespmem:$0x1E6C0] =	vst v63  }
0x1d7: {  	_ =	swait.ge [sflag:s28], $0x2000  }
0x1d8: {  	[sflag:s28] =	ssyncset.done $0x0  }
0x1d9: {  	s7 =	simm.s32 $0x2800;
	[sflag:s28] =	ssyncadd.s32 $0xFFFFE000  }
0x1da: {  	[spmem:s15] =	stream.indirect.scatter.add.f32 [tilespmem:s6], [sflag:$0x3], $0x40, s7, s5, $0xb8;
	[tilespmem:$0x1E6C0] =	vst v63  }
0x1db: {  	_ =	swait.ge [sflag:s29], $0x2000  }
0x1dc: {  	[sflag:s29] =	ssyncset.done $0x0  }
0x1dd: {  	s8 =	simm.s32 $0x2880;
	[sflag:s29] =	ssyncadd.s32 $0xFFFFE000  }
0x1de: {  	[spmem:s15] =	stream.indirect.scatter.add.f32 [tilespmem:s26], [sflag:$0x4], $0x40, s8, s5, $0xb8;
	[tilespmem:$0x1E6C0] =	vst v63  }
0x1df: {  	_ =	swait.ge [sflag:s31], $0x2000  }
0x1e0: {  	[sflag:s31] =	ssyncset.done $0x0  }
0x1e1: {  	s25 =	simm.s32 $0x100;
	[sflag:s31] =	ssyncadd.s32 $0xFFFFE000  }
0x1e2: {  	[tilespmem:s6], [sflag:$0x1] =	stream.indirect.gather [spmem:s13], $0x40, s25, s5, $0xb8;
	[tilespmem:$0x1E6C0] =	vst v63  }
0x1e3: {  	_ =	swait.ge [sflag:s28], $0x2000  }
0x1e4: {  	[sflag:s28] =	ssyncset.done $0x0  }
0x1e5: {  	s8 =	simm.s32 $0x2900;
	[sflag:s28] =	ssyncadd.s32 $0xFFFFE000  }
0x1e6: {  	[spmem:s15] =	stream.indirect.scatter.add.f32 [tilespmem:s6], [sflag:$0x3], $0x40, s8, s5, $0xb8;
	[tilespmem:$0x1E6C0] =	vst v63  }
0x1e7: {  	_ =	swait.ge [sflag:s12], $0x2000  }
0x1e8: {  	[sflag:s12] =	ssyncset.done $0x0  }
0x1e9: {  	s25 =	simm.s32 $0x180;
	[sflag:s12] =	ssyncadd.s32 $0xFFFFE000  }
0x1ea: {  	[tilespmem:s26], [sflag:$0x2] =	stream.indirect.gather [spmem:s13], $0x40, s25, s5, $0xb8;
	[tilespmem:$0x1E6C0] =	vst v63  }
0x1eb: {  	_ =	swait.ge [sflag:s29], $0x2000  }
0x1ec: {  	[sflag:s29] =	ssyncset.done $0x0  }
0x1ed: {  	s8 =	simm.s32 $0x2980;
	[sflag:s29] =	ssyncadd.s32 $0xFFFFE000  }
0x1ee: {  	[spmem:s15] =	stream.indirect.scatter.add.f32 [tilespmem:s26], [sflag:$0x4], $0x40, s8, s5, $0xb8;
	[tilespmem:$0x1E6C0] =	vst v63  }
0x1ef: {  	_ =	swait.ge [sflag:s31], $0x2000  }
0x1f0: {  	[sflag:s31] =	ssyncset.done $0x0  }
0x1f1: {  	s25 =	simm.s32 $0x200;
	[sflag:s31] =	ssyncadd.s32 $0xFFFFE000  }
0x1f2: {  	[tilespmem:s6], [sflag:$0x1] =	stream.indirect.gather [spmem:s13], $0x40, s25, s5, $0xb8;
	[tilespmem:$0x1E6C0] =	vst v63  }
.LBB2_9:
0x1f3: {  	_ =	swait.ge [sflag:s28], $0x2000  }
0x1f4: {  	s25 =	sshra.s32 s2, $0x2;
	[sflag:s28] =	ssyncset.done $0x0  }
0x1f5: {  	s7 =	sadd.s32 $0x2A00, s25;
	[sflag:s28] =	ssyncadd.s32 $0xFFFFE000  }
0x1f6: {  	[spmem:s15] =	stream.indirect.scatter.add.f32 [tilespmem:s6], [sflag:$0x3], $0x40, s7, s5, $0xb8;
	[tilespmem:$0x1E6C0] =	vst v63  }
0x1f7: {  	_ =	swait.ge [sflag:s12], $0x2000  }
0x1f8: {  	[sflag:s12] =	ssyncset.done $0x0  }
0x1f9: {  	s8 =	sadd.s32 $0x280, s25;
	[sflag:s12] =	ssyncadd.s32 $0xFFFFE000  }
0x1fa: {  	[tilespmem:s26], [sflag:$0x2] =	stream.indirect.gather [spmem:s13], $0x40, s8, s5, $0xb8;
	[tilespmem:$0x1E6C0] =	vst v63  }
0x1fb: {  	_ =	swait.ge [sflag:s29], $0x2000  }
0x1fc: {  	[sflag:s29] =	ssyncset.done $0x0  }
0x1fd: {  	s8 =	sadd.s32 $0x2A80, s25;
	[sflag:s29] =	ssyncadd.s32 $0xFFFFE000  }
0x1fe: {  	[spmem:s15] =	stream.indirect.scatter.add.f32 [tilespmem:s26], [sflag:$0x4], $0x40, s8, s5, $0xb8;
	[tilespmem:$0x1E6C0] =	vst v63  }
0x1ff: {  	_ =	swait.ge [sflag:s31], $0x2000  }
0x200: {  	[sflag:s31] =	ssyncset.done $0x0  }
0x201: {  	s8 =	sadd.s32 $0x300, s25;
	[sflag:s31] =	ssyncadd.s32 $0xFFFFE000  }
0x202: {  	[tilespmem:s6], [sflag:$0x1] =	stream.indirect.gather [spmem:s13], $0x40, s8, s5, $0xb8;
	[tilespmem:$0x1E6C0] =	vst v63  }
0x203: {  	_ =	swait.ge [sflag:s28], $0x2000  }
0x204: {  	[sflag:s28] =	ssyncset.done $0x0  }
0x205: {  	s8 =	sadd.s32 $0x2B00, s25;
	[sflag:s28] =	ssyncadd.s32 $0xFFFFE000  }
0x206: {  	[spmem:s15] =	stream.indirect.scatter.add.f32 [tilespmem:s6], [sflag:$0x3], $0x40, s8, s5, $0xb8;
	[tilespmem:$0x1E6C0] =	vst v63  }
0x207: {  	_ =	swait.ge [sflag:s12], $0x2000  }
0x208: {  	[sflag:s12] =	ssyncset.done $0x0  }
0x209: {  	s8 =	sadd.s32 $0x380, s25;
	[sflag:s12] =	ssyncadd.s32 $0xFFFFE000  }
0x20a: {  	[tilespmem:s26], [sflag:$0x2] =	stream.indirect.gather [spmem:s13], $0x40, s8, s5, $0xb8;
	[tilespmem:$0x1E6C0] =	vst v63  }
0x20b: {  	_ =	swait.ge [sflag:s29], $0x2000  }
0x20c: {  	p1 =	seq.s32 s2, $0x9000;
	[sflag:s29] =	ssyncset.done $0x0  }
.Ltmp6:
0x20d: {  	s8 =	sadd.s32 $0x2B80, s25;
	[sflag:s29] =	ssyncadd.s32 $0xFFFFE000;
	(pc) =	sbr.rel @p1 .LBB2_11-.Ltmp6, $4  }
0x20e: {  	[spmem:s15] =	stream.indirect.scatter.add.f32 [tilespmem:s26], [sflag:$0x4], $0x40, s8, s5, $0xb8;
	[tilespmem:$0x1E6C0] =	vst v63  }
0x20f: {  	_ =	swait.ge [sflag:s31], $0x2000  }
0x210: {  	[sflag:s31] =	ssyncset.done $0x0  }
0x211: {  	[sflag:s31] =	ssyncadd.s32 $0xFFFFE000  }
.Ltmp7:
0x212: {  	(pc) =	sbr.rel .LBB2_9-.Ltmp7, $3  }
0x213: {  	_ =	sdelay $0x1  }
0x214: {  	s7 =	sadd.s32 $0x400, s25;
	s2 =	sadd.s32 $0x800, s2  }
0x215: {  	[tilespmem:s6], [sflag:$0x1] =	stream.indirect.gather [spmem:s13], $0x40, s7, s5, $0xb8;
	[tilespmem:$0x1E6C0] =	vst v63  }
.LBB2_12:
0x216: {  	_ =	sfence.sel $0x180000  }
0x217: {  	[bflag:$0x0] =	sbarrier.arrive $0xFFFF  }
0x218: {  	_ =	strace $0x9000004A  }
0x219: {  	s0 =	stileid.u32;
	[bflag:$0x2] =	sbarrier.arrive $0xFFFF  }
0x21a: {  	p0 =	sne.s32 s0, $0x0;
	s0 =	rddreg [dreg:$0x4]  }
0x21b: {  	s0 =	sadd.s32 @!p0 $0x100000, s0  }
0x21c: {  	[sflag:s0] =	ssyncadd.tile.s32 @!p0 $0x1;
	_ =	shalt  }
.Lfunc_end2:
_tile_overlayer_lowered:
.L_overlay_start_2:
0x21d: {  	(tag) =	ssettag $0x2  }
0x21e: {  	s0 =	rddreg [dreg:$0x0];
	s2 =	stileid.u32  }
0x21f: {  	s1 =	rddreg [dreg:$0x1];
	p0 =	sne.s32 s2, $0x0  }
0x220: {  	s3 =	rddreg [dreg:$0x2];
	[bflag:$0x3] =	sbarrier.arrive $0xFFFF;
	s2 =	simm.s32 @!p0 $0x1C05  }
0x221: {  	[timem:s3], [sflag:s2] =	dma.local @!p0 [hbm:s0], s1  }
0x222: {  	s0 =	simm.s32 @!p0 $0x5  }
0x223: {  	_ =	swait.ge @!p0 [sflag:s0], s1  }
0x224: {  	s1 =	ssub.s32 @!p0 $0x0, s1;
	[sflag:s0] =	ssyncset.done @!p0 $0x0  }
0x225: {  	[sflag:s0] =	ssyncadd.s32 @!p0 s1  }
0x226: {  	[bflag:$0x3] =	sbarrier.arrive $0xFFFF  }
0x227: {  	_ =	shalt  }

// kernel: kernel.5.cloned.1.call-start
scs
__scs_entry_jumppad:
0x0: {  	(pc) =	sbr.rel $0x88, $3  }
0x1: {  	(tag) =	ssettag $0x0;
	lr =	simm.s32 $0x1  }
0x2: {  	[smem:$0x3F8E] =	sst lr;
	_ =	strace $0xD0000000  }
0x3: {  	_ = 	snop  }
0x4: {  	_ = 	snop  }
0x5: {  	_ = 	snop  }
0x6: {  	_ = 	snop  }
0x7: {  	_ = 	snop  }
__scs_overlays_trampoline_lowered:
0x8: {  	[smem:$0x3F9D] =	sst s0  }
0x9: {  	[smem:$0x3F9E] =	sst s1  }
0xa: {  	[smem:$0x3F9F] =	sst s2  }
0xb: {  	[smem:$0x3FA0] =	sst s3  }
0xc: {  	[smem:$0x3FA1] =	sst s4  }
0xd: {  	[smem:$0x3FA2] =	sst s5  }
0xe: {  	[smem:$0x3FA3] =	sst s6  }
0xf: {  	[smem:$0x3FA4] =	sst s7  }
0x10: {  	[smem:$0x3FA5] =	sst s8  }
0x11: {  	[smem:$0x3FA6] =	sst s9;
	s0 =	simm.s32 @!p0 $0x0  }
0x12: {  	s1 =	sld [smem:$0x3F8C];
	s0 =	simm.s32 @p0 $0x1  }
0x13: {  	[smem:$0x3FA7] =	sst s0;
	s0 =	simm.s32 @!p1 $0x0  }
0x14: {  	s2 =	sld [smem:$0x3F8B];
	s0 =	simm.s32 @p1 $0x1  }
0x15: {  	[smem:$0x3FA8] =	sst s0;
	s0 =	simm.s32 @!p2 $0x0  }
0x16: {  	s3 =	sld [smem:$0x3FDB];
	s0 =	simm.s32 @p2 $0x1  }
0x17: {  	s4 =	simm.s32 $0x1BF5;
	[smem:$0x3FAA] =	sst s0  }
0x18: {  	s0 =	sld [smem:$0x3F8D];
	_ =	swait.ge [sflag:s4], $0x0  }
0x19: {  	s7 =	sld [smem:$0x3F8E]  }
0x1a: {  	s8 =	sadd.s32 $0xFFFFE003, lr  }
0x1b: {  	s9 =	sadd.s32 $0xFFFFFEF7, lr;
	s5 =	simm.s32 $0xFFFFFFFF;
	p2 =	slt.u32 s8, $0xFFFFF086  }
0x1c: {  	p1 =	slt.u32 s9, $0xF7A;
	s5 =	simm.s32 @!p2 $0x0  }
0x1d: {  	s5 =	simm.s32 @p1 $0x1;
	p0 =	seq.s32 s7, s2  }
0x1e: {  	s7 =	smul.u32 @!p0 $0xF7A, s2;
	p2 =	seq.s32 @!p0 s5, $0x0  }
0x1f: {  	s9 =	smul.u32 $0xF7A, s1;
	s8 =	simm.s32 @!p0 $0x1BF5;
	p2 =	por !p2, p0  }
0x20: {  	[sflag:s8] =	ssyncset.s32 @!p0 $0xFFFFF086;
	s6 =	sadd.s32 @!p0 s3, s7;
	s7 =	simm.s32 @!p0 $0x108  }
0x21: {  	s3 =	sadd.s32 s3, s9;
	s6 =	sadd.s32 @!p0 $0x88, s6;
	s7 =	simm.s32 @p2 $0x1082  }
0x22: {  	[simem:s7], [sflag:s8] =	dma.local @!p0 [hbm:s6], $0xF7A  }
0x23: {  	s9 =	sor.u32 $0xD0000000, s2;
	s6 =	simm.s32 $0x108;
	_ =	swait.ge @!p0 [sflag:s8], $0x0  }
0x24: {  	s3 =	sadd.s32 $0x88, s3;
	s6 =	simm.s32 @!p1 $0x1082;
	[sflag:s4] =	ssyncset.s32 $0xFFFFF086  }
0x25: {  	[simem:s6], [sflag:s4] =	dma.local [hbm:s3], $0xF7A  }
0x26: {  	[smem:$0x3F8E] =	sst s1;
	(tag) =	ssettag s2;
	_ =	strace s9  }
0x27: {  	s1 =	sld [smem:$0x3F9E]  }
0x28: {  	s2 =	sld [smem:$0x3F9F]  }
0x29: {  	s4 =	sld [smem:$0x3FA1]  }
0x2a: {  	p0 =	seq.s32 s5, $0x0;
	s5 =	sld [smem:$0x3FA2]  }
0x2b: {  	s6 =	sld [smem:$0x3FA3]  }
0x2c: {  	s7 =	sld [smem:$0x3FA4]  }
0x2d: {  	s3 =	simm.s32 $0x108;
	s8 =	sld [smem:$0x3FA5]  }
0x2e: {  	s3 =	simm.s32 @!p0 $0x1082;
	s9 =	sld [smem:$0x3FA6]  }
0x2f: {  	lr =	sadd.s32 s0, s3;
	s0 =	sld [smem:$0x3F9D]  }
0x30: {  	s3 =	sld [smem:$0x3FA0]  }
0x31: {  	[smem:$0x3FA9] =	sst s10  }
0x32: {  	s10 =	sld [smem:$0x3FA7];
	_ =	sdelay $0x3  }
0x33: {  	p0 =	seq.s32 s10, $0x1;
	s10 =	sld [smem:$0x3FA9];
	_ =	sdelay $0x3  }
0x34: {  	[smem:$0x3FA9] =	sst s10  }
0x35: {  	s10 =	sld [smem:$0x3FA8];
	_ =	sdelay $0x3  }
0x36: {  	p1 =	seq.s32 s10, $0x1;
	s10 =	sld [smem:$0x3FA9];
	_ =	sdelay $0x3  }
0x37: {  	[smem:$0x3FA9] =	sst s10  }
0x38: {  	s10 =	sld [smem:$0x3FAA]  }
0x39: {  	_ = 	snop;
	(pc) =	sbr.ind lr, $3  }
0x3a: {  	_ = 	snop  }
0x3b: {  	_ = 	snop  }
0x3c: {  	p2 =	seq.s32 s10, $0x1;
	s10 =	sld [smem:$0x3FA9]  }
0x3d: {  	_ =	shalt  }
0x3e: {  	_ =	shalt  }
0x3f: {  	_ =	shalt  }
0x40: {  	_ =	shalt  }
0x41: {  	_ =	shalt  }
0x42: {  	_ =	shalt  }
0x43: {  	_ =	shalt  }
0x44: {  	_ =	shalt  }
0x45: {  	_ =	shalt  }
0x46: {  	_ =	shalt  }
0x47: {  	_ =	shalt  }
0x48: {  	_ =	shalt  }
0x49: {  	_ =	shalt  }
0x4a: {  	_ =	shalt  }
0x4b: {  	_ =	shalt  }
0x4c: {  	_ =	shalt  }
0x4d: {  	_ =	shalt  }
0x4e: {  	_ =	shalt  }
0x4f: {  	_ =	shalt  }
0x50: {  	_ =	shalt  }
0x51: {  	_ =	shalt  }
0x52: {  	_ =	shalt  }
0x53: {  	_ =	shalt  }
0x54: {  	_ =	shalt  }
0x55: {  	_ =	shalt  }
0x56: {  	_ =	shalt  }
0x57: {  	_ =	shalt  }
0x58: {  	_ =	shalt  }
0x59: {  	_ =	shalt  }
0x5a: {  	_ =	shalt  }
0x5b: {  	_ =	shalt  }
0x5c: {  	_ =	shalt  }
0x5d: {  	_ =	shalt  }
0x5e: {  	_ =	shalt  }
0x5f: {  	_ =	shalt  }
0x60: {  	_ =	shalt  }
0x61: {  	_ =	shalt  }
0x62: {  	_ =	shalt  }
0x63: {  	_ =	shalt  }
0x64: {  	_ =	shalt  }
0x65: {  	_ =	shalt  }
0x66: {  	_ =	shalt  }
0x67: {  	_ =	shalt  }
0x68: {  	_ =	shalt  }
0x69: {  	_ =	shalt  }
0x6a: {  	_ =	shalt  }
0x6b: {  	_ =	shalt  }
0x6c: {  	_ =	shalt  }
0x6d: {  	_ =	shalt  }
0x6e: {  	_ =	shalt  }
0x6f: {  	_ =	shalt  }
0x70: {  	_ =	shalt  }
0x71: {  	_ =	shalt  }
0x72: {  	_ =	shalt  }
0x73: {  	_ =	shalt  }
0x74: {  	_ =	shalt  }
0x75: {  	_ =	shalt  }
0x76: {  	_ =	shalt  }
0x77: {  	_ =	shalt  }
0x78: {  	_ =	shalt  }
0x79: {  	_ =	shalt  }
0x7a: {  	_ =	shalt  }
0x7b: {  	_ =	shalt  }
0x7c: {  	_ =	shalt  }
0x7d: {  	_ =	shalt  }
0x7e: {  	_ =	shalt  }
0x7f: {  	_ =	shalt  }
0x80: {  	_ =	shalt  }
0x81: {  	_ =	shalt  }
0x82: {  	_ =	shalt  }
0x83: {  	_ =	shalt  }
0x84: {  	_ =	shalt  }
0x85: {  	_ =	shalt  }
0x86: {  	_ =	shalt  }
0x87: {  	_ =	shalt  }
.Lfunc_end0:
.L_simem_size_0:
called_computation.1_lowered:
.L_overlay_start_0:
0x88: {  	s2 =	sld [smem:$0x3FD9]  }
0x89: {  	s3 =	sld [smem:$0x3FFE];
	_ =	sdelay $0x1  }
0x8a: {  	s1 =	srdreg.scid  }
0x8b: {  	s0 =	sand.u32 $0x1, s1  }
0x8c: {  	s17 =	sshll.u32 s0, $0xA;
	s2 =	sadd.s32 s3, s2  }
0x8d: {  	s2 =	sadd.s32 s2, s17  }
0x8e: {  	[smem:$0x3FB5] =	sst s2  }
0x8f: {  	_ = 	snop  }
0x90: {  	s2 =	sld [smem:$0x3FD0];
	(tm) =	ssettm $0x1  }
0x91: {  	s18 =	sld [smem:$0x3FFB];
	_ =	sdelay $0x3  }
0x92: {  	_ =	strace s18  }
0x93: {  	s3 =	sld [smem:$0x3FFC];
	_ =	sdelay $0x3  }
0x94: {  	_ =	strace s3  }
0x95: {  	s3 =	sld [smem:$0x3FFD];
	_ =	sdelay $0x3  }
0x96: {  	_ =	strace s3  }
0x97: {  	_ =	strace $0x8FFFFFFF  }
0x98: {  	s19 =	sld [smem:$0x3FDB];
	_ =	sdelay $0x1  }
0x99: {  	s4 =	simm.s32 $_scs_section_size  }
0x9a: {  	s5 =	simm.s32 $_size__tile_overlayer_lowered;
	s6 =	simm.s32 $_tile_overlayer_lowered  }
0x9b: {  	s22 =	simm.s32 $0x1BFF;
	s21 =	sshll.u32 s6, $0x1;
	s3 =	sadd.s32 s4, s19  }
0x9c: {  	s7 =	simm.s32 $0x0;
	s20 =	sshll.u32 s5, $0x1;
	s5 =	sadd.s32 s21, s3  }
0x9d: {  	[timem:s7], [sflag:s22] =	dma.local [hbm:s5], s20  }
0x9e: {  	_ =	swait.ge [sflag:s22], s20  }
0x9f: {  	s4 =	ssub.s32 $0x0, s20;
	[sflag:s22] =	ssyncset.done $0x0  }
0xa0: {  	[sflag:s22] =	ssyncadd.s32 s4;
	_ =	sdelay $0x1  }
0xa1: {  	s23 =	simm.s32 $0x1B8B  }
0xa2: {  	_ =	swait.ge [sflag:s23], $0x1  }
0xa3: {  	[sflag:s23] =	ssyncset.done $0x0  }
0xa4: {  	s25 =	simm.s32 $0x1B8E;
	s24 =	sld [smem:$0x3FFE];
	[sflag:s23] =	ssyncadd.s32 $0xFFFFFFFF  }
0xa5: {  	s26 =	simm.s32 $execute0_lowered;
	[smem:$0x3FD2] =	sst s25  }
0xa6: {  	s5 =	sshll.u32 s26, $0x1;
	_ =	strace $0x80000046;
	[dreg:$0x1] =	wrdreg $0xFFFFFFFF  }
0xa7: {  	s28 =	simm.s32 $_size_execute0_lowered;
	s3 =	sadd.s32 s3, s5;
	[dreg:$0x0] =	wrdreg $0x0  }
0xa8: {  	s5 =	sshll.u32 s28, $0x1;
	[dreg:$0x2] =	wrdreg s3  }
0xa9: {  	[dreg:$0x3] =	wrdreg s5  }
0xaa: {  	[dreg:$0x4] =	wrdreg $0xC0  }
0xab: {  	_ =	task [dreg:s7], $0x5FFFF  }
0xac: {  	[dreg:$0x1] =	wrdreg $0xFFFFFFFF  }
0xad: {  	[dreg:$0x0] =	wrdreg $0x60  }
0xae: {  	[dreg:$0x2] =	wrdreg s2  }
0xaf: {  	[dreg:$0x3] =	wrdreg s24  }
0xb0: {  	[dreg:$0x4] =	wrdreg $0x31000  }
0xb1: {  	[dreg:$0x5] =	wrdreg $0x9  }
0xb2: {  	_ =	task.clear_ibuf [dreg:s7], $0x6FFFF;
	_ =	strace $0x90000046  }
0xb3: {  	s29 =	simm.s32 $0x9;
	_ =	strace $0x80000048  }
0xb4: {  	_ =	swait.ge [sflag:s29], $0x1  }
0xb5: {  	[sflag:s29] =	ssyncadd.s32 $0xFFFFFFFF  }
0xb6: {  	_ =	strace $0x90000048  }
0xb7: {  	_ =	sfence  }
0xb8: {  	s30 =	sld [smem:$0x0];
	_ =	sdelay $0x2  }
0xb9: {  	s31 =	sshll.u32 s1, $0xD;
	s1 =	sshrl.u32 s1, $0x2  }
0xba: {  	s3 =	sand.u32 $0x4000, s31;
	s1 =	sadd.s32 s1, s30  }
0xbb: {  	s0 =	sor.u32 s3, s0;
	s1 =	sshll.u32 s1, $0x11  }
0xbc: {  	s0 =	sor.u32 s1, s0  }
0xbd: {  	s0 =	sadd.s32 $0x8F2B, s0  }
0xbe: {  	[sflag:s0] =	ssyncadd.remote.s32 $0x1  }
0xbf: {  	_ =	sfence.sel $0xFFFF  }
0xc0: {  	[dreg:$0x0] =	wrdreg $0xFFFFFFFF;
	(pc) =	sbr.abs _section_cstart, $3  }
0xc1: {  	[dreg:$0x1] =	wrdreg $0xFFFFFFFF  }
0xc2: {  	_ =	task.clear_ibuf [dreg:s7], $0x2FFFF;
	_ =	strace $0x9FFFFFFF  }
0xc3: {  	(tm) =	ssettm $0x7FFFFFFF  }
tec
execute0_lowered:
.L_overlay_start_1:
0x0: {  	(tag) =	ssettag $0x1  }
0x1: {  	s4 =	rddreg [dreg:$0x0]  }
0x2: {  	s6 =	rddreg [dreg:$0x1]  }
0x3: {  	s0 =	srdreg.scid;
	s2 =	rddreg [dreg:$0x2];
	s3 =	simm.s32 $0x0  }
0x4: {  	s13 =	simm.s32 $0x2800;
	s14 =	simm.s32 $0x1;
	s15 =	simm.s32 $0x0  }
0x5: {  	s5 =	sand.u32 $0x1, s0;
	s0 =	stileid.u32;
	[smem:$0x7FF] =	sst s3  }
0x6: {  	s12 =	sadd.s32 $0x4000, s6;
	s6 =	sadd.s32 $0x27000, s2;
	s9 =	smul.u32 $0x9C00, s0  }
0x7: {  	s1 =	sshll.u32 s5, $0x4;
	s8 =	ssub.s32 $0x2, s5;
	s11 =	smul.u32 $0x27100, s5  }
0x8: {  	s28 =	smul.u32 $0x2700, s0;
	p0 =	sne.s32 s0, $0xF;
	s7 =	sor.u32 s0, s1  }
0x9: {  	s1 =	rddreg [dreg:$0x3];
	_ =	strace $0x80000047;
	s10 =	sshrl.u32 s8, $0x1  }
0xa: {  	s7 =	smul.u32 $0x500, s7;
	s8 =	ssub.s32 s8, s10;
	s29 =	sshrl.u32 s9, $0x2  }
0xb: {  	s30 =	sshrl.u32 s11, $0x3;
	s31 =	sadd.s32 s28, s11;
	s10 =	simm.s32 $0x2  }
0xc: {  	s11 =	simm.s32 $0x3000;
	s5 =	sadd.s32 s29, s2;
	s9 =	sshrl.u32 s31, $0x3  }
0xd: {  	s8 =	smax.u32 s8, $0x1;
	s4 =	sadd.s32 s4, s7;
	s7 =	sadd.s32 s12, s30  }
0xe: {  	v0 =	vimm.f32 $0.0e+00;
	v1 =	vimm.f32 $1.000000000e+00;
	s9 =	sadd.s32 s9, s12;
	s12 =	simm.s32 $0x80;
	s7 =	sadd.s32 $0x4E00, s7  }
.LBB2_1:
0xf: {  	[tilespmem:s3], [sflag:$0x2] =	stream.linear.gather [hbm4b:s4+s3], $0x2800, $0x38;
	[tilespmem:$0x5820] =	vst v63  }
0x10: {  	_ =	swait.ge [sflag:s10], $0x2800  }
0x11: {  	[sflag:s10] =	ssyncset.done $0x0  }
0x12: {  	[sflag:s10] =	ssyncadd.s32 $0xFFFFD800  }
0x13: {  	[tilespmem:$0x3000] =	vst v0  }
0x14: {  	[tilespmem:$0x3010] =	vst v0  }
0x15: {  	[tilespmem:$0x3020] =	vst v0  }
0x16: {  	[tilespmem:$0x3030] =	vst v0  }
0x17: {  	[tilespmem:$0x3040] =	vst v0  }
0x18: {  	[tilespmem:$0x3050] =	vst v0  }
0x19: {  	[tilespmem:$0x3060] =	vst v0  }
0x1a: {  	[tilespmem:$0x3070] =	vst v0  }
0x1b: {  	[tilespmem:$0x3080] =	vst v0  }
0x1c: {  	[tilespmem:$0x3090] =	vst v0  }
0x1d: {  	[tilespmem:$0x30A0] =	vst v0  }
0x1e: {  	[tilespmem:$0x30B0] =	vst v0  }
0x1f: {  	[tilespmem:$0x30C0] =	vst v0  }
0x20: {  	[tilespmem:$0x30D0] =	vst v0  }
0x21: {  	[tilespmem:$0x30E0] =	vst v0  }
0x22: {  	s16 =	simm.s32 $0x0;
	[tilespmem:$0x30F0] =	vst v0  }
.LBB2_2:
0x23: {  	p1 =	sne.s32 s16, $0x1FC0  }
.Ltmp0:
0x24: {  	_ = 	snop;
	(pc) =	sbr.rel @p1 .LBB2_2-.Ltmp0, $3  }
0x25: {  	_ =	sdelay $0x1  }
0x26: {  	s17 =	sshra.s32 s16, $0x2  }
0x27: {  	s16 =	sadd.s32 $0x40, s16;
	[tilespmem:s17+$0x2800] =	vst v1  }
0x28: {  	s16 =	sadd.s32 $0x0, s5  }
0x29: {  	[spmem:s16] =	stream.linear.scatter [tilespmem:s11], [sflag:$0x2], $0x100, $0x38;
	[tilespmem:$0x5820] =	vst v63  }
0x2a: {  	s16 =	simm.s32 $0x400;
	_ =	swait.ge [sflag:s10], $0x100  }
.LBB2_4:
0x2b: {  	s17 =	sshra.s32 s16, $0x2;
	[sflag:s10] =	ssyncset.done $0x0;
	p1 =	sne.s32 s16, $0x9800  }
.Ltmp1:
0x2c: {  	s17 =	sadd.s32 s17, s5;
	[sflag:s10] =	ssyncadd.s32 $0xFFFFFF00;
	(pc) =	sbr.rel @p1 .LBB2_4-.Ltmp1, $3  }
0x2d: {  	[spmem:s17] =	stream.linear.scatter [tilespmem:s11], [sflag:$0x2], $0x100, $0x38;
	[tilespmem:$0x5820] =	vst v63  }
0x2e: {  	s16 =	sadd.s32 $0x400, s16;
	_ =	sdelay $0x1  }
0x2f: {  	_ =	swait.ge [sflag:s10], $0x100  }
0x30: {  	[sflag:s10] =	ssyncset.done $0x0  }
0x31: {  	s16 =	simm.s32 @!p0 $0x3000;
	[sflag:s10] =	ssyncadd.s32 $0xFFFFFF00  }
0x32: {  	[spmem:s6] =	stream.linear.scatter @!p0 [tilespmem:s16], [sflag:$0x2], $0x100, $0x38;
	[tilespmem:$0x5820] =	vst v63  }
0x33: {  	s16 =	simm.s32 @!p0 $0x2  }
0x34: {  	_ =	swait.ge @!p0 [sflag:s16], $0x100  }
0x35: {  	[sflag:s16] =	ssyncset.done @!p0 $0x0  }
0x36: {  	[sflag:s16] =	ssyncadd.s32 @!p0 $0xFFFFFF00  }
0x37: {  	s30 =	simm.s32 $0x0;
	[bflag:$0x0] =	sbarrier.arrive $0xFFFF  }
0x38: {  	[spmem:s2] =	stream.indirect.scatter.add.f32 [tilespmem:s13], [sflag:$0x1], $0x10, s30, s12, $0xb8;
	[tilespmem:$0x5820] =	vst v63  }
0x39: {  	s31 =	simm.s32 $0x80  }
0x3a: {  	[spmem:s2] =	stream.indirect.scatter.add.f32 [tilespmem:s13], [sflag:$0x1], $0x10, s31, s12, $0xb8;
	[tilespmem:$0x5820] =	vst v63  }
0x3b: {  	s17 =	simm.s32 $0x100  }
0x3c: {  	[spmem:s2] =	stream.indirect.scatter.add.f32 [tilespmem:s13], [sflag:$0x1], $0x10, s17, s12, $0xb8;
	[tilespmem:$0x5820] =	vst v63  }
0x3d: {  	s18 =	simm.s32 $0x180  }
0x3e: {  	[spmem:s2] =	stream.indirect.scatter.add.f32 [tilespmem:s13], [sflag:$0x1], $0x10, s18, s12, $0xb8;
	[tilespmem:$0x5820] =	vst v63  }
0x3f: {  	s19 =	simm.s32 $0x200  }
0x40: {  	[spmem:s2] =	stream.indirect.scatter.add.f32 [tilespmem:s13], [sflag:$0x1], $0x10, s19, s12, $0xb8;
	[tilespmem:$0x5820] =	vst v63  }
0x41: {  	s20 =	simm.s32 $0x280  }
0x42: {  	[spmem:s2] =	stream.indirect.scatter.add.f32 [tilespmem:s13], [sflag:$0x1], $0x10, s20, s12, $0xb8;
	[tilespmem:$0x5820] =	vst v63  }
0x43: {  	s21 =	simm.s32 $0x300  }
0x44: {  	[spmem:s2] =	stream.indirect.scatter.add.f32 [tilespmem:s13], [sflag:$0x1], $0x10, s21, s12, $0xb8;
	[tilespmem:$0x5820] =	vst v63  }
0x45: {  	s22 =	simm.s32 $0x380  }
0x46: {  	[spmem:s2] =	stream.indirect.scatter.add.f32 [tilespmem:s13], [sflag:$0x1], $0x10, s22, s12, $0xb8;
	[tilespmem:$0x5820] =	vst v63  }
0x47: {  	s23 =	simm.s32 $0x400  }
0x48: {  	[spmem:s2] =	stream.indirect.scatter.add.f32 [tilespmem:s13], [sflag:$0x1], $0x10, s23, s12, $0xb8;
	[tilespmem:$0x5820] =	vst v63  }
0x49: {  	s24 =	simm.s32 $0x480  }
0x4a: {  	[spmem:s2] =	stream.indirect.scatter.add.f32 [tilespmem:s13], [sflag:$0x1], $0x10, s24, s12, $0xb8;
	[tilespmem:$0x5820] =	vst v63  }
0x4b: {  	s25 =	simm.s32 $0x500  }
0x4c: {  	[spmem:s2] =	stream.indirect.scatter.add.f32 [tilespmem:s13], [sflag:$0x1], $0x10, s25, s12, $0xb8;
	[tilespmem:$0x5820] =	vst v63  }
0x4d: {  	s26 =	simm.s32 $0x580  }
0x4e: {  	[spmem:s2] =	stream.indirect.scatter.add.f32 [tilespmem:s13], [sflag:$0x1], $0x10, s26, s12, $0xb8;
	[tilespmem:$0x5820] =	vst v63  }
0x4f: {  	s28 =	simm.s32 $0x600  }
0x50: {  	[spmem:s2] =	stream.indirect.scatter.add.f32 [tilespmem:s13], [sflag:$0x1], $0x10, s28, s12, $0xb8;
	[tilespmem:$0x5820] =	vst v63  }
0x51: {  	s29 =	simm.s32 $0x680  }
0x52: {  	[spmem:s2] =	stream.indirect.scatter.add.f32 [tilespmem:s13], [sflag:$0x1], $0x10, s29, s12, $0xb8;
	[tilespmem:$0x5820] =	vst v63  }
0x53: {  	s30 =	simm.s32 $0x700  }
0x54: {  	[spmem:s2] =	stream.indirect.scatter.add.f32 [tilespmem:s13], [sflag:$0x1], $0x10, s30, s12, $0xb8;
	[tilespmem:$0x5820] =	vst v63  }
0x55: {  	s31 =	simm.s32 $0x780  }
0x56: {  	[spmem:s2] =	stream.indirect.scatter.add.f32 [tilespmem:s13], [sflag:$0x1], $0x10, s31, s12, $0xb8;
	[tilespmem:$0x5820] =	vst v63  }
0x57: {  	_ =	swait.ge [sflag:s14], $0x800  }
0x58: {  	[sflag:s14] =	ssyncset.done $0x0  }
0x59: {  	[sflag:s14] =	ssyncadd.s32 $0xFFFFF800  }
0x5a: {  	_ =	swait.ge [sflag:s14], $0x800  }
0x5b: {  	[sflag:s14] =	ssyncset.done $0x0  }
0x5c: {  	[sflag:s14] =	ssyncadd.s32 $0xFFFFF800  }
0x5d: {  	_ =	swait.ge [sflag:s14], $0x800  }
0x5e: {  	[sflag:s14] =	ssyncset.done $0x0  }
0x5f: {  	[sflag:s14] =	ssyncadd.s32 $0xFFFFF800  }
0x60: {  	_ =	swait.ge [sflag:s14], $0x800  }
0x61: {  	[sflag:s14] =	ssyncset.done $0x0  }
0x62: {  	[sflag:s14] =	ssyncadd.s32 $0xFFFFF800  }
0x63: {  	_ =	swait.ge [sflag:s14], $0x800  }
0x64: {  	[sflag:s14] =	ssyncset.done $0x0  }
0x65: {  	[sflag:s14] =	ssyncadd.s32 $0xFFFFF800  }
0x66: {  	_ =	swait.ge [sflag:s14], $0x800  }
0x67: {  	[sflag:s14] =	ssyncset.done $0x0  }
0x68: {  	[sflag:s14] =	ssyncadd.s32 $0xFFFFF800  }
0x69: {  	_ =	swait.ge [sflag:s14], $0x800  }
0x6a: {  	[sflag:s14] =	ssyncset.done $0x0  }
0x6b: {  	[sflag:s14] =	ssyncadd.s32 $0xFFFFF800  }
0x6c: {  	_ =	swait.ge [sflag:s14], $0x800  }
0x6d: {  	[sflag:s14] =	ssyncset.done $0x0  }
0x6e: {  	[sflag:s14] =	ssyncadd.s32 $0xFFFFF800  }
0x6f: {  	_ =	swait.ge [sflag:s14], $0x800  }
0x70: {  	[sflag:s14] =	ssyncset.done $0x0  }
0x71: {  	[sflag:s14] =	ssyncadd.s32 $0xFFFFF800  }
0x72: {  	_ =	swait.ge [sflag:s14], $0x800  }
0x73: {  	[sflag:s14] =	ssyncset.done $0x0  }
0x74: {  	[sflag:s14] =	ssyncadd.s32 $0xFFFFF800  }
0x75: {  	_ =	swait.ge [sflag:s14], $0x800  }
0x76: {  	[sflag:s14] =	ssyncset.done $0x0  }
0x77: {  	[sflag:s14] =	ssyncadd.s32 $0xFFFFF800  }
0x78: {  	_ =	swait.ge [sflag:s14], $0x800  }
0x79: {  	[sflag:s14] =	ssyncset.done $0x0  }
0x7a: {  	[sflag:s14] =	ssyncadd.s32 $0xFFFFF800  }
0x7b: {  	_ =	swait.ge [sflag:s14], $0x800  }
0x7c: {  	[sflag:s14] =	ssyncset.done $0x0  }
0x7d: {  	[sflag:s14] =	ssyncadd.s32 $0xFFFFF800  }
0x7e: {  	_ =	swait.ge [sflag:s14], $0x800  }
0x7f: {  	[sflag:s14] =	ssyncset.done $0x0  }
0x80: {  	[sflag:s14] =	ssyncadd.s32 $0xFFFFF800  }
0x81: {  	_ =	swait.ge [sflag:s14], $0x800  }
0x82: {  	[sflag:s14] =	ssyncset.done $0x0  }
0x83: {  	[sflag:s14] =	ssyncadd.s32 $0xFFFFF800  }
0x84: {  	_ =	swait.ge [sflag:s14], $0x800  }
0x85: {  	s16 =	simm.s32 $0x2000;
	s19 =	simm.s32 $0x4000;
	[sflag:s14] =	ssyncset.done $0x0  }
.LBB2_6:
0x86: {  	s18 =	sshra.s32 s16, $0x2  }
0x87: {  	[sflag:s14] =	ssyncadd.s32 $0xFFFFF800;
	s16 =	smov.u32 s19;
	s17 =	sadd.s32 $0x2000, s19  }
0x88: {  	[spmem:s2] =	stream.indirect.scatter.add.f32 [tilespmem:s13], [sflag:$0x1], $0x10, s18, s12, $0xb8;
	[tilespmem:$0x5820] =	vst v63  }
0x89: {  	p1 =	sne.s32 s19, $0x8000;
	s19 =	sadd.s32 $0x80, s18  }
0x8a: {  	[spmem:s2] =	stream.indirect.scatter.add.f32 [tilespmem:s13], [sflag:$0x1], $0x10, s19, s12, $0xb8;
	[tilespmem:$0x5820] =	vst v63  }
0x8b: {  	s19 =	sadd.s32 $0x100, s18  }
0x8c: {  	[spmem:s2] =	stream.indirect.scatter.add.f32 [tilespmem:s13], [sflag:$0x1], $0x10, s19, s12, $0xb8;
	[tilespmem:$0x5820] =	vst v63  }
0x8d: {  	s19 =	sadd.s32 $0x180, s18  }
0x8e: {  	[spmem:s2] =	stream.indirect.scatter.add.f32 [tilespmem:s13], [sflag:$0x1], $0x10, s19, s12, $0xb8;
	[tilespmem:$0x5820] =	vst v63  }
0x8f: {  	s19 =	sadd.s32 $0x200, s18  }
0x90: {  	[spmem:s2] =	stream.indirect.scatter.add.f32 [tilespmem:s13], [sflag:$0x1], $0x10, s19, s12, $0xb8;
	[tilespmem:$0x5820] =	vst v63  }
0x91: {  	s19 =	sadd.s32 $0x280, s18  }
0x92: {  	[spmem:s2] =	stream.indirect.scatter.add.f32 [tilespmem:s13], [sflag:$0x1], $0x10, s19, s12, $0xb8;
	[tilespmem:$0x5820] =	vst v63  }
0x93: {  	s19 =	sadd.s32 $0x300, s18  }
0x94: {  	[spmem:s2] =	stream.indirect.scatter.add.f32 [tilespmem:s13], [sflag:$0x1], $0x10, s19, s12, $0xb8;
	[tilespmem:$0x5820] =	vst v63  }
0x95: {  	s19 =	sadd.s32 $0x380, s18  }
0x96: {  	[spmem:s2] =	stream.indirect.scatter.add.f32 [tilespmem:s13], [sflag:$0x1], $0x10, s19, s12, $0xb8;
	[tilespmem:$0x5820] =	vst v63  }
0x97: {  	s19 =	sadd.s32 $0x400, s18  }
0x98: {  	[spmem:s2] =	stream.indirect.scatter.add.f32 [tilespmem:s13], [sflag:$0x1], $0x10, s19, s12, $0xb8;
	[tilespmem:$0x5820] =	vst v63  }
0x99: {  	s19 =	sadd.s32 $0x480, s18  }
0x9a: {  	[spmem:s2] =	stream.indirect.scatter.add.f32 [tilespmem:s13], [sflag:$0x1], $0x10, s19, s12, $0xb8;
	[tilespmem:$0x5820] =	vst v63  }
0x9b: {  	s19 =	sadd.s32 $0x500, s18  }
0x9c: {  	[spmem:s2] =	stream.indirect.scatter.add.f32 [tilespmem:s13], [sflag:$0x1], $0x10, s19, s12, $0xb8;
	[tilespmem:$0x5820] =	vst v63  }
0x9d: {  	s19 =	sadd.s32 $0x580, s18  }
0x9e: {  	[spmem:s2] =	stream.indirect.scatter.add.f32 [tilespmem:s13], [sflag:$0x1], $0x10, s19, s12, $0xb8;
	[tilespmem:$0x5820] =	vst v63  }
0x9f: {  	s19 =	sadd.s32 $0x600, s18  }
0xa0: {  	[spmem:s2] =	stream.indirect.scatter.add.f32 [tilespmem:s13], [sflag:$0x1], $0x10, s19, s12, $0xb8;
	[tilespmem:$0x5820] =	vst v63  }
0xa1: {  	s19 =	sadd.s32 $0x680, s18  }
0xa2: {  	[spmem:s2] =	stream.indirect.scatter.add.f32 [tilespmem:s13], [sflag:$0x1], $0x10, s19, s12, $0xb8;
	[tilespmem:$0x5820] =	vst v63  }
0xa3: {  	s19 =	sadd.s32 $0x700, s18  }
0xa4: {  	[spmem:s2] =	stream.indirect.scatter.add.f32 [tilespmem:s13], [sflag:$0x1], $0x10, s19, s12, $0xb8;
	[tilespmem:$0x5820] =	vst v63  }
0xa5: {  	s18 =	sadd.s32 $0x780, s18  }
0xa6: {  	[spmem:s2] =	stream.indirect.scatter.add.f32 [tilespmem:s13], [sflag:$0x1], $0x10, s18, s12, $0xb8;
	[tilespmem:$0x5820] =	vst v63  }
0xa7: {  	_ =	swait.ge [sflag:s14], $0x800  }
0xa8: {  	[sflag:s14] =	ssyncset.done $0x0  }
0xa9: {  	[sflag:s14] =	ssyncadd.s32 $0xFFFFF800  }
0xaa: {  	_ =	swait.ge [sflag:s14], $0x800  }
0xab: {  	[sflag:s14] =	ssyncset.done $0x0  }
0xac: {  	[sflag:s14] =	ssyncadd.s32 $0xFFFFF800  }
0xad: {  	_ =	swait.ge [sflag:s14], $0x800  }
0xae: {  	[sflag:s14] =	ssyncset.done $0x0  }
0xaf: {  	[sflag:s14] =	ssyncadd.s32 $0xFFFFF800  }
0xb0: {  	_ =	swait.ge [sflag:s14], $0x800  }
0xb1: {  	[sflag:s14] =	ssyncset.done $0x0  }
0xb2: {  	[sflag:s14] =	ssyncadd.s32 $0xFFFFF800  }
0xb3: {  	_ =	swait.ge [sflag:s14], $0x800  }
0xb4: {  	[sflag:s14] =	ssyncset.done $0x0  }
0xb5: {  	[sflag:s14] =	ssyncadd.s32 $0xFFFFF800  }
0xb6: {  	_ =	swait.ge [sflag:s14], $0x800  }
0xb7: {  	[sflag:s14] =	ssyncset.done $0x0  }
0xb8: {  	[sflag:s14] =	ssyncadd.s32 $0xFFFFF800  }
0xb9: {  	_ =	swait.ge [sflag:s14], $0x800  }
0xba: {  	[sflag:s14] =	ssyncset.done $0x0  }
0xbb: {  	[sflag:s14] =	ssyncadd.s32 $0xFFFFF800  }
0xbc: {  	_ =	swait.ge [sflag:s14], $0x800  }
0xbd: {  	[sflag:s14] =	ssyncset.done $0x0  }
0xbe: {  	[sflag:s14] =	ssyncadd.s32 $0xFFFFF800  }
0xbf: {  	_ =	swait.ge [sflag:s14], $0x800  }
0xc0: {  	[sflag:s14] =	ssyncset.done $0x0  }
0xc1: {  	[sflag:s14] =	ssyncadd.s32 $0xFFFFF800  }
0xc2: {  	_ =	swait.ge [sflag:s14], $0x800  }
0xc3: {  	[sflag:s14] =	ssyncset.done $0x0  }
0xc4: {  	[sflag:s14] =	ssyncadd.s32 $0xFFFFF800  }
0xc5: {  	_ =	swait.ge [sflag:s14], $0x800  }
0xc6: {  	[sflag:s14] =	ssyncset.done $0x0  }
0xc7: {  	[sflag:s14] =	ssyncadd.s32 $0xFFFFF800  }
0xc8: {  	_ =	swait.ge [sflag:s14], $0x800  }
0xc9: {  	[sflag:s14] =	ssyncset.done $0x0  }
0xca: {  	[sflag:s14] =	ssyncadd.s32 $0xFFFFF800  }
0xcb: {  	_ =	swait.ge [sflag:s14], $0x800  }
0xcc: {  	[sflag:s14] =	ssyncset.done $0x0  }
0xcd: {  	[sflag:s14] =	ssyncadd.s32 $0xFFFFF800  }
0xce: {  	_ =	swait.ge [sflag:s14], $0x800  }
0xcf: {  	[sflag:s14] =	ssyncset.done $0x0  }
0xd0: {  	[sflag:s14] =	ssyncadd.s32 $0xFFFFF800  }
.Ltmp2:
0xd1: {  	_ =	swait.ge [sflag:s14], $0x800;
	(pc) =	sbr.rel @p1 .LBB2_6-.Ltmp2, $4  }
0xd2: {  	[sflag:s14] =	ssyncset.done $0x0  }
0xd3: {  	[sflag:s14] =	ssyncadd.s32 $0xFFFFF800  }
0xd4: {  	_ =	swait.ge [sflag:s14], $0x800  }
0xd5: {  	s19 =	smov.u32 s17;
	[sflag:s14] =	ssyncset.done $0x0  }
0xd6: {  	s16 =	sshra.s32 s16, $0x2;
	[sflag:s14] =	ssyncadd.s32 $0xFFFFF800  }
0xd7: {  	[spmem:s2] =	stream.indirect.scatter.add.f32 [tilespmem:s13], [sflag:$0x1], $0x10, s16, s12, $0xb8;
	[tilespmem:$0x5820] =	vst v63  }
0xd8: {  	s17 =	sadd.s32 $0x80, s16  }
0xd9: {  	[spmem:s2] =	stream.indirect.scatter.add.f32 [tilespmem:s13], [sflag:$0x1], $0x10, s17, s12, $0xb8;
	[tilespmem:$0x5820] =	vst v63  }
0xda: {  	s31 =	sadd.s32 $0x100, s16  }
0xdb: {  	[spmem:s2] =	stream.indirect.scatter.add.f32 [tilespmem:s13], [sflag:$0x1], $0x10, s31, s12, $0xb8;
	[tilespmem:$0x5820] =	vst v63  }
0xdc: {  	s18 =	sadd.s32 $0x180, s16  }
0xdd: {  	[spmem:s2] =	stream.indirect.scatter.add.f32 [tilespmem:s13], [sflag:$0x1], $0x10, s18, s12, $0xb8;
	[tilespmem:$0x5820] =	vst v63  }
0xde: {  	s19 =	sadd.s32 $0x200, s16  }
0xdf: {  	[spmem:s2] =	stream.indirect.scatter.add.f32 [tilespmem:s13], [sflag:$0x1], $0x10, s19, s12, $0xb8;
	[tilespmem:$0x5820] =	vst v63  }
0xe0: {  	s20 =	sadd.s32 $0x280, s16  }
0xe1: {  	[spmem:s2] =	stream.indirect.scatter.add.f32 [tilespmem:s13], [sflag:$0x1], $0x10, s20, s12, $0xb8;
	[tilespmem:$0x5820] =	vst v63  }
0xe2: {  	s21 =	sadd.s32 $0x300, s16  }
0xe3: {  	[spmem:s2] =	stream.indirect.scatter.add.f32 [tilespmem:s13], [sflag:$0x1], $0x10, s21, s12, $0xb8;
	[tilespmem:$0x5820] =	vst v63  }
0xe4: {  	s22 =	sadd.s32 $0x380, s16  }
0xe5: {  	[spmem:s2] =	stream.indirect.scatter.add.f32 [tilespmem:s13], [sflag:$0x1], $0x10, s22, s12, $0xb8;
	[tilespmem:$0x5820] =	vst v63  }
0xe6: {  	s23 =	sadd.s32 $0x400, s16  }
0xe7: {  	[spmem:s2] =	stream.indirect.scatter.add.f32 [tilespmem:s13], [sflag:$0x1], $0x10, s23, s12, $0xb8;
	[tilespmem:$0x5820] =	vst v63  }
0xe8: {  	s24 =	sadd.s32 $0x480, s16  }
0xe9: {  	[spmem:s2] =	stream.indirect.scatter.add.f32 [tilespmem:s13], [sflag:$0x1], $0x10, s24, s12, $0xb8;
	[tilespmem:$0x5820] =	vst v63  }
0xea: {  	s25 =	sadd.s32 $0x500, s16  }
0xeb: {  	[spmem:s2] =	stream.indirect.scatter.add.f32 [tilespmem:s13], [sflag:$0x1], $0x10, s25, s12, $0xb8;
	[tilespmem:$0x5820] =	vst v63  }
0xec: {  	s26 =	sadd.s32 $0x580, s16  }
0xed: {  	[spmem:s2] =	stream.indirect.scatter.add.f32 [tilespmem:s13], [sflag:$0x1], $0x10, s26, s12, $0xb8;
	[tilespmem:$0x5820] =	vst v63  }
0xee: {  	s28 =	sadd.s32 $0x600, s16  }
0xef: {  	[spmem:s2] =	stream.indirect.scatter.add.f32 [tilespmem:s13], [sflag:$0x1], $0x10, s28, s12, $0xb8;
	[tilespmem:$0x5820] =	vst v63  }
0xf0: {  	s29 =	sadd.s32 $0x680, s16  }
0xf1: {  	[spmem:s2] =	stream.indirect.scatter.add.f32 [tilespmem:s13], [sflag:$0x1], $0x10, s29, s12, $0xb8;
	[tilespmem:$0x5820] =	vst v63  }
0xf2: {  	s30 =	sadd.s32 $0x700, s16  }
0xf3: {  	[spmem:s2] =	stream.indirect.scatter.add.f32 [tilespmem:s13], [sflag:$0x1], $0x10, s30, s12, $0xb8;
	[tilespmem:$0x5820] =	vst v63  }
0xf4: {  	s16 =	sadd.s32 $0x780, s16  }
0xf5: {  	[spmem:s2] =	stream.indirect.scatter.add.f32 [tilespmem:s13], [sflag:$0x1], $0x10, s16, s12, $0xb8;
	[tilespmem:$0x5820] =	vst v63  }
0xf6: {  	_ =	swait.ge [sflag:s14], $0x800  }
0xf7: {  	[sflag:s14] =	ssyncset.done $0x0  }
0xf8: {  	[sflag:s14] =	ssyncadd.s32 $0xFFFFF800  }
0xf9: {  	_ =	swait.ge [sflag:s14], $0x800  }
0xfa: {  	[sflag:s14] =	ssyncset.done $0x0  }
0xfb: {  	[sflag:s14] =	ssyncadd.s32 $0xFFFFF800  }
0xfc: {  	_ =	swait.ge [sflag:s14], $0x800  }
0xfd: {  	[sflag:s14] =	ssyncset.done $0x0  }
0xfe: {  	[sflag:s14] =	ssyncadd.s32 $0xFFFFF800  }
0xff: {  	_ =	swait.ge [sflag:s14], $0x800  }
0x100: {  	[sflag:s14] =	ssyncset.done $0x0  }
0x101: {  	[sflag:s14] =	ssyncadd.s32 $0xFFFFF800  }
0x102: {  	_ =	swait.ge [sflag:s14], $0x800  }
0x103: {  	[sflag:s14] =	ssyncset.done $0x0  }
0x104: {  	[sflag:s14] =	ssyncadd.s32 $0xFFFFF800  }
0x105: {  	_ =	swait.ge [sflag:s14], $0x800  }
0x106: {  	[sflag:s14] =	ssyncset.done $0x0  }
0x107: {  	[sflag:s14] =	ssyncadd.s32 $0xFFFFF800  }
0x108: {  	_ =	swait.ge [sflag:s14], $0x800  }
0x109: {  	[sflag:s14] =	ssyncset.done $0x0  }
0x10a: {  	[sflag:s14] =	ssyncadd.s32 $0xFFFFF800  }
0x10b: {  	_ =	swait.ge [sflag:s14], $0x800  }
0x10c: {  	[sflag:s14] =	ssyncset.done $0x0  }
0x10d: {  	[sflag:s14] =	ssyncadd.s32 $0xFFFFF800  }
0x10e: {  	_ =	swait.ge [sflag:s14], $0x800  }
0x10f: {  	[sflag:s14] =	ssyncset.done $0x0  }
0x110: {  	[sflag:s14] =	ssyncadd.s32 $0xFFFFF800  }
0x111: {  	_ =	swait.ge [sflag:s14], $0x800  }
0x112: {  	[sflag:s14] =	ssyncset.done $0x0  }
0x113: {  	[sflag:s14] =	ssyncadd.s32 $0xFFFFF800  }
0x114: {  	_ =	swait.ge [sflag:s14], $0x800  }
0x115: {  	[sflag:s14] =	ssyncset.done $0x0  }
0x116: {  	[sflag:s14] =	ssyncadd.s32 $0xFFFFF800  }
0x117: {  	_ =	swait.ge [sflag:s14], $0x800  }
0x118: {  	[sflag:s14] =	ssyncset.done $0x0  }
0x119: {  	[sflag:s14] =	ssyncadd.s32 $0xFFFFF800  }
0x11a: {  	_ =	swait.ge [sflag:s14], $0x800  }
0x11b: {  	[sflag:s14] =	ssyncset.done $0x0  }
0x11c: {  	[sflag:s14] =	ssyncadd.s32 $0xFFFFF800  }
0x11d: {  	_ =	swait.ge [sflag:s14], $0x800  }
0x11e: {  	[sflag:s14] =	ssyncset.done $0x0  }
0x11f: {  	[sflag:s14] =	ssyncadd.s32 $0xFFFFF800  }
0x120: {  	_ =	swait.ge [sflag:s14], $0x800  }
0x121: {  	[sflag:s14] =	ssyncset.done $0x0  }
0x122: {  	[sflag:s14] =	ssyncadd.s32 $0xFFFFF800  }
0x123: {  	_ =	swait.ge [sflag:s14], $0x800  }
0x124: {  	[sflag:s14] =	ssyncset.done $0x0  }
0x125: {  	[sflag:s14] =	ssyncadd.s32 $0xFFFFF800  }
0x126: {  	[bflag:$0x0] =	sbarrier.arrive $0xFFFF  }
0x127: {  	[tilespmem:s11], [sflag:$0x2] =	stream.linear.gather [spmem:s5], $0x100, $0x38;
	[tilespmem:$0x5820] =	vst v63  }
0x128: {  	_ =	swait.ge [sflag:s10], $0x100  }
0x129: {  	[sflag:s10] =	ssyncset.done $0x0  }
0x12a: {  	s31 =	sadd.s32 $0x0, s9;
	[sflag:s10] =	ssyncadd.s32 $0xFFFFFF00  }
0x12b: {  	[hbm4b:s31+s3] =	stream.linear.scatter [tilespmem:s11], [sflag:$0x2], $0x100, $0x38;
	[tilespmem:$0x5820] =	vst v63  }
0x12c: {  	_ =	swait.ge [sflag:s10], $0x100  }
0x12d: {  	s17 =	smov.u32 s5;
	s16 =	simm.s32 $0x20;
	[sflag:s10] =	ssyncset.done $0x0  }
.LBB2_8:
0x12e: {  	p1 =	sne.s32 s16, $0x4C0;
	[sflag:s10] =	ssyncadd.s32 $0xFFFFFF00;
	s17 =	sadd.s32 $0x100, s17  }
0x12f: {  	[tilespmem:s11], [sflag:$0x2] =	stream.linear.gather [spmem:s17], $0x100, $0x38;
	[tilespmem:$0x5820] =	vst v63  }
0x130: {  	s18 =	smov.u32 s16;
	s16 =	sadd.s32 $0x20, s16;
	_ =	swait.ge [sflag:s10], $0x100  }
.Ltmp3:
0x131: {  	[sflag:s10] =	ssyncset.done $0x0;
	(pc) =	sbr.rel @p1 .LBB2_8-.Ltmp3, $4  }
0x132: {  	s18 =	sadd.s32 s18, s9;
	[sflag:s10] =	ssyncadd.s32 $0xFFFFFF00  }
0x133: {  	[hbm4b:s18+s3] =	stream.linear.scatter [tilespmem:s11], [sflag:$0x2], $0x100, $0x38;
	[tilespmem:$0x5820] =	vst v63  }
0x134: {  	_ =	swait.ge [sflag:s10], $0x100  }
0x135: {  	[sflag:s10] =	ssyncset.done $0x0  }
0x136: {  	[sflag:s10] =	ssyncadd.s32 $0xFFFFFF00;
	s16 =	simm.s32 @!p0 $0x3000;
	s17 =	simm.s32 @!p0 $0x2  }
0x137: {  	[tilespmem:s16], [sflag:$0x2] =	stream.linear.gather @!p0 [spmem:s6], $0x100, $0x38;
	[tilespmem:$0x5820] =	vst v63  }
0x138: {  	s15 =	sadd.s32 $0x1, s15;
	_ =	swait.ge @!p0 [sflag:s17], $0x100  }
0x139: {  	p1 =	sne.s32 s15, s8;
	[sflag:s17] =	ssyncset.done @!p0 $0x0  }
.Ltmp4:
0x13a: {  	s18 =	simm.s32 @!p0 $0x0;
	[sflag:s17] =	ssyncadd.s32 @!p0 $0xFFFFFF00;
	(pc) =	sbr.rel @p1 .LBB2_1-.Ltmp4, $4  }
0x13b: {  	[hbm4b:s7+s18] =	stream.linear.scatter @!p0 [tilespmem:s16], [sflag:$0x2], $0x100, $0x38;
	[tilespmem:$0x5820] =	vst v63  }
0x13c: {  	_ =	swait.ge @!p0 [sflag:s17], $0x100  }
0x13d: {  	[sflag:s17] =	ssyncset.done @!p0 $0x0  }
0x13e: {  	[sflag:s17] =	ssyncadd.s32 @!p0 $0xFFFFFF00  }
0x13f: {  	_ =	sfence.sel $0x180000  }
0x140: {  	[bflag:$0x0] =	sbarrier.arrive $0xFFFF  }
0x141: {  	p0 =	sne.s32 s0, $0x0;
	_ =	strace $0x90000047  }
0x142: {  	s0 =	sadd.s32 @!p0 $0x100000, s1;
	[bflag:$0x2] =	sbarrier.arrive $0xFFFF  }
0x143: {  	[sflag:s0] =	ssyncadd.tile.s32 @!p0 $0x1;
	_ =	shalt  }
.Lfunc_end2:
_tile_overlayer_lowered:
.L_overlay_start_2:
0x144: {  	(tag) =	ssettag $0x2  }
0x145: {  	s0 =	rddreg [dreg:$0x0];
	s2 =	stileid.u32  }
0x146: {  	s1 =	rddreg [dreg:$0x1];
	p0 =	sne.s32 s2, $0x0  }
0x147: {  	s3 =	rddreg [dreg:$0x2];
	[bflag:$0x3] =	sbarrier.arrive $0xFFFF;
	s2 =	simm.s32 @!p0 $0x1C02  }
0x148: {  	[timem:s3], [sflag:s2] =	dma.local @!p0 [hbm:s0], s1  }
0x149: {  	s0 =	simm.s32 @!p0 $0x2  }
0x14a: {  	_ =	swait.ge @!p0 [sflag:s0], s1  }
0x14b: {  	s1 =	ssub.s32 @!p0 $0x0, s1;
	[sflag:s0] =	ssyncset.done @!p0 $0x0  }
0x14c: {  	[sflag:s0] =	ssyncadd.s32 @!p0 s1  }
0x14d: {  	[bflag:$0x3] =	sbarrier.arrive $0xFFFF  }
0x14e: {  	_ =	shalt  }

</sc_bundles>
